<compile_context>
chip_gen: v7x
topology: tpu7x:2x2x1
jax: 0.10.2.dev20260603
libtpu: 0.0.44.dev20260713+nightly
codegen_flags: <defaults>
</compile_context>

<pallas_src>
import functools

import jax
import jax.numpy as jnp
from jax import lax
from jax.experimental import pallas as pl
from jax.experimental.pallas import tpu as pltpu
from jax.experimental.pallas import tpu_sc as plsc

N = 10000
D_IN = 256
D_HID = 256
D_OUT = 128
E = 160000

NTILES = 16
CH = 128
NPAD = 10240
EPAD = 163840
ROWS_PER_TILE = NPAD // NTILES
CHUNKS_PER_TILE = EPAD // (NTILES * CH)
MBLK = 1000
GRID_M = N // MBLK

_MESH = plsc.VectorSubcoreMesh(core_axis_name="c", subcore_axis_name="s",
                               num_cores=2, num_subcores=NTILES)


def _fill(ref, nrows, ncols, value):
    npc = ncols // 16
    v = jnp.full((16,), value, jnp.float32)

    def body(i, _):
        for k in range(npc):
            ref[i, pl.ds(k * 16, 16)] = v
        return 0

    lax.fori_loop(0, nrows, body, 0)


_HCH = CHUNKS_PER_TILE // 2


@functools.partial(
    pl.kernel,
    out_type=jax.ShapeDtypeStruct((2, NPAD, 128), jnp.float32),
    mesh=_MESH,
    scratch_types=[
        pltpu.VMEM((4, CH), jnp.int32),
        pltpu.VMEM((CH, 128), jnp.float32),
        pltpu.VMEM((CH, 128), jnp.float32),
        pltpu.VMEM_SHARED((NPAD, 128), jnp.float32),
    ] + [pltpu.SemaphoreType.DMA] * 9,
)
def _deg_kernel(dst_hbm, out_hbm, dst_v, ones_v, zero_v, acc_sh, *sems):
    dsem = sems[:4]
    ssem = sems[4:8]
    zsem = sems[8]
    c = lax.axis_index("c")
    s = lax.axis_index("s")
    _fill(ones_v, CH, 128, 1.0)
    _fill(zero_v, CH, 128, 0.0)
    base_row = s * ROWS_PER_TILE
    for z in range(ROWS_PER_TILE // CH):
        pltpu.async_copy(zero_v, acc_sh.at[pl.ds(base_row + z * CH, CH)],
                         zsem)
    for q in range(2):
        pltpu.async_copy(dst_hbm.at[c, s, q], dst_v.at[q], dsem[q])
    for z in range(ROWS_PER_TILE // CH):
        pltpu.make_async_copy(zero_v, acc_sh.at[pl.ds(base_row + z * CH, CH)],
                              zsem).wait()
    plsc.subcore_barrier()

    def body(t, _):
        for u in range(4):
            j = t * 4 + u
            pltpu.make_async_copy(dst_hbm.at[c, s, j], dst_v.at[u],
                                  dsem[u]).wait()
            pltpu.async_copy(ones_v, acc_sh.at[dst_v.at[u]], ssem[u],
                             add=True)

            @pl.when(j + 2 < _HCH)
            def _():
                @pl.when(j >= 2)
                def _():
                    pltpu.make_async_copy(ones_v,
                                          acc_sh.at[dst_v.at[(u + 2) % 4]],
                                          ssem[(u + 2) % 4]).wait()
                pltpu.async_copy(dst_hbm.at[c, s, j + 2],
                                 dst_v.at[(u + 2) % 4], dsem[(u + 2) % 4])
        return 0

    lax.fori_loop(0, _HCH // 4, body, 0)
    for q in range(4):
        pltpu.make_async_copy(ones_v, acc_sh.at[dst_v.at[q]],
                              ssem[q]).wait()
    plsc.subcore_barrier()
    pltpu.sync_copy(acc_sh.at[pl.ds(base_row, ROWS_PER_TILE)],
                    out_hbm.at[c, pl.ds(base_row, ROWS_PER_TILE)])


NBUF = 2


def _make_agg(dh, nch):
    @functools.partial(
        pl.kernel,
        out_type=jax.ShapeDtypeStruct((2, NPAD, dh), jnp.float32),
        mesh=_MESH,
        scratch_types=[
            pltpu.VMEM((nch, CH), jnp.int32),
            pltpu.VMEM((NBUF, CH), jnp.int32),
            pltpu.VMEM((NBUF, CH, dh), jnp.float32),
            pltpu.VMEM_SHARED((NPAD, dh), jnp.float32),
        ] + [pltpu.SemaphoreType.DMA] * (3 * NBUF + 1),
    )
    def agg(gtab_hbm, src_hbm, dst_hbm, out_hbm, src_v, dst_v, rows_v,
            acc_sh, *sems):
        gsem = sems[:NBUF]
        ssem = sems[NBUF:2 * NBUF]
        dsem = sems[2 * NBUF:3 * NBUF]
        zsem = sems[3 * NBUF]
        c = lax.axis_index("c")
        s = lax.axis_index("s")
        _fill(rows_v.at[0], CH, dh, 0.0)
        base_row = s * ROWS_PER_TILE
        for z in range(ROWS_PER_TILE // CH):
            pltpu.async_copy(rows_v.at[0],
                            acc_sh.at[pl.ds(base_row + z * CH, CH)], zsem)
        pltpu.sync_copy(src_hbm.at[c, s], src_v)
        for z in range(ROWS_PER_TILE // CH):
            pltpu.make_async_copy(
                rows_v.at[0], acc_sh.at[pl.ds(base_row + z * CH, CH)],
                zsem).wait()

        for b in range(NBUF):
            pltpu.async_copy(dst_hbm.at[c, s, b], dst_v.at[b], dsem[b])
            pltpu.async_copy(gtab_hbm.at[src_v.at[b]], rows_v.at[b], gsem[b])
        plsc.subcore_barrier()

        def step(t, _):
            for b in range(NBUF):
                j = t * NBUF + b
                pltpu.make_async_copy(gtab_hbm.at[src_v.at[j]], rows_v.at[b],
                                      gsem[b]).wait()
                pltpu.make_async_copy(dst_hbm.at[c, s, j], dst_v.at[b],
                                      dsem[b]).wait()
                pltpu.async_copy(rows_v.at[b], acc_sh.at[dst_v.at[b]],
                                 ssem[b], add=True)

                @pl.when(t < nch // NBUF - 1)
                def _():
                    pltpu.make_async_copy(rows_v.at[b],
                                          acc_sh.at[dst_v.at[b]],
                                          ssem[b]).wait()
                    pltpu.async_copy(dst_hbm.at[c, s, j + NBUF],
                                     dst_v.at[b], dsem[b])
                    pltpu.async_copy(gtab_hbm.at[src_v.at[j + NBUF]],
                                     rows_v.at[b], gsem[b])
            return 0

        lax.fori_loop(0, nch // NBUF, step, 0)
        for b in range(NBUF):
            pltpu.make_async_copy(rows_v.at[b], acc_sh.at[dst_v.at[b]],
                                  ssem[b]).wait()
        plsc.subcore_barrier()
        pltpu.sync_copy(acc_sh.at[pl.ds(base_row, ROWS_PER_TILE)],
                        out_hbm.at[c, pl.ds(base_row, ROWS_PER_TILE)])

    return agg


_agg128 = _make_agg(D_HID // 2, CHUNKS_PER_TILE)
_agg_l2 = _make_agg(D_OUT, CHUNKS_PER_TILE // 2)


def _dinv_block(deg_ref):
    d = deg_ref[0, 0, :] + deg_ref[0, 1, :] + 1.0
    return lax.rsqrt(d)[:, None]


def _tc0_body(x_ref, w0_ref, h_ref):
    h_ref[...] = jnp.dot(x_ref[...], w0_ref[...],
                         preferred_element_type=jnp.float32)


def _tc1_body(deg_ref, h_ref, g_ref):
    dinv = _dinv_block(deg_ref)
    g = h_ref[...] * dinv
    g_ref[0, :, :] = g[:, : D_HID // 2]
    g_ref[1, :, :] = g[:, D_HID // 2:]


def _tc2_body(deg_ref, s0_ref, g0_ref, b0_ref, w1_ref, g1_ref):
    dinv = _dinv_block(deg_ref)
    ya = (s0_ref[0, :, :] + g0_ref[0, :, :]) * dinv
    yb = (s0_ref[1, :, :] + g0_ref[1, :, :]) * dinv
    y = jnp.concatenate([ya, yb], axis=1) + b0_ref[...]
    out0 = jnp.maximum(y, 0.0)
    h1 = jnp.dot(out0, w1_ref[...], preferred_element_type=jnp.float32)
    g1_ref[...] = h1 * dinv


def _tc3_body(deg_ref, s1_ref, g1_ref, b1_ref, z_ref):
    dinv = _dinv_block(deg_ref)
    srow = s1_ref[0, :, :] + s1_ref[1, :, :] + g1_ref[...]
    z = srow * dinv + b1_ref[...]
    z_ref[...] = jnp.maximum(z, 0.0)


def _deg_spec():
    return pl.BlockSpec((1, 2, MBLK), lambda i: (i, 0, 0))


_tc0 = pl.pallas_call(
    _tc0_body,
    grid=(GRID_M,),
    in_specs=[
        pl.BlockSpec((MBLK, D_IN), lambda i: (i, 0)),
        pl.BlockSpec((D_IN, D_HID), lambda i: (0, 0)),
    ],
    out_specs=pl.BlockSpec((MBLK, D_HID), lambda i: (i, 0)),
    out_shape=jax.ShapeDtypeStruct((N, D_HID), jnp.float32),
)

_tc1 = pl.pallas_call(
    _tc1_body,
    grid=(GRID_M,),
    in_specs=[
        _deg_spec(),
        pl.BlockSpec((MBLK, D_HID), lambda i: (i, 0)),
    ],
    out_specs=pl.BlockSpec((2, MBLK, D_HID // 2), lambda i: (0, i, 0)),
    out_shape=jax.ShapeDtypeStruct((2, N, D_HID // 2), jnp.float32),
)

_tc2 = pl.pallas_call(
    _tc2_body,
    grid=(GRID_M,),
    in_specs=[
        _deg_spec(),
        pl.BlockSpec((2, MBLK, D_HID // 2), lambda i: (0, i, 0)),
        pl.BlockSpec((2, MBLK, D_HID // 2), lambda i: (0, i, 0)),
        pl.BlockSpec((1, D_HID), lambda i: (0, 0)),
        pl.BlockSpec((D_HID, D_OUT), lambda i: (0, 0)),
    ],
    out_specs=pl.BlockSpec((MBLK, D_OUT), lambda i: (i, 0)),
    out_shape=jax.ShapeDtypeStruct((N, D_OUT), jnp.float32),
)

_tc3 = pl.pallas_call(
    _tc3_body,
    grid=(GRID_M,),
    in_specs=[
        _deg_spec(),
        pl.BlockSpec((2, MBLK, D_OUT), lambda i: (0, i, 0)),
        pl.BlockSpec((MBLK, D_OUT), lambda i: (i, 0)),
        pl.BlockSpec((1, D_OUT), lambda i: (0, 0)),
    ],
    out_specs=pl.BlockSpec((MBLK, D_OUT), lambda i: (i, 0)),
    out_shape=jax.ShapeDtypeStruct((N, D_OUT), jnp.float32),
)


def kernel(x, edge_index, W0, b0, W1, b1):
    src = edge_index[0].astype(jnp.int32)
    dst = edge_index[1].astype(jnp.int32)
    npad = EPAD - E
    pad_i = jnp.arange(npad, dtype=jnp.int32)
    src_p = jnp.concatenate([src, pad_i % N])
    dst_p = jnp.concatenate([dst, N + pad_i % (NPAD - N)])
    src2 = jnp.stack([src_p, src_p + N]).reshape(2, NTILES, CHUNKS_PER_TILE, CH)
    src3 = src_p.reshape(NTILES, CHUNKS_PER_TILE, CH)
    dst3 = dst_p.reshape(NTILES, CHUNKS_PER_TILE, CH)
    dst2 = jnp.stack([dst3, dst3])
    half = CHUNKS_PER_TILE // 2
    src_l2 = jnp.stack([src3[:, :half], src3[:, half:]])
    dst_l2 = jnp.stack([dst3[:, :half], dst3[:, half:]])

    degp = _deg_kernel(dst_l2)
    degt = degp[:, :N, 0].reshape(2, GRID_M, MBLK).transpose(1, 0, 2)

    h0 = _tc0(x, W0)
    g0 = _tc1(degt, h0)
    s0 = _agg128(g0.reshape(2 * N, D_HID // 2), src2, dst2)

    g1 = _tc2(degt, s0[:, :N, :], g0, b0.reshape(1, D_HID), W1)
    s1 = _agg_l2(g1, src_l2, dst_l2)

    z = _tc3(degt, s1[:, :N, :], g1, b1.reshape(1, D_OUT))
    return z

# --- scband reference (transcript-rebuilt; emitter-appended) ---
"""Pipeline reference for scband-gcnautoencoder-76708115906985 (READ-ONLY COPY).

The authoritative reference and input builder live on the scoring server;
editing this copy changes nothing except your own understanding.
"""

import jax, jax.numpy as jnp
import numpy as np

N_NODES = 10000
D_IN = 256
D_HID = 256
D_OUT = 128
N_EDGES = 160000


def setup_inputs(seed: int = 0) -> dict:
    key = jax.random.key(seed)
    k1, k2, k3, k4, k5 = jax.random.split(key, 5)
    x = jax.random.normal(k1, (N_NODES, D_IN), dtype=jnp.float32)
    edge_index = jax.random.randint(k2, (2, N_EDGES), 0, N_NODES, dtype=jnp.int64)
    # GCNConv layer weights (glorot-ish init) and biases
    W0 = jax.random.normal(k3, (D_IN, D_HID), dtype=jnp.float32) * (1.0 / np.sqrt(D_IN))
    b0 = jnp.zeros((D_HID,), dtype=jnp.float32)
    W1 = jax.random.normal(k4, (D_HID, D_OUT), dtype=jnp.float32) * (1.0 / np.sqrt(D_HID))
    b1 = jnp.zeros((D_OUT,), dtype=jnp.float32)
    return {"x": x, "edge_index": edge_index, "W0": W0, "b0": b0, "W1": W1, "b1": b1}


def gcn_conv(x, edge_index, W, b, num_nodes):
    # PyG GCNConv: add self-loops, symmetric normalization, linear transform, scatter-add aggregation, bias
    src = edge_index[0]
    dst = edge_index[1]
    loop = jnp.arange(num_nodes, dtype=src.dtype)
    src = jnp.concatenate([src, loop])
    dst = jnp.concatenate([dst, loop])
    h = x @ W
    ones = jnp.ones(dst.shape[0], dtype=h.dtype)
    deg = jax.ops.segment_sum(ones, dst, num_segments=num_nodes)
    deg_inv_sqrt = jnp.where(deg > 0, 1.0 / jnp.sqrt(deg), 0.0)
    norm = deg_inv_sqrt[src] * deg_inv_sqrt[dst]
    msg = h[src] * norm[:, None]
    out = jax.ops.segment_sum(msg, dst, num_segments=num_nodes)
    return out + b


def reference(x, edge_index, W0, b0, W1, b1):
    # GCNAutoencoder.encode: stacked GCNConv layers with ReLU activations
    num_nodes = x.shape[0]
    h = jax.nn.relu(gcn_conv(x, edge_index, W0, b0, num_nodes))
    z = jax.nn.relu(gcn_conv(h, edge_index, W1, b1, num_nodes))
    return z

if __name__ == "__main__":
    import jax
    _d = setup_inputs()
    print(jax.jit(kernel)(*tuple(_d.values())))

</pallas_src>

<mosaic_0001>
#map = affine_map<(d0, d1) -> (0, 0, 0, 0)>
#map1 = affine_map<(d0, d1) -> (0, 0, 0)>
module attributes {stable_mosaic.version = 14 : i64} {
  func.func @_deg_kernel(%arg0: i32, %arg1: i32, %arg2: memref<2x16x40x128xi32, #tpu.memory_space<hbm>>, %arg3: memref<2x10240x128xf32, #tpu.memory_space<hbm>>, %arg4: memref<4x128xi32, #tpu.memory_space<vmem>>, %arg5: memref<128x128xf32, #tpu.memory_space<vmem>>, %arg6: memref<128x128xf32, #tpu.memory_space<vmem>>, %arg7: memref<10240x128xf32, #tpu.memory_space<vmem_shared>>, %arg8: memref<!tpu.dma_semaphore, #tpu.memory_space<semaphore_mem>>, %arg9: memref<!tpu.dma_semaphore, #tpu.memory_space<semaphore_mem>>, %arg10: memref<!tpu.dma_semaphore, #tpu.memory_space<semaphore_mem>>, %arg11: memref<!tpu.dma_semaphore, #tpu.memory_space<semaphore_mem>>, %arg12: memref<!tpu.dma_semaphore, #tpu.memory_space<semaphore_mem>>, %arg13: memref<!tpu.dma_semaphore, #tpu.memory_space<semaphore_mem>>, %arg14: memref<!tpu.dma_semaphore, #tpu.memory_space<semaphore_mem>>, %arg15: memref<!tpu.dma_semaphore, #tpu.memory_space<semaphore_mem>>, %arg16: memref<!tpu.dma_semaphore, #tpu.memory_space<semaphore_mem>>) attributes {dimension_semantics = [#tpu.dimension_semantics<core_parallel>, #tpu.dimension_semantics<subcore_parallel>], iteration_bounds = array<i64: 2, 16>, scalar_prefetch = 0 : i64, scratch_operands = 13 : i64, tpu.core_type = #tpu.core_type<sc_vector_subcore>, window_params = [{transform_indices = #map}, {transform_indices = #map1}]} {
    %broadcast_in_dim3A = arith.constant 1.000000e+00 : f32
    %broadcast_in_dim3A_0 = vector.broadcast %broadcast_in_dim3A : f32 to vector<16xf32>
    %scan3A = arith.constant 0 : i32
    %scan3A_1 = arith.constant 0 : i32
    %scan3A_2 = arith.constant 128 : i32
    %scan3A_3 = arith.addi %scan3A_1, %scan3A_2 : i32
    %scan3A_4 = arith.constant 1 : i32
    %scan3A_5 = scf.for %scan3A_138 = %scan3A_1 to %scan3A_3 step %scan3A_4 iter_args(%scan3A_139 = %scan3A) -> (i32)  : i32 {
      %swap3A = arith.index_cast %scan3A_138 : i32 to index
      %swap3A_140 = arith.constant 0 : index
      %swap3A_141 = tpu.vector_load %arg5[%swap3A, %swap3A_140] {strides = array<i32>} : memref<128x128xf32, #tpu.memory_space<vmem>>, vector<1x16xf32>,
      %swap3A_142 = vector.shape_cast %swap3A_141 : vector<1x16xf32> to vector<16xf32>
      %swap3A_143 = vector.shape_cast %broadcast_in_dim3A_0 : vector<16xf32> to vector<1x16xf32>
      tpu.vector_store %arg5[%swap3A, %swap3A_140], %swap3A_143 {strides = array<i32>} : memref<128x128xf32, #tpu.memory_space<vmem>>, vector<1x16xf32>,
      %swap3A_144 = arith.index_cast %scan3A_138 : i32 to index
      %swap3A_145 = arith.constant 16 : index
      %swap3A_146 = tpu.vector_load %arg5[%swap3A_144, %swap3A_145] {strides = array<i32>} : memref<128x128xf32, #tpu.memory_space<vmem>>, vector<1x16xf32>,
      %swap3A_147 = vector.shape_cast %swap3A_146 : vector<1x16xf32> to vector<16xf32>
      %swap3A_148 = vector.shape_cast %broadcast_in_dim3A_0 : vector<16xf32> to vector<1x16xf32>
      tpu.vector_store %arg5[%swap3A_144, %swap3A_145], %swap3A_148 {strides = array<i32>} : memref<128x128xf32, #tpu.memory_space<vmem>>, vector<1x16xf32>,
      %swap3A_149 = arith.index_cast %scan3A_138 : i32 to index
      %swap3A_150 = arith.constant 32 : index
      %swap3A_151 = tpu.vector_load %arg5[%swap3A_149, %swap3A_150] {strides = array<i32>} : memref<128x128xf32, #tpu.memory_space<vmem>>, vector<1x16xf32>,
      %swap3A_152 = vector.shape_cast %swap3A_151 : vector<1x16xf32> to vector<16xf32>
      %swap3A_153 = vector.shape_cast %broadcast_in_dim3A_0 : vector<16xf32> to vector<1x16xf32>
      tpu.vector_store %arg5[%swap3A_149, %swap3A_150], %swap3A_153 {strides = array<i32>} : memref<128x128xf32, #tpu.memory_space<vmem>>, vector<1x16xf32>,
      %swap3A_154 = arith.index_cast %scan3A_138 : i32 to index
      %swap3A_155 = arith.constant 48 : index
      %swap3A_156 = tpu.vector_load %arg5[%swap3A_154, %swap3A_155] {strides = array<i32>} : memref<128x128xf32, #tpu.memory_space<vmem>>, vector<1x16xf32>,
      %swap3A_157 = vector.shape_cast %swap3A_156 : vector<1x16xf32> to vector<16xf32>
      %swap3A_158 = vector.shape_cast %broadcast_in_dim3A_0 : vector<16xf32> to vector<1x16xf32>
      tpu.vector_store %arg5[%swap3A_154, %swap3A_155], %swap3A_158 {strides = array<i32>} : memref<128x128xf32, #tpu.memory_space<vmem>>, vector<1x16xf32>,
      %swap3A_159 = arith.index_cast %scan3A_138 : i32 to index
      %swap3A_160 = arith.constant 64 : index
      %swap3A_161 = tpu.vector_load %arg5[%swap3A_159, %swap3A_160] {strides = array<i32>} : memref<128x128xf32, #tpu.memory_space<vmem>>, vector<1x16xf32>,
      %swap3A_162 = vector.shape_cast %swap3A_161 : vector<1x16xf32> to vector<16xf32>
      %swap3A_163 = vector.shape_cast %broadcast_in_dim3A_0 : vector<16xf32> to vector<1x16xf32>
      tpu.vector_store %arg5[%swap3A_159, %swap3A_160], %swap3A_163 {strides = array<i32>} : memref<128x128xf32, #tpu.memory_space<vmem>>, vector<1x16xf32>,
      %swap3A_164 = arith.index_cast %scan3A_138 : i32 to index
      %swap3A_165 = arith.constant 80 : index
      %swap3A_166 = tpu.vector_load %arg5[%swap3A_164, %swap3A_165] {strides = array<i32>} : memref<128x128xf32, #tpu.memory_space<vmem>>, vector<1x16xf32>,
      %swap3A_167 = vector.shape_cast %swap3A_166 : vector<1x16xf32> to vector<16xf32>
      %swap3A_168 = vector.shape_cast %broadcast_in_dim3A_0 : vector<16xf32> to vector<1x16xf32>
      tpu.vector_store %arg5[%swap3A_164, %swap3A_165], %swap3A_168 {strides = array<i32>} : memref<128x128xf32, #tpu.memory_space<vmem>>, vector<1x16xf32>,
      %swap3A_169 = arith.index_cast %scan3A_138 : i32 to index
      %swap3A_170 = arith.constant 96 : index
      %swap3A_171 = tpu.vector_load %arg5[%swap3A_169, %swap3A_170] {strides = array<i32>} : memref<128x128xf32, #tpu.memory_space<vmem>>, vector<1x16xf32>,
      %swap3A_172 = vector.shape_cast %swap3A_171 : vector<1x16xf32> to vector<16xf32>
      %swap3A_173 = vector.shape_cast %broadcast_in_dim3A_0 : vector<16xf32> to vector<1x16xf32>
      tpu.vector_store %arg5[%swap3A_169, %swap3A_170], %swap3A_173 {strides = array<i32>} : memref<128x128xf32, #tpu.memory_space<vmem>>, vector<1x16xf32>,
      %swap3A_174 = arith.index_cast %scan3A_138 : i32 to index
      %swap3A_175 = arith.constant 112 : index
      %swap3A_176 = tpu.vector_load %arg5[%swap3A_174, %swap3A_175] {strides = array<i32>} : memref<128x128xf32, #tpu.memory_space<vmem>>, vector<1x16xf32>,
      %swap3A_177 = vector.shape_cast %swap3A_176 : vector<1x16xf32> to vector<16xf32>
      %swap3A_178 = vector.shape_cast %broadcast_in_dim3A_0 : vector<16xf32> to vector<1x16xf32>
      tpu.vector_store %arg5[%swap3A_174, %swap3A_175], %swap3A_178 {strides = array<i32>} : memref<128x128xf32, #tpu.memory_space<vmem>>, vector<1x16xf32>,
      %scan3A_179 = arith.constant 0 : i32
      scf.yield %scan3A_179 : i32
    }
    %scan3A_6 = arith.constant 128 : i32
    %broadcast_in_dim3A_7 = arith.constant 0.000000e+00 : f32
    %broadcast_in_dim3A_8 = vector.broadcast %broadcast_in_dim3A_7 : f32 to vector<16xf32>
    %scan3A_9 = arith.constant 0 : i32
    %scan3A_10 = arith.constant 0 : i32
    %scan3A_11 = arith.constant 128 : i32
    %scan3A_12 = arith.addi %scan3A_10, %scan3A_11 : i32
    %scan3A_13 = arith.constant 1 : i32
    %scan3A_14 = scf.for %scan3A_138 = %scan3A_10 to %scan3A_12 step %scan3A_13 iter_args(%scan3A_139 = %scan3A_9) -> (i32)  : i32 {
      %swap3A = arith.index_cast %scan3A_138 : i32 to index
      %swap3A_140 = arith.constant 0 : index
      %swap3A_141 = tpu.vector_load %arg6[%swap3A, %swap3A_140] {strides = array<i32>} : memref<128x128xf32, #tpu.memory_space<vmem>>, vector<1x16xf32>,
      %swap3A_142 = vector.shape_cast %swap3A_141 : vector<1x16xf32> to vector<16xf32>
      %swap3A_143 = vector.shape_cast %broadcast_in_dim3A_8 : vector<16xf32> to vector<1x16xf32>
      tpu.vector_store %arg6[%swap3A, %swap3A_140], %swap3A_143 {strides = array<i32>} : memref<128x128xf32, #tpu.memory_space<vmem>>, vector<1x16xf32>,
      %swap3A_144 = arith.index_cast %scan3A_138 : i32 to index
      %swap3A_145 = arith.constant 16 : index
      %swap3A_146 = tpu.vector_load %arg6[%swap3A_144, %swap3A_145] {strides = array<i32>} : memref<128x128xf32, #tpu.memory_space<vmem>>, vector<1x16xf32>,
      %swap3A_147 = vector.shape_cast %swap3A_146 : vector<1x16xf32> to vector<16xf32>
      %swap3A_148 = vector.shape_cast %broadcast_in_dim3A_8 : vector<16xf32> to vector<1x16xf32>
      tpu.vector_store %arg6[%swap3A_144, %swap3A_145], %swap3A_148 {strides = array<i32>} : memref<128x128xf32, #tpu.memory_space<vmem>>, vector<1x16xf32>,
      %swap3A_149 = arith.index_cast %scan3A_138 : i32 to index
      %swap3A_150 = arith.constant 32 : index
      %swap3A_151 = tpu.vector_load %arg6[%swap3A_149, %swap3A_150] {strides = array<i32>} : memref<128x128xf32, #tpu.memory_space<vmem>>, vector<1x16xf32>,
      %swap3A_152 = vector.shape_cast %swap3A_151 : vector<1x16xf32> to vector<16xf32>
      %swap3A_153 = vector.shape_cast %broadcast_in_dim3A_8 : vector<16xf32> to vector<1x16xf32>
      tpu.vector_store %arg6[%swap3A_149, %swap3A_150], %swap3A_153 {strides = array<i32>} : memref<128x128xf32, #tpu.memory_space<vmem>>, vector<1x16xf32>,
      %swap3A_154 = arith.index_cast %scan3A_138 : i32 to index
      %swap3A_155 = arith.constant 48 : index
      %swap3A_156 = tpu.vector_load %arg6[%swap3A_154, %swap3A_155] {strides = array<i32>} : memref<128x128xf32, #tpu.memory_space<vmem>>, vector<1x16xf32>,
      %swap3A_157 = vector.shape_cast %swap3A_156 : vector<1x16xf32> to vector<16xf32>
      %swap3A_158 = vector.shape_cast %broadcast_in_dim3A_8 : vector<16xf32> to vector<1x16xf32>
      tpu.vector_store %arg6[%swap3A_154, %swap3A_155], %swap3A_158 {strides = array<i32>} : memref<128x128xf32, #tpu.memory_space<vmem>>, vector<1x16xf32>,
      %swap3A_159 = arith.index_cast %scan3A_138 : i32 to index
      %swap3A_160 = arith.constant 64 : index
      %swap3A_161 = tpu.vector_load %arg6[%swap3A_159, %swap3A_160] {strides = array<i32>} : memref<128x128xf32, #tpu.memory_space<vmem>>, vector<1x16xf32>,
      %swap3A_162 = vector.shape_cast %swap3A_161 : vector<1x16xf32> to vector<16xf32>
      %swap3A_163 = vector.shape_cast %broadcast_in_dim3A_8 : vector<16xf32> to vector<1x16xf32>
      tpu.vector_store %arg6[%swap3A_159, %swap3A_160], %swap3A_163 {strides = array<i32>} : memref<128x128xf32, #tpu.memory_space<vmem>>, vector<1x16xf32>,
      %swap3A_164 = arith.index_cast %scan3A_138 : i32 to index
      %swap3A_165 = arith.constant 80 : index
      %swap3A_166 = tpu.vector_load %arg6[%swap3A_164, %swap3A_165] {strides = array<i32>} : memref<128x128xf32, #tpu.memory_space<vmem>>, vector<1x16xf32>,
      %swap3A_167 = vector.shape_cast %swap3A_166 : vector<1x16xf32> to vector<16xf32>
      %swap3A_168 = vector.shape_cast %broadcast_in_dim3A_8 : vector<16xf32> to vector<1x16xf32>
      tpu.vector_store %arg6[%swap3A_164, %swap3A_165], %swap3A_168 {strides = array<i32>} : memref<128x128xf32, #tpu.memory_space<vmem>>, vector<1x16xf32>,
      %swap3A_169 = arith.index_cast %scan3A_138 : i32 to index
      %swap3A_170 = arith.constant 96 : index
      %swap3A_171 = tpu.vector_load %arg6[%swap3A_169, %swap3A_170] {strides = array<i32>} : memref<128x128xf32, #tpu.memory_space<vmem>>, vector<1x16xf32>,
      %swap3A_172 = vector.shape_cast %swap3A_171 : vector<1x16xf32> to vector<16xf32>
      %swap3A_173 = vector.shape_cast %broadcast_in_dim3A_8 : vector<16xf32> to vector<1x16xf32>
      tpu.vector_store %arg6[%swap3A_169, %swap3A_170], %swap3A_173 {strides = array<i32>} : memref<128x128xf32, #tpu.memory_space<vmem>>, vector<1x16xf32>,
      %swap3A_174 = arith.index_cast %scan3A_138 : i32 to index
      %swap3A_175 = arith.constant 112 : index
      %swap3A_176 = tpu.vector_load %arg6[%swap3A_174, %swap3A_175] {strides = array<i32>} : memref<128x128xf32, #tpu.memory_space<vmem>>, vector<1x16xf32>,
      %swap3A_177 = vector.shape_cast %swap3A_176 : vector<1x16xf32> to vector<16xf32>
      %swap3A_178 = vector.shape_cast %broadcast_in_dim3A_8 : vector<16xf32> to vector<1x16xf32>
      tpu.vector_store %arg6[%swap3A_174, %swap3A_175], %swap3A_178 {strides = array<i32>} : memref<128x128xf32, #tpu.memory_space<vmem>>, vector<1x16xf32>,
      %scan3A_179 = arith.constant 0 : i32
      scf.yield %scan3A_179 : i32
    }
    %scan3A_15 = arith.constant 128 : i32
    %mul3A = arith.constant 640 : i32
    %mul3A_16 = arith.muli %arg1, %mul3A : i32
    %add3A = arith.constant 0 : i32
    %add3A_17 = arith.addi %mul3A_16, %add3A : i32
    %dma_start3A = arith.constant 0 : i32
    %dma_start3A_18 = tpu.memref_slice %arg7[%add3A_17, %dma_start3A] : memref<10240x128xf32, #tpu.memory_space<vmem_shared>> -> memref<128x128xf32, #tpu.memory_space<vmem_shared>>
    %dma_start3A_19 = arith.constant 0 : i32
    %dma_start3A_20 = tpu.memref_slice %arg7[%add3A_17, %dma_start3A_19] : memref<10240x128xf32, #tpu.memory_space<vmem_shared>> -> memref<128x128xf32, #tpu.memory_space<vmem_shared>>
    tpu.enqueue_dma source(%arg6 : memref<128x128xf32, #tpu.memory_space<vmem>>) target(%dma_start3A_20 : memref<128x128xf32, #tpu.memory_space<vmem_shared>>) target_semaphore(%arg16 : memref<!tpu.dma_semaphore, #tpu.memory_space<semaphore_mem>>)
    %add3A_21 = arith.constant 128 : i32
    %add3A_22 = arith.addi %mul3A_16, %add3A_21 : i32
    %dma_start3A_23 = arith.constant 0 : i32
    %dma_start3A_24 = tpu.memref_slice %arg7[%add3A_22, %dma_start3A_23] : memref<10240x128xf32, #tpu.memory_space<vmem_shared>> -> memref<128x128xf32, #tpu.memory_space<vmem_shared>>
    %dma_start3A_25 = arith.constant 0 : i32
    %dma_start3A_26 = tpu.memref_slice %arg7[%add3A_22, %dma_start3A_25] : memref<10240x128xf32, #tpu.memory_space<vmem_shared>> -> memref<128x128xf32, #tpu.memory_space<vmem_shared>>
    tpu.enqueue_dma source(%arg6 : memref<128x128xf32, #tpu.memory_space<vmem>>) target(%dma_start3A_26 : memref<128x128xf32, #tpu.memory_space<vmem_shared>>) target_semaphore(%arg16 : memref<!tpu.dma_semaphore, #tpu.memory_space<semaphore_mem>>)
    %add3A_27 = arith.constant 256 : i32
    %add3A_28 = arith.addi %mul3A_16, %add3A_27 : i32
    %dma_start3A_29 = arith.constant 0 : i32
    %dma_start3A_30 = tpu.memref_slice %arg7[%add3A_28, %dma_start3A_29] : memref<10240x128xf32, #tpu.memory_space<vmem_shared>> -> memref<128x128xf32, #tpu.memory_space<vmem_shared>>
    %dma_start3A_31 = arith.constant 0 : i32
    %dma_start3A_32 = tpu.memref_slice %arg7[%add3A_28, %dma_start3A_31] : memref<10240x128xf32, #tpu.memory_space<vmem_shared>> -> memref<128x128xf32, #tpu.memory_space<vmem_shared>>
    tpu.enqueue_dma source(%arg6 : memref<128x128xf32, #tpu.memory_space<vmem>>) target(%dma_start3A_32 : memref<128x128xf32, #tpu.memory_space<vmem_shared>>) target_semaphore(%arg16 : memref<!tpu.dma_semaphore, #tpu.memory_space<semaphore_mem>>)
    %add3A_33 = arith.constant 384 : i32
    %add3A_34 = arith.addi %mul3A_16, %add3A_33 : i32
    %dma_start3A_35 = arith.constant 0 : i32
    %dma_start3A_36 = tpu.memref_slice %arg7[%add3A_34, %dma_start3A_35] : memref<10240x128xf32, #tpu.memory_space<vmem_shared>> -> memref<128x128xf32, #tpu.memory_space<vmem_shared>>
    %dma_start3A_37 = arith.constant 0 : i32
    %dma_start3A_38 = tpu.memref_slice %arg7[%add3A_34, %dma_start3A_37] : memref<10240x128xf32, #tpu.memory_space<vmem_shared>> -> memref<128x128xf32, #tpu.memory_space<vmem_shared>>
    tpu.enqueue_dma source(%arg6 : memref<128x128xf32, #tpu.memory_space<vmem>>) target(%dma_start3A_38 : memref<128x128xf32, #tpu.memory_space<vmem_shared>>) target_semaphore(%arg16 : memref<!tpu.dma_semaphore, #tpu.memory_space<semaphore_mem>>)
    %add3A_39 = arith.constant 512 : i32
    %add3A_40 = arith.addi %mul3A_16, %add3A_39 : i32
    %dma_start3A_41 = arith.constant 0 : i32
    %dma_start3A_42 = tpu.memref_slice %arg7[%add3A_40, %dma_start3A_41] : memref<10240x128xf32, #tpu.memory_space<vmem_shared>> -> memref<128x128xf32, #tpu.memory_space<vmem_shared>>
    %dma_start3A_43 = arith.constant 0 : i32
    %dma_start3A_44 = tpu.memref_slice %arg7[%add3A_40, %dma_start3A_43] : memref<10240x128xf32, #tpu.memory_space<vmem_shared>> -> memref<128x128xf32, #tpu.memory_space<vmem_shared>>
    tpu.enqueue_dma source(%arg6 : memref<128x128xf32, #tpu.memory_space<vmem>>) target(%dma_start3A_44 : memref<128x128xf32, #tpu.memory_space<vmem_shared>>) target_semaphore(%arg16 : memref<!tpu.dma_semaphore, #tpu.memory_space<semaphore_mem>>)
    %dma_start3A_45 = arith.constant 0 : i32
    %dma_start3A_46 = arith.constant 0 : i32
    %dma_start3A_47 = arith.constant 0 : i32
    %dma_start3A_48 = tpu.memref_slice %arg4[%dma_start3A_46, %dma_start3A_47] : memref<4x128xi32, #tpu.memory_space<vmem>> -> memref<1x128xi32, #tpu.memory_space<vmem>>
    %dma_start3A_49 = tpu.memref_squeeze %dma_start3A_48 : memref<1x128xi32, #tpu.memory_space<vmem>> -> memref<128xi32, #tpu.memory_space<vmem>>
    %dma_start3A_50 = arith.constant 0 : i32
    %dma_start3A_51 = tpu.memref_slice %arg2[%arg0, %arg1, %dma_start3A_45, %dma_start3A_50] : memref<2x16x40x128xi32, #tpu.memory_space<hbm>> -> memref<1x1x1x128xi32, #tpu.memory_space<hbm>>
    %dma_start3A_52 = tpu.memref_squeeze %dma_start3A_51 : memref<1x1x1x128xi32, #tpu.memory_space<hbm>> -> memref<128xi32, #tpu.memory_space<hbm>>
    %dma_start3A_53 = arith.constant 0 : i32
    %dma_start3A_54 = tpu.memref_slice %arg4[%dma_start3A_46, %dma_start3A_53] : memref<4x128xi32, #tpu.memory_space<vmem>> -> memref<1x128xi32, #tpu.memory_space<vmem>>
    %dma_start3A_55 = tpu.memref_squeeze %dma_start3A_54 : memref<1x128xi32, #tpu.memory_space<vmem>> -> memref<128xi32, #tpu.memory_space<vmem>>
    %dma_start3A_56 = arith.constant 0 : i32
    %dma_start3A_57 = tpu.memref_slice %arg2[%arg0, %arg1, %dma_start3A_45, %dma_start3A_56] : memref<2x16x40x128xi32, #tpu.memory_space<hbm>> -> memref<1x1x1x128xi32, #tpu.memory_space<hbm>>
    %dma_start3A_58 = tpu.memref_squeeze %dma_start3A_57 : memref<1x1x1x128xi32, #tpu.memory_space<hbm>> -> memref<128xi32, #tpu.memory_space<hbm>>
    tpu.enqueue_dma source(%dma_start3A_58 : memref<128xi32, #tpu.memory_space<hbm>>) target(%dma_start3A_55 : memref<128xi32, #tpu.memory_space<vmem>>) target_semaphore(%arg8 : memref<!tpu.dma_semaphore, #tpu.memory_space<semaphore_mem>>)
    %dma_start3A_59 = arith.constant 1 : i32
    %dma_start3A_60 = arith.constant 1 : i32
    %dma_start3A_61 = arith.constant 0 : i32
    %dma_start3A_62 = tpu.memref_slice %arg4[%dma_start3A_60, %dma_start3A_61] : memref<4x128xi32, #tpu.memory_space<vmem>> -> memref<1x128xi32, #tpu.memory_space<vmem>>
    %dma_start3A_63 = tpu.memref_squeeze %dma_start3A_62 : memref<1x128xi32, #tpu.memory_space<vmem>> -> memref<128xi32, #tpu.memory_space<vmem>>
    %dma_start3A_64 = arith.constant 0 : i32
    %dma_start3A_65 = tpu.memref_slice %arg2[%arg0, %arg1, %dma_start3A_59, %dma_start3A_64] : memref<2x16x40x128xi32, #tpu.memory_space<hbm>> -> memref<1x1x1x128xi32, #tpu.memory_space<hbm>>
    %dma_start3A_66 = tpu.memref_squeeze %dma_start3A_65 : memref<1x1x1x128xi32, #tpu.memory_space<hbm>> -> memref<128xi32, #tpu.memory_space<hbm>>
    %dma_start3A_67 = arith.constant 0 : i32
    %dma_start3A_68 = tpu.memref_slice %arg4[%dma_start3A_60, %dma_start3A_67] : memref<4x128xi32, #tpu.memory_space<vmem>> -> memref<1x128xi32, #tpu.memory_space<vmem>>
    %dma_start3A_69 = tpu.memref_squeeze %dma_start3A_68 : memref<1x128xi32, #tpu.memory_space<vmem>> -> memref<128xi32, #tpu.memory_space<vmem>>
    %dma_start3A_70 = arith.constant 0 : i32
    %dma_start3A_71 = tpu.memref_slice %arg2[%arg0, %arg1, %dma_start3A_59, %dma_start3A_70] : memref<2x16x40x128xi32, #tpu.memory_space<hbm>> -> memref<1x1x1x128xi32, #tpu.memory_space<hbm>>
    %dma_start3A_72 = tpu.memref_squeeze %dma_start3A_71 : memref<1x1x1x128xi32, #tpu.memory_space<hbm>> -> memref<128xi32, #tpu.memory_space<hbm>>
    tpu.enqueue_dma source(%dma_start3A_72 : memref<128xi32, #tpu.memory_space<hbm>>) target(%dma_start3A_69 : memref<128xi32, #tpu.memory_space<vmem>>) target_semaphore(%arg9 : memref<!tpu.dma_semaphore, #tpu.memory_space<semaphore_mem>>)
    %add3A_73 = arith.constant 0 : i32
    %add3A_74 = arith.addi %mul3A_16, %add3A_73 : i32
    %dma_wait3A = arith.constant 0 : i32
    %dma_wait3A_75 = tpu.memref_slice %arg7[%add3A_74, %dma_wait3A] : memref<10240x128xf32, #tpu.memory_space<vmem_shared>> -> memref<128x128xf32, #tpu.memory_space<vmem_shared>>
    %dma_wait3A_76 = arith.constant 0 : i32
    %dma_wait3A_77 = tpu.memref_slice %arg7[%add3A_74, %dma_wait3A_76] : memref<10240x128xf32, #tpu.memory_space<vmem_shared>> -> memref<128x128xf32, #tpu.memory_space<vmem_shared>>
    tpu.wait_dma2 semaphore(%arg16 : memref<!tpu.dma_semaphore, #tpu.memory_space<semaphore_mem>>) src(%arg6 : memref<128x128xf32, #tpu.memory_space<vmem>>) dst(%dma_wait3A_77 : memref<128x128xf32, #tpu.memory_space<vmem_shared>>)
    %add3A_78 = arith.constant 128 : i32
    %add3A_79 = arith.addi %mul3A_16, %add3A_78 : i32
    %dma_wait3A_80 = arith.constant 0 : i32
    %dma_wait3A_81 = tpu.memref_slice %arg7[%add3A_79, %dma_wait3A_80] : memref<10240x128xf32, #tpu.memory_space<vmem_shared>> -> memref<128x128xf32, #tpu.memory_space<vmem_shared>>
    %dma_wait3A_82 = arith.constant 0 : i32
    %dma_wait3A_83 = tpu.memref_slice %arg7[%add3A_79, %dma_wait3A_82] : memref<10240x128xf32, #tpu.memory_space<vmem_shared>> -> memref<128x128xf32, #tpu.memory_space<vmem_shared>>
    tpu.wait_dma2 semaphore(%arg16 : memref<!tpu.dma_semaphore, #tpu.memory_space<semaphore_mem>>) src(%arg6 : memref<128x128xf32, #tpu.memory_space<vmem>>) dst(%dma_wait3A_83 : memref<128x128xf32, #tpu.memory_space<vmem_shared>>)
    %add3A_84 = arith.constant 256 : i32
    %add3A_85 = arith.addi %mul3A_16, %add3A_84 : i32
    %dma_wait3A_86 = arith.constant 0 : i32
    %dma_wait3A_87 = tpu.memref_slice %arg7[%add3A_85, %dma_wait3A_86] : memref<10240x128xf32, #tpu.memory_space<vmem_shared>> -> memref<128x128xf32, #tpu.memory_space<vmem_shared>>
    %dma_wait3A_88 = arith.constant 0 : i32
    %dma_wait3A_89 = tpu.memref_slice %arg7[%add3A_85, %dma_wait3A_88] : memref<10240x128xf32, #tpu.memory_space<vmem_shared>> -> memref<128x128xf32, #tpu.memory_space<vmem_shared>>
    tpu.wait_dma2 semaphore(%arg16 : memref<!tpu.dma_semaphore, #tpu.memory_space<semaphore_mem>>) src(%arg6 : memref<128x128xf32, #tpu.memory_space<vmem>>) dst(%dma_wait3A_89 : memref<128x128xf32, #tpu.memory_space<vmem_shared>>)
    %add3A_90 = arith.constant 384 : i32
    %add3A_91 = arith.addi %mul3A_16, %add3A_90 : i32
    %dma_wait3A_92 = arith.constant 0 : i32
    %dma_wait3A_93 = tpu.memref_slice %arg7[%add3A_91, %dma_wait3A_92] : memref<10240x128xf32, #tpu.memory_space<vmem_shared>> -> memref<128x128xf32, #tpu.memory_space<vmem_shared>>
    %dma_wait3A_94 = arith.constant 0 : i32
    %dma_wait3A_95 = tpu.memref_slice %arg7[%add3A_91, %dma_wait3A_94] : memref<10240x128xf32, #tpu.memory_space<vmem_shared>> -> memref<128x128xf32, #tpu.memory_space<vmem_shared>>
    tpu.wait_dma2 semaphore(%arg16 : memref<!tpu.dma_semaphore, #tpu.memory_space<semaphore_mem>>) src(%arg6 : memref<128x128xf32, #tpu.memory_space<vmem>>) dst(%dma_wait3A_95 : memref<128x128xf32, #tpu.memory_space<vmem_shared>>)
    %add3A_96 = arith.constant 512 : i32
    %add3A_97 = arith.addi %mul3A_16, %add3A_96 : i32
    %dma_wait3A_98 = arith.constant 0 : i32
    %dma_wait3A_99 = tpu.memref_slice %arg7[%add3A_97, %dma_wait3A_98] : memref<10240x128xf32, #tpu.memory_space<vmem_shared>> -> memref<128x128xf32, #tpu.memory_space<vmem_shared>>
    %dma_wait3A_100 = arith.constant 0 : i32
    %dma_wait3A_101 = tpu.memref_slice %arg7[%add3A_97, %dma_wait3A_100] : memref<10240x128xf32, #tpu.memory_space<vmem_shared>> -> memref<128x128xf32, #tpu.memory_space<vmem_shared>>
    tpu.wait_dma2 semaphore(%arg16 : memref<!tpu.dma_semaphore, #tpu.memory_space<semaphore_mem>>) src(%arg6 : memref<128x128xf32, #tpu.memory_space<vmem>>) dst(%dma_wait3A_101 : memref<128x128xf32, #tpu.memory_space<vmem_shared>>)
    %barrier3A = arith.constant 0 : index
    tpu.barrier barrier_id(%barrier3A)
    %scan3A_102 = arith.constant 0 : i32
    %scan3A_103 = arith.constant 0 : i32
    %scan3A_104 = arith.constant 10 : i32
    %scan3A_105 = arith.addi %scan3A_103, %scan3A_104 : i32
    %scan3A_106 = arith.constant 1 : i32
    %scan3A_107 = scf.for %scan3A_138 = %scan3A_103 to %scan3A_105 step %scan3A_106 iter_args(%scan3A_139 = %scan3A_102) -> (i32)  : i32 {
      %mul3A_140 = arith.constant 4 : i32
      %mul3A_141 = arith.muli %scan3A_138, %mul3A_140 : i32
      %add3A_142 = arith.constant 0 : i32
      %add3A_143 = arith.addi %mul3A_141, %add3A_142 : i32
      %dma_wait3A_144 = arith.constant 0 : i32
      %dma_wait3A_145 = arith.constant 0 : i32
      %dma_wait3A_146 = tpu.memref_slice %arg4[%dma_wait3A_144, %dma_wait3A_145] : memref<4x128xi32, #tpu.memory_space<vmem>> -> memref<1x128xi32, #tpu.memory_space<vmem>>
      %dma_wait3A_147 = tpu.memref_squeeze %dma_wait3A_146 : memref<1x128xi32, #tpu.memory_space<vmem>> -> memref<128xi32, #tpu.memory_space<vmem>>
      %dma_wait3A_148 = arith.constant 0 : i32
      %dma_wait3A_149 = tpu.memref_slice %arg2[%arg0, %arg1, %add3A_143, %dma_wait3A_148] : memref<2x16x40x128xi32, #tpu.memory_space<hbm>> -> memref<1x1x1x128xi32, #tpu.memory_space<hbm>>
      %dma_wait3A_150 = tpu.memref_squeeze %dma_wait3A_149 : memref<1x1x1x128xi32, #tpu.memory_space<hbm>> -> memref<128xi32, #tpu.memory_space<hbm>>
      %dma_wait3A_151 = arith.constant 0 : i32
      %dma_wait3A_152 = tpu.memref_slice %arg4[%dma_wait3A_144, %dma_wait3A_151] : memref<4x128xi32, #tpu.memory_space<vmem>> -> memref<1x128xi32, #tpu.memory_space<vmem>>
      %dma_wait3A_153 = tpu.memref_squeeze %dma_wait3A_152 : memref<1x128xi32, #tpu.memory_space<vmem>> -> memref<128xi32, #tpu.memory_space<vmem>>
      %dma_wait3A_154 = arith.constant 0 : i32
      %dma_wait3A_155 = tpu.memref_slice %arg2[%arg0, %arg1, %add3A_143, %dma_wait3A_154] : memref<2x16x40x128xi32, #tpu.memory_space<hbm>> -> memref<1x1x1x128xi32, #tpu.memory_space<hbm>>
      %dma_wait3A_156 = tpu.memref_squeeze %dma_wait3A_155 : memref<1x1x1x128xi32, #tpu.memory_space<hbm>> -> memref<128xi32, #tpu.memory_space<hbm>>
      tpu.wait_dma2 semaphore(%arg8 : memref<!tpu.dma_semaphore, #tpu.memory_space<semaphore_mem>>) src(%dma_wait3A_156 : memref<128xi32, #tpu.memory_space<hbm>>) dst(%dma_wait3A_153 : memref<128xi32, #tpu.memory_space<vmem>>)
      %dma_start3A_157 = arith.constant 0 : i32
      %dma_start3A_158 = arith.constant 0 : i32
      %dma_start3A_159 = tpu.memref_slice %arg4[%dma_start3A_157, %dma_start3A_158] : memref<4x128xi32, #tpu.memory_space<vmem>> -> memref<1x128xi32, #tpu.memory_space<vmem>>
      %dma_start3A_160 = tpu.memref_squeeze %dma_start3A_159 : memref<1x128xi32, #tpu.memory_space<vmem>> -> memref<128xi32, #tpu.memory_space<vmem>>
      %dma_start3A_161 = arith.constant 0 : i32
      %dma_start3A_162 = arith.constant 0 : i32
      %dma_start3A_163 = tpu.memref_slice %arg7[%dma_start3A_161, %dma_start3A_162] : memref<10240x128xf32, #tpu.memory_space<vmem_shared>> -> memref<10240x128xf32, #tpu.memory_space<vmem_shared>>
      tpu.enqueue_indirect_dma source(%arg5 : memref<128x128xf32, #tpu.memory_space<vmem>>) target(%dma_start3A_163 : memref<10240x128xf32, #tpu.memory_space<vmem_shared>>) offsets(%dma_start3A_160 : memref<128xi32, #tpu.memory_space<vmem>>) semaphore(%arg12 : memref<!tpu.dma_semaphore, #tpu.memory_space<semaphore_mem>>) {add = true}
      %add3A_164 = arith.constant 2 : i32
      %add3A_165 = arith.addi %add3A_143, %add3A_164 : i32
      %lt3A = arith.constant 40 : i32
      %lt3A_166 = arith.cmpi slt, %add3A_165, %lt3A : i32
      %convert_element_type3A = arith.extui %lt3A_166 : i1 to i32
      %cond3A = arith.constant 0 : i32
      %cond3A_167 = arith.cmpi ne, %convert_element_type3A, %cond3A : i32
      scf.if %cond3A_167 {
        %ge3A = arith.constant 2 : i32
        %ge3A_262 = arith.cmpi sge, %add3A_143, %ge3A : i32
        %convert_element_type3A_263 = arith.extui %ge3A_262 : i1 to i32
        %cond3A_264 = arith.constant 0 : i32
        %cond3A_265 = arith.cmpi ne, %convert_element_type3A_263, %cond3A_264 : i32
        scf.if %cond3A_265 {
          %dma_wait3A_281 = arith.constant 2 : i32
          %dma_wait3A_282 = arith.constant 0 : i32
          %dma_wait3A_283 = tpu.memref_slice %arg4[%dma_wait3A_281, %dma_wait3A_282] : memref<4x128xi32, #tpu.memory_space<vmem>> -> memref<1x128xi32, #tpu.memory_space<vmem>>
          %dma_wait3A_284 = tpu.memref_squeeze %dma_wait3A_283 : memref<1x128xi32, #tpu.memory_space<vmem>> -> memref<128xi32, #tpu.memory_space<vmem>>
          %dma_wait3A_285 = arith.constant 0 : i32
          %dma_wait3A_286 = arith.constant 0 : i32
          %dma_wait3A_287 = tpu.memref_slice %arg7[%dma_wait3A_285, %dma_wait3A_286] : memref<10240x128xf32, #tpu.memory_space<vmem_shared>> -> memref<10240x128xf32, #tpu.memory_space<vmem_shared>>
          tpu.wait_indirect_dma semaphore(%arg14 : memref<!tpu.dma_semaphore, #tpu.memory_space<semaphore_mem>>) src(%arg5 : memref<128x128xf32, #tpu.memory_space<vmem>>) dst(%dma_wait3A_287 : memref<10240x128xf32, #tpu.memory_space<vmem_shared>>)
        } else {
        }
        %add3A_266 = arith.constant 2 : i32
        %add3A_267 = arith.addi %add3A_143, %add3A_266 : i32
        %dma_start3A_268 = arith.constant 2 : i32
        %dma_start3A_269 = arith.constant 0 : i32
        %dma_start3A_270 = tpu.memref_slice %arg4[%dma_start3A_268, %dma_start3A_269] : memref<4x128xi32, #tpu.memory_space<vmem>> -> memref<1x128xi32, #tpu.memory_space<vmem>>
        %dma_start3A_271 = tpu.memref_squeeze %dma_start3A_270 : memref<1x128xi32, #tpu.memory_space<vmem>> -> memref<128xi32, #tpu.memory_space<vmem>>
        %dma_start3A_272 = arith.constant 0 : i32
        %dma_start3A_273 = tpu.memref_slice %arg2[%arg0, %arg1, %add3A_267, %dma_start3A_272] : memref<2x16x40x128xi32, #tpu.memory_space<hbm>> -> memref<1x1x1x128xi32, #tpu.memory_space<hbm>>
        %dma_start3A_274 = tpu.memref_squeeze %dma_start3A_273 : memref<1x1x1x128xi32, #tpu.memory_space<hbm>> -> memref<128xi32, #tpu.memory_space<hbm>>
        %dma_start3A_275 = arith.constant 0 : i32
        %dma_start3A_276 = tpu.memref_slice %arg4[%dma_start3A_268, %dma_start3A_275] : memref<4x128xi32, #tpu.memory_space<vmem>> -> memref<1x128xi32, #tpu.memory_space<vmem>>
        %dma_start3A_277 = tpu.memref_squeeze %dma_start3A_276 : memref<1x128xi32, #tpu.memory_space<vmem>> -> memref<128xi32, #tpu.memory_space<vmem>>
        %dma_start3A_278 = arith.constant 0 : i32
        %dma_start3A_279 = tpu.memref_slice %arg2[%arg0, %arg1, %add3A_267, %dma_start3A_278] : memref<2x16x40x128xi32, #tpu.memory_space<hbm>> -> memref<1x1x1x128xi32, #tpu.memory_space<hbm>>
        %dma_start3A_280 = tpu.memref_squeeze %dma_start3A_279 : memref<1x1x1x128xi32, #tpu.memory_space<hbm>> -> memref<128xi32, #tpu.memory_space<hbm>>
        tpu.enqueue_dma source(%dma_start3A_280 : memref<128xi32, #tpu.memory_space<hbm>>) target(%dma_start3A_277 : memref<128xi32, #tpu.memory_space<vmem>>) target_semaphore(%arg10 : memref<!tpu.dma_semaphore, #tpu.memory_space<semaphore_mem>>)
      } else {
      }
      %mul3A_168 = arith.constant 4 : i32
      %mul3A_169 = arith.muli %scan3A_138, %mul3A_168 : i32
      %add3A_170 = arith.constant 1 : i32
      %add3A_171 = arith.addi %mul3A_169, %add3A_170 : i32
      %dma_wait3A_172 = arith.constant 1 : i32
      %dma_wait3A_173 = arith.constant 0 : i32
      %dma_wait3A_174 = tpu.memref_slice %arg4[%dma_wait3A_172, %dma_wait3A_173] : memref<4x128xi32, #tpu.memory_space<vmem>> -> memref<1x128xi32, #tpu.memory_space<vmem>>
      %dma_wait3A_175 = tpu.memref_squeeze %dma_wait3A_174 : memref<1x128xi32, #tpu.memory_space<vmem>> -> memref<128xi32, #tpu.memory_space<vmem>>
      %dma_wait3A_176 = arith.constant 0 : i32
      %dma_wait3A_177 = tpu.memref_slice %arg2[%arg0, %arg1, %add3A_171, %dma_wait3A_176] : memref<2x16x40x128xi32, #tpu.memory_space<hbm>> -> memref<1x1x1x128xi32, #tpu.memory_space<hbm>>
      %dma_wait3A_178 = tpu.memref_squeeze %dma_wait3A_177 : memref<1x1x1x128xi32, #tpu.memory_space<hbm>> -> memref<128xi32, #tpu.memory_space<hbm>>
      %dma_wait3A_179 = arith.constant 0 : i32
      %dma_wait3A_180 = tpu.memref_slice %arg4[%dma_wait3A_172, %dma_wait3A_179] : memref<4x128xi32, #tpu.memory_space<vmem>> -> memref<1x128xi32, #tpu.memory_space<vmem>>
      %dma_wait3A_181 = tpu.memref_squeeze %dma_wait3A_180 : memref<1x128xi32, #tpu.memory_space<vmem>> -> memref<128xi32, #tpu.memory_space<vmem>>
      %dma_wait3A_182 = arith.constant 0 : i32
      %dma_wait3A_183 = tpu.memref_slice %arg2[%arg0, %arg1, %add3A_171, %dma_wait3A_182] : memref<2x16x40x128xi32, #tpu.memory_space<hbm>> -> memref<1x1x1x128xi32, #tpu.memory_space<hbm>>
      %dma_wait3A_184 = tpu.memref_squeeze %dma_wait3A_183 : memref<1x1x1x128xi32, #tpu.memory_space<hbm>> -> memref<128xi32, #tpu.memory_space<hbm>>
      tpu.wait_dma2 semaphore(%arg9 : memref<!tpu.dma_semaphore, #tpu.memory_space<semaphore_mem>>) src(%dma_wait3A_184 : memref<128xi32, #tpu.memory_space<hbm>>) dst(%dma_wait3A_181 : memref<128xi32, #tpu.memory_space<vmem>>)
      %dma_start3A_185 = arith.constant 1 : i32
      %dma_start3A_186 = arith.constant 0 : i32
      %dma_start3A_187 = tpu.memref_slice %arg4[%dma_start3A_185, %dma_start3A_186] : memref<4x128xi32, #tpu.memory_space<vmem>> -> memref<1x128xi32, #tpu.memory_space<vmem>>
      %dma_start3A_188 = tpu.memref_squeeze %dma_start3A_187 : memref<1x128xi32, #tpu.memory_space<vmem>> -> memref<128xi32, #tpu.memory_space<vmem>>
      %dma_start3A_189 = arith.constant 0 : i32
      %dma_start3A_190 = arith.constant 0 : i32
      %dma_start3A_191 = tpu.memref_slice %arg7[%dma_start3A_189, %dma_start3A_190] : memref<10240x128xf32, #tpu.memory_space<vmem_shared>> -> memref<10240x128xf32, #tpu.memory_space<vmem_shared>>
      tpu.enqueue_indirect_dma source(%arg5 : memref<128x128xf32, #tpu.memory_space<vmem>>) target(%dma_start3A_191 : memref<10240x128xf32, #tpu.memory_space<vmem_shared>>) offsets(%dma_start3A_188 : memref<128xi32, #tpu.memory_space<vmem>>) semaphore(%arg13 : memref<!tpu.dma_semaphore, #tpu.memory_space<semaphore_mem>>) {add = true}
      %add3A_192 = arith.constant 2 : i32
      %add3A_193 = arith.addi %add3A_171, %add3A_192 : i32
      %lt3A_194 = arith.constant 40 : i32
      %lt3A_195 = arith.cmpi slt, %add3A_193, %lt3A_194 : i32
      %convert_element_type3A_196 = arith.extui %lt3A_195 : i1 to i32
      %cond3A_197 = arith.constant 0 : i32
      %cond3A_198 = arith.cmpi ne, %convert_element_type3A_196, %cond3A_197 : i32
      scf.if %cond3A_198 {
        %ge3A = arith.constant 2 : i32
        %ge3A_262 = arith.cmpi sge, %add3A_171, %ge3A : i32
        %convert_element_type3A_263 = arith.extui %ge3A_262 : i1 to i32
        %cond3A_264 = arith.constant 0 : i32
        %cond3A_265 = arith.cmpi ne, %convert_element_type3A_263, %cond3A_264 : i32
        scf.if %cond3A_265 {
          %dma_wait3A_281 = arith.constant 3 : i32
          %dma_wait3A_282 = arith.constant 0 : i32
          %dma_wait3A_283 = tpu.memref_slice %arg4[%dma_wait3A_281, %dma_wait3A_282] : memref<4x128xi32, #tpu.memory_space<vmem>> -> memref<1x128xi32, #tpu.memory_space<vmem>>
          %dma_wait3A_284 = tpu.memref_squeeze %dma_wait3A_283 : memref<1x128xi32, #tpu.memory_space<vmem>> -> memref<128xi32, #tpu.memory_space<vmem>>
          %dma_wait3A_285 = arith.constant 0 : i32
          %dma_wait3A_286 = arith.constant 0 : i32
          %dma_wait3A_287 = tpu.memref_slice %arg7[%dma_wait3A_285, %dma_wait3A_286] : memref<10240x128xf32, #tpu.memory_space<vmem_shared>> -> memref<10240x128xf32, #tpu.memory_space<vmem_shared>>
          tpu.wait_indirect_dma semaphore(%arg15 : memref<!tpu.dma_semaphore, #tpu.memory_space<semaphore_mem>>) src(%arg5 : memref<128x128xf32, #tpu.memory_space<vmem>>) dst(%dma_wait3A_287 : memref<10240x128xf32, #tpu.memory_space<vmem_shared>>)
        } else {
        }
        %add3A_266 = arith.constant 2 : i32
        %add3A_267 = arith.addi %add3A_171, %add3A_266 : i32
        %dma_start3A_268 = arith.constant 3 : i32
        %dma_start3A_269 = arith.constant 0 : i32
        %dma_start3A_270 = tpu.memref_slice %arg4[%dma_start3A_268, %dma_start3A_269] : memref<4x128xi32, #tpu.memory_space<vmem>> -> memref<1x128xi32, #tpu.memory_space<vmem>>
        %dma_start3A_271 = tpu.memref_squeeze %dma_start3A_270 : memref<1x128xi32, #tpu.memory_space<vmem>> -> memref<128xi32, #tpu.memory_space<vmem>>
        %dma_start3A_272 = arith.constant 0 : i32
        %dma_start3A_273 = tpu.memref_slice %arg2[%arg0, %arg1, %add3A_267, %dma_start3A_272] : memref<2x16x40x128xi32, #tpu.memory_space<hbm>> -> memref<1x1x1x128xi32, #tpu.memory_space<hbm>>
        %dma_start3A_274 = tpu.memref_squeeze %dma_start3A_273 : memref<1x1x1x128xi32, #tpu.memory_space<hbm>> -> memref<128xi32, #tpu.memory_space<hbm>>
        %dma_start3A_275 = arith.constant 0 : i32
        %dma_start3A_276 = tpu.memref_slice %arg4[%dma_start3A_268, %dma_start3A_275] : memref<4x128xi32, #tpu.memory_space<vmem>> -> memref<1x128xi32, #tpu.memory_space<vmem>>
        %dma_start3A_277 = tpu.memref_squeeze %dma_start3A_276 : memref<1x128xi32, #tpu.memory_space<vmem>> -> memref<128xi32, #tpu.memory_space<vmem>>
        %dma_start3A_278 = arith.constant 0 : i32
        %dma_start3A_279 = tpu.memref_slice %arg2[%arg0, %arg1, %add3A_267, %dma_start3A_278] : memref<2x16x40x128xi32, #tpu.memory_space<hbm>> -> memref<1x1x1x128xi32, #tpu.memory_space<hbm>>
        %dma_start3A_280 = tpu.memref_squeeze %dma_start3A_279 : memref<1x1x1x128xi32, #tpu.memory_space<hbm>> -> memref<128xi32, #tpu.memory_space<hbm>>
        tpu.enqueue_dma source(%dma_start3A_280 : memref<128xi32, #tpu.memory_space<hbm>>) target(%dma_start3A_277 : memref<128xi32, #tpu.memory_space<vmem>>) target_semaphore(%arg11 : memref<!tpu.dma_semaphore, #tpu.memory_space<semaphore_mem>>)
      } else {
      }
      %mul3A_199 = arith.constant 4 : i32
      %mul3A_200 = arith.muli %scan3A_138, %mul3A_199 : i32
      %add3A_201 = arith.constant 2 : i32
      %add3A_202 = arith.addi %mul3A_200, %add3A_201 : i32
      %dma_wait3A_203 = arith.constant 2 : i32
      %dma_wait3A_204 = arith.constant 0 : i32
      %dma_wait3A_205 = tpu.memref_slice %arg4[%dma_wait3A_203, %dma_wait3A_204] : memref<4x128xi32, #tpu.memory_space<vmem>> -> memref<1x128xi32, #tpu.memory_space<vmem>>
      %dma_wait3A_206 = tpu.memref_squeeze %dma_wait3A_205 : memref<1x128xi32, #tpu.memory_space<vmem>> -> memref<128xi32, #tpu.memory_space<vmem>>
      %dma_wait3A_207 = arith.constant 0 : i32
      %dma_wait3A_208 = tpu.memref_slice %arg2[%arg0, %arg1, %add3A_202, %dma_wait3A_207] : memref<2x16x40x128xi32, #tpu.memory_space<hbm>> -> memref<1x1x1x128xi32, #tpu.memory_space<hbm>>
      %dma_wait3A_209 = tpu.memref_squeeze %dma_wait3A_208 : memref<1x1x1x128xi32, #tpu.memory_space<hbm>> -> memref<128xi32, #tpu.memory_space<hbm>>
      %dma_wait3A_210 = arith.constant 0 : i32
      %dma_wait3A_211 = tpu.memref_slice %arg4[%dma_wait3A_203, %dma_wait3A_210] : memref<4x128xi32, #tpu.memory_space<vmem>> -> memref<1x128xi32, #tpu.memory_space<vmem>>
      %dma_wait3A_212 = tpu.memref_squeeze %dma_wait3A_211 : memref<1x128xi32, #tpu.memory_space<vmem>> -> memref<128xi32, #tpu.memory_space<vmem>>
      %dma_wait3A_213 = arith.constant 0 : i32
      %dma_wait3A_214 = tpu.memref_slice %arg2[%arg0, %arg1, %add3A_202, %dma_wait3A_213] : memref<2x16x40x128xi32, #tpu.memory_space<hbm>> -> memref<1x1x1x128xi32, #tpu.memory_space<hbm>>
      %dma_wait3A_215 = tpu.memref_squeeze %dma_wait3A_214 : memref<1x1x1x128xi32, #tpu.memory_space<hbm>> -> memref<128xi32, #tpu.memory_space<hbm>>
      tpu.wait_dma2 semaphore(%arg10 : memref<!tpu.dma_semaphore, #tpu.memory_space<semaphore_mem>>) src(%dma_wait3A_215 : memref<128xi32, #tpu.memory_space<hbm>>) dst(%dma_wait3A_212 : memref<128xi32, #tpu.memory_space<vmem>>)
      %dma_start3A_216 = arith.constant 2 : i32
      %dma_start3A_217 = arith.constant 0 : i32
      %dma_start3A_218 = tpu.memref_slice %arg4[%dma_start3A_216, %dma_start3A_217] : memref<4x128xi32, #tpu.memory_space<vmem>> -> memref<1x128xi32, #tpu.memory_space<vmem>>
      %dma_start3A_219 = tpu.memref_squeeze %dma_start3A_218 : memref<1x128xi32, #tpu.memory_space<vmem>> -> memref<128xi32, #tpu.memory_space<vmem>>
      %dma_start3A_220 = arith.constant 0 : i32
      %dma_start3A_221 = arith.constant 0 : i32
      %dma_start3A_222 = tpu.memref_slice %arg7[%dma_start3A_220, %dma_start3A_221] : memref<10240x128xf32, #tpu.memory_space<vmem_shared>> -> memref<10240x128xf32, #tpu.memory_space<vmem_shared>>
      tpu.enqueue_indirect_dma source(%arg5 : memref<128x128xf32, #tpu.memory_space<vmem>>) target(%dma_start3A_222 : memref<10240x128xf32, #tpu.memory_space<vmem_shared>>) offsets(%dma_start3A_219 : memref<128xi32, #tpu.memory_space<vmem>>) semaphore(%arg14 : memref<!tpu.dma_semaphore, #tpu.memory_space<semaphore_mem>>) {add = true}
      %add3A_223 = arith.constant 2 : i32
      %add3A_224 = arith.addi %add3A_202, %add3A_223 : i32
      %lt3A_225 = arith.constant 40 : i32
      %lt3A_226 = arith.cmpi slt, %add3A_224, %lt3A_225 : i32
      %convert_element_type3A_227 = arith.extui %lt3A_226 : i1 to i32
      %cond3A_228 = arith.constant 0 : i32
      %cond3A_229 = arith.cmpi ne, %convert_element_type3A_227, %cond3A_228 : i32
      scf.if %cond3A_229 {
        %ge3A = arith.constant 2 : i32
        %ge3A_262 = arith.cmpi sge, %add3A_202, %ge3A : i32
        %convert_element_type3A_263 = arith.extui %ge3A_262 : i1 to i32
        %cond3A_264 = arith.constant 0 : i32
        %cond3A_265 = arith.cmpi ne, %convert_element_type3A_263, %cond3A_264 : i32
        scf.if %cond3A_265 {
          %dma_wait3A_281 = arith.constant 0 : i32
          %dma_wait3A_282 = arith.constant 0 : i32
          %dma_wait3A_283 = tpu.memref_slice %arg4[%dma_wait3A_281, %dma_wait3A_282] : memref<4x128xi32, #tpu.memory_space<vmem>> -> memref<1x128xi32, #tpu.memory_space<vmem>>
          %dma_wait3A_284 = tpu.memref_squeeze %dma_wait3A_283 : memref<1x128xi32, #tpu.memory_space<vmem>> -> memref<128xi32, #tpu.memory_space<vmem>>
          %dma_wait3A_285 = arith.constant 0 : i32
          %dma_wait3A_286 = arith.constant 0 : i32
          %dma_wait3A_287 = tpu.memref_slice %arg7[%dma_wait3A_285, %dma_wait3A_286] : memref<10240x128xf32, #tpu.memory_space<vmem_shared>> -> memref<10240x128xf32, #tpu.memory_space<vmem_shared>>
          tpu.wait_indirect_dma semaphore(%arg12 : memref<!tpu.dma_semaphore, #tpu.memory_space<semaphore_mem>>) src(%arg5 : memref<128x128xf32, #tpu.memory_space<vmem>>) dst(%dma_wait3A_287 : memref<10240x128xf32, #tpu.memory_space<vmem_shared>>)
        } else {
        }
        %add3A_266 = arith.constant 2 : i32
        %add3A_267 = arith.addi %add3A_202, %add3A_266 : i32
        %dma_start3A_268 = arith.constant 0 : i32
        %dma_start3A_269 = arith.constant 0 : i32
        %dma_start3A_270 = tpu.memref_slice %arg4[%dma_start3A_268, %dma_start3A_269] : memref<4x128xi32, #tpu.memory_space<vmem>> -> memref<1x128xi32, #tpu.memory_space<vmem>>
        %dma_start3A_271 = tpu.memref_squeeze %dma_start3A_270 : memref<1x128xi32, #tpu.memory_space<vmem>> -> memref<128xi32, #tpu.memory_space<vmem>>
        %dma_start3A_272 = arith.constant 0 : i32
        %dma_start3A_273 = tpu.memref_slice %arg2[%arg0, %arg1, %add3A_267, %dma_start3A_272] : memref<2x16x40x128xi32, #tpu.memory_space<hbm>> -> memref<1x1x1x128xi32, #tpu.memory_space<hbm>>
        %dma_start3A_274 = tpu.memref_squeeze %dma_start3A_273 : memref<1x1x1x128xi32, #tpu.memory_space<hbm>> -> memref<128xi32, #tpu.memory_space<hbm>>
        %dma_start3A_275 = arith.constant 0 : i32
        %dma_start3A_276 = tpu.memref_slice %arg4[%dma_start3A_268, %dma_start3A_275] : memref<4x128xi32, #tpu.memory_space<vmem>> -> memref<1x128xi32, #tpu.memory_space<vmem>>
        %dma_start3A_277 = tpu.memref_squeeze %dma_start3A_276 : memref<1x128xi32, #tpu.memory_space<vmem>> -> memref<128xi32, #tpu.memory_space<vmem>>
        %dma_start3A_278 = arith.constant 0 : i32
        %dma_start3A_279 = tpu.memref_slice %arg2[%arg0, %arg1, %add3A_267, %dma_start3A_278] : memref<2x16x40x128xi32, #tpu.memory_space<hbm>> -> memref<1x1x1x128xi32, #tpu.memory_space<hbm>>
        %dma_start3A_280 = tpu.memref_squeeze %dma_start3A_279 : memref<1x1x1x128xi32, #tpu.memory_space<hbm>> -> memref<128xi32, #tpu.memory_space<hbm>>
        tpu.enqueue_dma source(%dma_start3A_280 : memref<128xi32, #tpu.memory_space<hbm>>) target(%dma_start3A_277 : memref<128xi32, #tpu.memory_space<vmem>>) target_semaphore(%arg8 : memref<!tpu.dma_semaphore, #tpu.memory_space<semaphore_mem>>)
      } else {
      }
      %mul3A_230 = arith.constant 4 : i32
      %mul3A_231 = arith.muli %scan3A_138, %mul3A_230 : i32
      %add3A_232 = arith.constant 3 : i32
      %add3A_233 = arith.addi %mul3A_231, %add3A_232 : i32
      %dma_wait3A_234 = arith.constant 3 : i32
      %dma_wait3A_235 = arith.constant 0 : i32
      %dma_wait3A_236 = tpu.memref_slice %arg4[%dma_wait3A_234, %dma_wait3A_235] : memref<4x128xi32, #tpu.memory_space<vmem>> -> memref<1x128xi32, #tpu.memory_space<vmem>>
      %dma_wait3A_237 = tpu.memref_squeeze %dma_wait3A_236 : memref<1x128xi32, #tpu.memory_space<vmem>> -> memref<128xi32, #tpu.memory_space<vmem>>
      %dma_wait3A_238 = arith.constant 0 : i32
      %dma_wait3A_239 = tpu.memref_slice %arg2[%arg0, %arg1, %add3A_233, %dma_wait3A_238] : memref<2x16x40x128xi32, #tpu.memory_space<hbm>> -> memref<1x1x1x128xi32, #tpu.memory_space<hbm>>
      %dma_wait3A_240 = tpu.memref_squeeze %dma_wait3A_239 : memref<1x1x1x128xi32, #tpu.memory_space<hbm>> -> memref<128xi32, #tpu.memory_space<hbm>>
      %dma_wait3A_241 = arith.constant 0 : i32
      %dma_wait3A_242 = tpu.memref_slice %arg4[%dma_wait3A_234, %dma_wait3A_241] : memref<4x128xi32, #tpu.memory_space<vmem>> -> memref<1x128xi32, #tpu.memory_space<vmem>>
      %dma_wait3A_243 = tpu.memref_squeeze %dma_wait3A_242 : memref<1x128xi32, #tpu.memory_space<vmem>> -> memref<128xi32, #tpu.memory_space<vmem>>
      %dma_wait3A_244 = arith.constant 0 : i32
      %dma_wait3A_245 = tpu.memref_slice %arg2[%arg0, %arg1, %add3A_233, %dma_wait3A_244] : memref<2x16x40x128xi32, #tpu.memory_space<hbm>> -> memref<1x1x1x128xi32, #tpu.memory_space<hbm>>
      %dma_wait3A_246 = tpu.memref_squeeze %dma_wait3A_245 : memref<1x1x1x128xi32, #tpu.memory_space<hbm>> -> memref<128xi32, #tpu.memory_space<hbm>>
      tpu.wait_dma2 semaphore(%arg11 : memref<!tpu.dma_semaphore, #tpu.memory_space<semaphore_mem>>) src(%dma_wait3A_246 : memref<128xi32, #tpu.memory_space<hbm>>) dst(%dma_wait3A_243 : memref<128xi32, #tpu.memory_space<vmem>>)
      %dma_start3A_247 = arith.constant 3 : i32
      %dma_start3A_248 = arith.constant 0 : i32
      %dma_start3A_249 = tpu.memref_slice %arg4[%dma_start3A_247, %dma_start3A_248] : memref<4x128xi32, #tpu.memory_space<vmem>> -> memref<1x128xi32, #tpu.memory_space<vmem>>
      %dma_start3A_250 = tpu.memref_squeeze %dma_start3A_249 : memref<1x128xi32, #tpu.memory_space<vmem>> -> memref<128xi32, #tpu.memory_space<vmem>>
      %dma_start3A_251 = arith.constant 0 : i32
      %dma_start3A_252 = arith.constant 0 : i32
      %dma_start3A_253 = tpu.memref_slice %arg7[%dma_start3A_251, %dma_start3A_252] : memref<10240x128xf32, #tpu.memory_space<vmem_shared>> -> memref<10240x128xf32, #tpu.memory_space<vmem_shared>>
      tpu.enqueue_indirect_dma source(%arg5 : memref<128x128xf32, #tpu.memory_space<vmem>>) target(%dma_start3A_253 : memref<10240x128xf32, #tpu.memory_space<vmem_shared>>) offsets(%dma_start3A_250 : memref<128xi32, #tpu.memory_space<vmem>>) semaphore(%arg15 : memref<!tpu.dma_semaphore, #tpu.memory_space<semaphore_mem>>) {add = true}
      %add3A_254 = arith.constant 2 : i32
      %add3A_255 = arith.addi %add3A_233, %add3A_254 : i32
      %lt3A_256 = arith.constant 40 : i32
      %lt3A_257 = arith.cmpi slt, %add3A_255, %lt3A_256 : i32
      %convert_element_type3A_258 = arith.extui %lt3A_257 : i1 to i32
      %cond3A_259 = arith.constant 0 : i32
      %cond3A_260 = arith.cmpi ne, %convert_element_type3A_258, %cond3A_259 : i32
      scf.if %cond3A_260 {
        %ge3A = arith.constant 2 : i32
        %ge3A_262 = arith.cmpi sge, %add3A_233, %ge3A : i32
        %convert_element_type3A_263 = arith.extui %ge3A_262 : i1 to i32
        %cond3A_264 = arith.constant 0 : i32
        %cond3A_265 = arith.cmpi ne, %convert_element_type3A_263, %cond3A_264 : i32
        scf.if %cond3A_265 {
          %dma_wait3A_281 = arith.constant 1 : i32
          %dma_wait3A_282 = arith.constant 0 : i32
          %dma_wait3A_283 = tpu.memref_slice %arg4[%dma_wait3A_281, %dma_wait3A_282] : memref<4x128xi32, #tpu.memory_space<vmem>> -> memref<1x128xi32, #tpu.memory_space<vmem>>
          %dma_wait3A_284 = tpu.memref_squeeze %dma_wait3A_283 : memref<1x128xi32, #tpu.memory_space<vmem>> -> memref<128xi32, #tpu.memory_space<vmem>>
          %dma_wait3A_285 = arith.constant 0 : i32
          %dma_wait3A_286 = arith.constant 0 : i32
          %dma_wait3A_287 = tpu.memref_slice %arg7[%dma_wait3A_285, %dma_wait3A_286] : memref<10240x128xf32, #tpu.memory_space<vmem_shared>> -> memref<10240x128xf32, #tpu.memory_space<vmem_shared>>
          tpu.wait_indirect_dma semaphore(%arg13 : memref<!tpu.dma_semaphore, #tpu.memory_space<semaphore_mem>>) src(%arg5 : memref<128x128xf32, #tpu.memory_space<vmem>>) dst(%dma_wait3A_287 : memref<10240x128xf32, #tpu.memory_space<vmem_shared>>)
        } else {
        }
        %add3A_266 = arith.constant 2 : i32
        %add3A_267 = arith.addi %add3A_233, %add3A_266 : i32
        %dma_start3A_268 = arith.constant 1 : i32
        %dma_start3A_269 = arith.constant 0 : i32
        %dma_start3A_270 = tpu.memref_slice %arg4[%dma_start3A_268, %dma_start3A_269] : memref<4x128xi32, #tpu.memory_space<vmem>> -> memref<1x128xi32, #tpu.memory_space<vmem>>
        %dma_start3A_271 = tpu.memref_squeeze %dma_start3A_270 : memref<1x128xi32, #tpu.memory_space<vmem>> -> memref<128xi32, #tpu.memory_space<vmem>>
        %dma_start3A_272 = arith.constant 0 : i32
        %dma_start3A_273 = tpu.memref_slice %arg2[%arg0, %arg1, %add3A_267, %dma_start3A_272] : memref<2x16x40x128xi32, #tpu.memory_space<hbm>> -> memref<1x1x1x128xi32, #tpu.memory_space<hbm>>
        %dma_start3A_274 = tpu.memref_squeeze %dma_start3A_273 : memref<1x1x1x128xi32, #tpu.memory_space<hbm>> -> memref<128xi32, #tpu.memory_space<hbm>>
        %dma_start3A_275 = arith.constant 0 : i32
        %dma_start3A_276 = tpu.memref_slice %arg4[%dma_start3A_268, %dma_start3A_275] : memref<4x128xi32, #tpu.memory_space<vmem>> -> memref<1x128xi32, #tpu.memory_space<vmem>>
        %dma_start3A_277 = tpu.memref_squeeze %dma_start3A_276 : memref<1x128xi32, #tpu.memory_space<vmem>> -> memref<128xi32, #tpu.memory_space<vmem>>
        %dma_start3A_278 = arith.constant 0 : i32
        %dma_start3A_279 = tpu.memref_slice %arg2[%arg0, %arg1, %add3A_267, %dma_start3A_278] : memref<2x16x40x128xi32, #tpu.memory_space<hbm>> -> memref<1x1x1x128xi32, #tpu.memory_space<hbm>>
        %dma_start3A_280 = tpu.memref_squeeze %dma_start3A_279 : memref<1x1x1x128xi32, #tpu.memory_space<hbm>> -> memref<128xi32, #tpu.memory_space<hbm>>
        tpu.enqueue_dma source(%dma_start3A_280 : memref<128xi32, #tpu.memory_space<hbm>>) target(%dma_start3A_277 : memref<128xi32, #tpu.memory_space<vmem>>) target_semaphore(%arg9 : memref<!tpu.dma_semaphore, #tpu.memory_space<semaphore_mem>>)
      } else {
      }
      %scan3A_261 = arith.constant 0 : i32
      scf.yield %scan3A_261 : i32
    }
    %scan3A_108 = arith.constant 10 : i32
    %dma_wait3A_109 = arith.constant 0 : i32
    %dma_wait3A_110 = arith.constant 0 : i32
    %dma_wait3A_111 = tpu.memref_slice %arg4[%dma_wait3A_109, %dma_wait3A_110] : memref<4x128xi32, #tpu.memory_space<vmem>> -> memref<1x128xi32, #tpu.memory_space<vmem>>
    %dma_wait3A_112 = tpu.memref_squeeze %dma_wait3A_111 : memref<1x128xi32, #tpu.memory_space<vmem>> -> memref<128xi32, #tpu.memory_space<vmem>>
    %dma_wait3A_113 = arith.constant 0 : i32
    %dma_wait3A_114 = arith.constant 0 : i32
    %dma_wait3A_115 = tpu.memref_slice %arg7[%dma_wait3A_113, %dma_wait3A_114] : memref<10240x128xf32, #tpu.memory_space<vmem_shared>> -> memref<10240x128xf32, #tpu.memory_space<vmem_shared>>
    tpu.wait_indirect_dma semaphore(%arg12 : memref<!tpu.dma_semaphore, #tpu.memory_space<semaphore_mem>>) src(%arg5 : memref<128x128xf32, #tpu.memory_space<vmem>>) dst(%dma_wait3A_115 : memref<10240x128xf32, #tpu.memory_space<vmem_shared>>)
    %dma_wait3A_116 = arith.constant 1 : i32
    %dma_wait3A_117 = arith.constant 0 : i32
    %dma_wait3A_118 = tpu.memref_slice %arg4[%dma_wait3A_116, %dma_wait3A_117] : memref<4x128xi32, #tpu.memory_space<vmem>> -> memref<1x128xi32, #tpu.memory_space<vmem>>
    %dma_wait3A_119 = tpu.memref_squeeze %dma_wait3A_118 : memref<1x128xi32, #tpu.memory_space<vmem>> -> memref<128xi32, #tpu.memory_space<vmem>>
    %dma_wait3A_120 = arith.constant 0 : i32
    %dma_wait3A_121 = arith.constant 0 : i32
    %dma_wait3A_122 = tpu.memref_slice %arg7[%dma_wait3A_120, %dma_wait3A_121] : memref<10240x128xf32, #tpu.memory_space<vmem_shared>> -> memref<10240x128xf32, #tpu.memory_space<vmem_shared>>
    tpu.wait_indirect_dma semaphore(%arg13 : memref<!tpu.dma_semaphore, #tpu.memory_space<semaphore_mem>>) src(%arg5 : memref<128x128xf32, #tpu.memory_space<vmem>>) dst(%dma_wait3A_122 : memref<10240x128xf32, #tpu.memory_space<vmem_shared>>)
    %dma_wait3A_123 = arith.constant 2 : i32
    %dma_wait3A_124 = arith.constant 0 : i32
    %dma_wait3A_125 = tpu.memref_slice %arg4[%dma_wait3A_123, %dma_wait3A_124] : memref<4x128xi32, #tpu.memory_space<vmem>> -> memref<1x128xi32, #tpu.memory_space<vmem>>
    %dma_wait3A_126 = tpu.memref_squeeze %dma_wait3A_125 : memref<1x128xi32, #tpu.memory_space<vmem>> -> memref<128xi32, #tpu.memory_space<vmem>>
    %dma_wait3A_127 = arith.constant 0 : i32
    %dma_wait3A_128 = arith.constant 0 : i32
    %dma_wait3A_129 = tpu.memref_slice %arg7[%dma_wait3A_127, %dma_wait3A_128] : memref<10240x128xf32, #tpu.memory_space<vmem_shared>> -> memref<10240x128xf32, #tpu.memory_space<vmem_shared>>
    tpu.wait_indirect_dma semaphore(%arg14 : memref<!tpu.dma_semaphore, #tpu.memory_space<semaphore_mem>>) src(%arg5 : memref<128x128xf32, #tpu.memory_space<vmem>>) dst(%dma_wait3A_129 : memref<10240x128xf32, #tpu.memory_space<vmem_shared>>)
    %dma_wait3A_130 = arith.constant 3 : i32
    %dma_wait3A_131 = arith.constant 0 : i32
    %dma_wait3A_132 = tpu.memref_slice %arg4[%dma_wait3A_130, %dma_wait3A_131] : memref<4x128xi32, #tpu.memory_space<vmem>> -> memref<1x128xi32, #tpu.memory_space<vmem>>
    %dma_wait3A_133 = tpu.memref_squeeze %dma_wait3A_132 : memref<1x128xi32, #tpu.memory_space<vmem>> -> memref<128xi32, #tpu.memory_space<vmem>>
    %dma_wait3A_134 = arith.constant 0 : i32
    %dma_wait3A_135 = arith.constant 0 : i32
    %dma_wait3A_136 = tpu.memref_slice %arg7[%dma_wait3A_134, %dma_wait3A_135] : memref<10240x128xf32, #tpu.memory_space<vmem_shared>> -> memref<10240x128xf32, #tpu.memory_space<vmem_shared>>
    tpu.wait_indirect_dma semaphore(%arg15 : memref<!tpu.dma_semaphore, #tpu.memory_space<semaphore_mem>>) src(%arg5 : memref<128x128xf32, #tpu.memory_space<vmem>>) dst(%dma_wait3A_136 : memref<10240x128xf32, #tpu.memory_space<vmem_shared>>)
    %barrier3A_137 = arith.constant 0 : index
    tpu.barrier barrier_id(%barrier3A_137)
    "tpu.region"() ({
      %run_scoped3A = tpu.sem_alloc : memref<!tpu.dma_semaphore, #tpu.memory_space<semaphore_mem>>
      %dma_start3A_138 = arith.constant 0 : i32
      %dma_start3A_139 = tpu.memref_slice %arg3[%arg0, %mul3A_16, %dma_start3A_138] : memref<2x10240x128xf32, #tpu.memory_space<hbm>> -> memref<1x640x128xf32, #tpu.memory_space<hbm>>
      %dma_start3A_140 = tpu.memref_squeeze %dma_start3A_139 : memref<1x640x128xf32, #tpu.memory_space<hbm>> -> memref<640x128xf32, #tpu.memory_space<hbm>>
      %dma_start3A_141 = arith.constant 0 : i32
      %dma_start3A_142 = tpu.memref_slice %arg7[%mul3A_16, %dma_start3A_141] : memref<10240x128xf32, #tpu.memory_space<vmem_shared>> -> memref<640x128xf32, #tpu.memory_space<vmem_shared>>
      tpu.enqueue_dma source(%dma_start3A_142 : memref<640x128xf32, #tpu.memory_space<vmem_shared>>) target(%dma_start3A_140 : memref<640x128xf32, #tpu.memory_space<hbm>>) target_semaphore(%run_scoped3A : memref<!tpu.dma_semaphore, #tpu.memory_space<semaphore_mem>>)
      %dma_wait3A_143 = arith.constant 0 : i32
      %dma_wait3A_144 = tpu.memref_slice %arg3[%arg0, %mul3A_16, %dma_wait3A_143] : memref<2x10240x128xf32, #tpu.memory_space<hbm>> -> memref<1x640x128xf32, #tpu.memory_space<hbm>>
      %dma_wait3A_145 = tpu.memref_squeeze %dma_wait3A_144 : memref<1x640x128xf32, #tpu.memory_space<hbm>> -> memref<640x128xf32, #tpu.memory_space<hbm>>
      %dma_wait3A_146 = arith.constant 0 : i32
      %dma_wait3A_147 = tpu.memref_slice %arg7[%mul3A_16, %dma_wait3A_146] : memref<10240x128xf32, #tpu.memory_space<vmem_shared>> -> memref<640x128xf32, #tpu.memory_space<vmem_shared>>
      tpu.wait_dma2 semaphore(%run_scoped3A : memref<!tpu.dma_semaphore, #tpu.memory_space<semaphore_mem>>) src(%dma_wait3A_147 : memref<640x128xf32, #tpu.memory_space<vmem_shared>>) dst(%dma_wait3A_145 : memref<640x128xf32, #tpu.memory_space<hbm>>)
      tpu.yield
    }) : () -> ()
    return
  }
}

#map = affine_map<(d0, d1) -> (0, 0)>
#map1 = affine_map<(d0, d1) -> (0, 0, 0, 0)>
#map2 = affine_map<(d0, d1) -> (0, 0, 0)>
module attributes {stable_mosaic.version = 14 : i64} {
  func.func @agg(%arg0: i32, %arg1: i32, %arg2: memref<10000x128xf32, #tpu.memory_space<hbm>>, %arg3: memref<2x16x40x128xi32, #tpu.memory_space<hbm>>, %arg4: memref<2x16x40x128xi32, #tpu.memory_space<hbm>>, %arg5: memref<2x10240x128xf32, #tpu.memory_space<hbm>>, %arg6: memref<40x128xi32, #tpu.memory_space<vmem>>, %arg7: memref<2x128xi32, #tpu.memory_space<vmem>>, %arg8: memref<2x128x128xf32, #tpu.memory_space<vmem>>, %arg9: memref<10240x128xf32, #tpu.memory_space<vmem_shared>>, %arg10: memref<!tpu.dma_semaphore, #tpu.memory_space<semaphore_mem>>, %arg11: memref<!tpu.dma_semaphore, #tpu.memory_space<semaphore_mem>>, %arg12: memref<!tpu.dma_semaphore, #tpu.memory_space<semaphore_mem>>, %arg13: memref<!tpu.dma_semaphore, #tpu.memory_space<semaphore_mem>>, %arg14: memref<!tpu.dma_semaphore, #tpu.memory_space<semaphore_mem>>, %arg15: memref<!tpu.dma_semaphore, #tpu.memory_space<semaphore_mem>>, %arg16: memref<!tpu.dma_semaphore, #tpu.memory_space<semaphore_mem>>) attributes {dimension_semantics = [#tpu.dimension_semantics<core_parallel>, #tpu.dimension_semantics<subcore_parallel>], iteration_bounds = array<i64: 2, 16>, scalar_prefetch = 0 : i64, scratch_operands = 11 : i64, tpu.core_type = #tpu.core_type<sc_vector_subcore>, window_params = [{transform_indices = #map}, {transform_indices = #map1}, {transform_indices = #map1}, {transform_indices = #map2}]} {
    %broadcast_in_dim3A = arith.constant 0.000000e+00 : f32
    %broadcast_in_dim3A_0 = vector.broadcast %broadcast_in_dim3A : f32 to vector<16xf32>
    %scan3A = arith.constant 0 : i32
    %scan3A_1 = arith.constant 0 : i32
    %scan3A_2 = arith.constant 0 : i32
    %scan3A_3 = arith.constant 128 : i32
    %scan3A_4 = arith.addi %scan3A_2, %scan3A_3 : i32
    %scan3A_5 = arith.constant 1 : i32
    %scan3A_6 = scf.for %scan3A_240 = %scan3A_2 to %scan3A_4 step %scan3A_5 iter_args(%scan3A_241 = %scan3A_1) -> (i32)  : i32 {
      %swap3A = arith.constant 0 : i32
      %swap3A_242 = arith.constant 0 : i32
      %swap3A_243 = tpu.memref_slice %arg8[%scan3A, %swap3A, %swap3A_242] : memref<2x128x128xf32, #tpu.memory_space<vmem>> -> memref<1x128x128xf32, #tpu.memory_space<vmem>>
      %swap3A_244 = tpu.memref_squeeze %swap3A_243 : memref<1x128x128xf32, #tpu.memory_space<vmem>> -> memref<128x128xf32, #tpu.memory_space<vmem>>
      %swap3A_245 = arith.index_cast %scan3A_240 : i32 to index
      %swap3A_246 = arith.constant 0 : index
      %swap3A_247 = tpu.vector_load %swap3A_244[%swap3A_245, %swap3A_246] {strides = array<i32>} : memref<128x128xf32, #tpu.memory_space<vmem>>, vector<1x16xf32>,
      %swap3A_248 = vector.shape_cast %swap3A_247 : vector<1x16xf32> to vector<16xf32>
      %swap3A_249 = vector.shape_cast %broadcast_in_dim3A_0 : vector<16xf32> to vector<1x16xf32>
      tpu.vector_store %swap3A_244[%swap3A_245, %swap3A_246], %swap3A_249 {strides = array<i32>} : memref<128x128xf32, #tpu.memory_space<vmem>>, vector<1x16xf32>,
      %swap3A_250 = arith.constant 0 : i32
      %swap3A_251 = arith.constant 0 : i32
      %swap3A_252 = tpu.memref_slice %arg8[%scan3A, %swap3A_250, %swap3A_251] : memref<2x128x128xf32, #tpu.memory_space<vmem>> -> memref<1x128x128xf32, #tpu.memory_space<vmem>>
      %swap3A_253 = tpu.memref_squeeze %swap3A_252 : memref<1x128x128xf32, #tpu.memory_space<vmem>> -> memref<128x128xf32, #tpu.memory_space<vmem>>
      %swap3A_254 = arith.index_cast %scan3A_240 : i32 to index
      %swap3A_255 = arith.constant 16 : index
      %swap3A_256 = tpu.vector_load %swap3A_253[%swap3A_254, %swap3A_255] {strides = array<i32>} : memref<128x128xf32, #tpu.memory_space<vmem>>, vector<1x16xf32>,
      %swap3A_257 = vector.shape_cast %swap3A_256 : vector<1x16xf32> to vector<16xf32>
      %swap3A_258 = vector.shape_cast %broadcast_in_dim3A_0 : vector<16xf32> to vector<1x16xf32>
      tpu.vector_store %swap3A_253[%swap3A_254, %swap3A_255], %swap3A_258 {strides = array<i32>} : memref<128x128xf32, #tpu.memory_space<vmem>>, vector<1x16xf32>,
      %swap3A_259 = arith.constant 0 : i32
      %swap3A_260 = arith.constant 0 : i32
      %swap3A_261 = tpu.memref_slice %arg8[%scan3A, %swap3A_259, %swap3A_260] : memref<2x128x128xf32, #tpu.memory_space<vmem>> -> memref<1x128x128xf32, #tpu.memory_space<vmem>>
      %swap3A_262 = tpu.memref_squeeze %swap3A_261 : memref<1x128x128xf32, #tpu.memory_space<vmem>> -> memref<128x128xf32, #tpu.memory_space<vmem>>
      %swap3A_263 = arith.index_cast %scan3A_240 : i32 to index
      %swap3A_264 = arith.constant 32 : index
      %swap3A_265 = tpu.vector_load %swap3A_262[%swap3A_263, %swap3A_264] {strides = array<i32>} : memref<128x128xf32, #tpu.memory_space<vmem>>, vector<1x16xf32>,
      %swap3A_266 = vector.shape_cast %swap3A_265 : vector<1x16xf32> to vector<16xf32>
      %swap3A_267 = vector.shape_cast %broadcast_in_dim3A_0 : vector<16xf32> to vector<1x16xf32>
      tpu.vector_store %swap3A_262[%swap3A_263, %swap3A_264], %swap3A_267 {strides = array<i32>} : memref<128x128xf32, #tpu.memory_space<vmem>>, vector<1x16xf32>,
      %swap3A_268 = arith.constant 0 : i32
      %swap3A_269 = arith.constant 0 : i32
      %swap3A_270 = tpu.memref_slice %arg8[%scan3A, %swap3A_268, %swap3A_269] : memref<2x128x128xf32, #tpu.memory_space<vmem>> -> memref<1x128x128xf32, #tpu.memory_space<vmem>>
      %swap3A_271 = tpu.memref_squeeze %swap3A_270 : memref<1x128x128xf32, #tpu.memory_space<vmem>> -> memref<128x128xf32, #tpu.memory_space<vmem>>
      %swap3A_272 = arith.index_cast %scan3A_240 : i32 to index
      %swap3A_273 = arith.constant 48 : index
      %swap3A_274 = tpu.vector_load %swap3A_271[%swap3A_272, %swap3A_273] {strides = array<i32>} : memref<128x128xf32, #tpu.memory_space<vmem>>, vector<1x16xf32>,
      %swap3A_275 = vector.shape_cast %swap3A_274 : vector<1x16xf32> to vector<16xf32>
      %swap3A_276 = vector.shape_cast %broadcast_in_dim3A_0 : vector<16xf32> to vector<1x16xf32>
      tpu.vector_store %swap3A_271[%swap3A_272, %swap3A_273], %swap3A_276 {strides = array<i32>} : memref<128x128xf32, #tpu.memory_space<vmem>>, vector<1x16xf32>,
      %swap3A_277 = arith.constant 0 : i32
      %swap3A_278 = arith.constant 0 : i32
      %swap3A_279 = tpu.memref_slice %arg8[%scan3A, %swap3A_277, %swap3A_278] : memref<2x128x128xf32, #tpu.memory_space<vmem>> -> memref<1x128x128xf32, #tpu.memory_space<vmem>>
      %swap3A_280 = tpu.memref_squeeze %swap3A_279 : memref<1x128x128xf32, #tpu.memory_space<vmem>> -> memref<128x128xf32, #tpu.memory_space<vmem>>
      %swap3A_281 = arith.index_cast %scan3A_240 : i32 to index
      %swap3A_282 = arith.constant 64 : index
      %swap3A_283 = tpu.vector_load %swap3A_280[%swap3A_281, %swap3A_282] {strides = array<i32>} : memref<128x128xf32, #tpu.memory_space<vmem>>, vector<1x16xf32>,
      %swap3A_284 = vector.shape_cast %swap3A_283 : vector<1x16xf32> to vector<16xf32>
      %swap3A_285 = vector.shape_cast %broadcast_in_dim3A_0 : vector<16xf32> to vector<1x16xf32>
      tpu.vector_store %swap3A_280[%swap3A_281, %swap3A_282], %swap3A_285 {strides = array<i32>} : memref<128x128xf32, #tpu.memory_space<vmem>>, vector<1x16xf32>,
      %swap3A_286 = arith.constant 0 : i32
      %swap3A_287 = arith.constant 0 : i32
      %swap3A_288 = tpu.memref_slice %arg8[%scan3A, %swap3A_286, %swap3A_287] : memref<2x128x128xf32, #tpu.memory_space<vmem>> -> memref<1x128x128xf32, #tpu.memory_space<vmem>>
      %swap3A_289 = tpu.memref_squeeze %swap3A_288 : memref<1x128x128xf32, #tpu.memory_space<vmem>> -> memref<128x128xf32, #tpu.memory_space<vmem>>
      %swap3A_290 = arith.index_cast %scan3A_240 : i32 to index
      %swap3A_291 = arith.constant 80 : index
      %swap3A_292 = tpu.vector_load %swap3A_289[%swap3A_290, %swap3A_291] {strides = array<i32>} : memref<128x128xf32, #tpu.memory_space<vmem>>, vector<1x16xf32>,
      %swap3A_293 = vector.shape_cast %swap3A_292 : vector<1x16xf32> to vector<16xf32>
      %swap3A_294 = vector.shape_cast %broadcast_in_dim3A_0 : vector<16xf32> to vector<1x16xf32>
      tpu.vector_store %swap3A_289[%swap3A_290, %swap3A_291], %swap3A_294 {strides = array<i32>} : memref<128x128xf32, #tpu.memory_space<vmem>>, vector<1x16xf32>,
      %swap3A_295 = arith.constant 0 : i32
      %swap3A_296 = arith.constant 0 : i32
      %swap3A_297 = tpu.memref_slice %arg8[%scan3A, %swap3A_295, %swap3A_296] : memref<2x128x128xf32, #tpu.memory_space<vmem>> -> memref<1x128x128xf32, #tpu.memory_space<vmem>>
      %swap3A_298 = tpu.memref_squeeze %swap3A_297 : memref<1x128x128xf32, #tpu.memory_space<vmem>> -> memref<128x128xf32, #tpu.memory_space<vmem>>
      %swap3A_299 = arith.index_cast %scan3A_240 : i32 to index
      %swap3A_300 = arith.constant 96 : index
      %swap3A_301 = tpu.vector_load %swap3A_298[%swap3A_299, %swap3A_300] {strides = array<i32>} : memref<128x128xf32, #tpu.memory_space<vmem>>, vector<1x16xf32>,
      %swap3A_302 = vector.shape_cast %swap3A_301 : vector<1x16xf32> to vector<16xf32>
      %swap3A_303 = vector.shape_cast %broadcast_in_dim3A_0 : vector<16xf32> to vector<1x16xf32>
      tpu.vector_store %swap3A_298[%swap3A_299, %swap3A_300], %swap3A_303 {strides = array<i32>} : memref<128x128xf32, #tpu.memory_space<vmem>>, vector<1x16xf32>,
      %swap3A_304 = arith.constant 0 : i32
      %swap3A_305 = arith.constant 0 : i32
      %swap3A_306 = tpu.memref_slice %arg8[%scan3A, %swap3A_304, %swap3A_305] : memref<2x128x128xf32, #tpu.memory_space<vmem>> -> memref<1x128x128xf32, #tpu.memory_space<vmem>>
      %swap3A_307 = tpu.memref_squeeze %swap3A_306 : memref<1x128x128xf32, #tpu.memory_space<vmem>> -> memref<128x128xf32, #tpu.memory_space<vmem>>
      %swap3A_308 = arith.index_cast %scan3A_240 : i32 to index
      %swap3A_309 = arith.constant 112 : index
      %swap3A_310 = tpu.vector_load %swap3A_307[%swap3A_308, %swap3A_309] {strides = array<i32>} : memref<128x128xf32, #tpu.memory_space<vmem>>, vector<1x16xf32>,
      %swap3A_311 = vector.shape_cast %swap3A_310 : vector<1x16xf32> to vector<16xf32>
      %swap3A_312 = vector.shape_cast %broadcast_in_dim3A_0 : vector<16xf32> to vector<1x16xf32>
      tpu.vector_store %swap3A_307[%swap3A_308, %swap3A_309], %swap3A_312 {strides = array<i32>} : memref<128x128xf32, #tpu.memory_space<vmem>>, vector<1x16xf32>,
      %scan3A_313 = arith.constant 0 : i32
      scf.yield %scan3A_313 : i32
    }
    %scan3A_7 = arith.constant 128 : i32
    %mul3A = arith.constant 640 : i32
    %mul3A_8 = arith.muli %arg1, %mul3A : i32
    %add3A = arith.constant 0 : i32
    %add3A_9 = arith.addi %mul3A_8, %add3A : i32
    %dma_start3A = arith.constant 0 : i32
    %dma_start3A_10 = arith.constant 0 : i32
    %dma_start3A_11 = arith.constant 0 : i32
    %dma_start3A_12 = tpu.memref_slice %arg8[%dma_start3A, %dma_start3A_10, %dma_start3A_11] : memref<2x128x128xf32, #tpu.memory_space<vmem>> -> memref<1x128x128xf32, #tpu.memory_space<vmem>>
    %dma_start3A_13 = tpu.memref_squeeze %dma_start3A_12 : memref<1x128x128xf32, #tpu.memory_space<vmem>> -> memref<128x128xf32, #tpu.memory_space<vmem>>
    %dma_start3A_14 = arith.constant 0 : i32
    %dma_start3A_15 = tpu.memref_slice %arg9[%add3A_9, %dma_start3A_14] : memref<10240x128xf32, #tpu.memory_space<vmem_shared>> -> memref<128x128xf32, #tpu.memory_space<vmem_shared>>
    %dma_start3A_16 = arith.constant 0 : i32
    %dma_start3A_17 = tpu.memref_slice %arg9[%add3A_9, %dma_start3A_16] : memref<10240x128xf32, #tpu.memory_space<vmem_shared>> -> memref<128x128xf32, #tpu.memory_space<vmem_shared>>
    %dma_start3A_18 = arith.constant 0 : i32
    %dma_start3A_19 = arith.constant 0 : i32
    %dma_start3A_20 = tpu.memref_slice %arg8[%dma_start3A, %dma_start3A_18, %dma_start3A_19] : memref<2x128x128xf32, #tpu.memory_space<vmem>> -> memref<1x128x128xf32, #tpu.memory_space<vmem>>
    %dma_start3A_21 = tpu.memref_squeeze %dma_start3A_20 : memref<1x128x128xf32, #tpu.memory_space<vmem>> -> memref<128x128xf32, #tpu.memory_space<vmem>>
    tpu.enqueue_dma source(%dma_start3A_21 : memref<128x128xf32, #tpu.memory_space<vmem>>) target(%dma_start3A_17 : memref<128x128xf32, #tpu.memory_space<vmem_shared>>) target_semaphore(%arg16 : memref<!tpu.dma_semaphore, #tpu.memory_space<semaphore_mem>>)
    %add3A_22 = arith.constant 128 : i32
    %add3A_23 = arith.addi %mul3A_8, %add3A_22 : i32
    %dma_start3A_24 = arith.constant 0 : i32
    %dma_start3A_25 = arith.constant 0 : i32
    %dma_start3A_26 = arith.constant 0 : i32
    %dma_start3A_27 = tpu.memref_slice %arg8[%dma_start3A_24, %dma_start3A_25, %dma_start3A_26] : memref<2x128x128xf32, #tpu.memory_space<vmem>> -> memref<1x128x128xf32, #tpu.memory_space<vmem>>
    %dma_start3A_28 = tpu.memref_squeeze %dma_start3A_27 : memref<1x128x128xf32, #tpu.memory_space<vmem>> -> memref<128x128xf32, #tpu.memory_space<vmem>>
    %dma_start3A_29 = arith.constant 0 : i32
    %dma_start3A_30 = tpu.memref_slice %arg9[%add3A_23, %dma_start3A_29] : memref<10240x128xf32, #tpu.memory_space<vmem_shared>> -> memref<128x128xf32, #tpu.memory_space<vmem_shared>>
    %dma_start3A_31 = arith.constant 0 : i32
    %dma_start3A_32 = tpu.memref_slice %arg9[%add3A_23, %dma_start3A_31] : memref<10240x128xf32, #tpu.memory_space<vmem_shared>> -> memref<128x128xf32, #tpu.memory_space<vmem_shared>>
    %dma_start3A_33 = arith.constant 0 : i32
    %dma_start3A_34 = arith.constant 0 : i32
    %dma_start3A_35 = tpu.memref_slice %arg8[%dma_start3A_24, %dma_start3A_33, %dma_start3A_34] : memref<2x128x128xf32, #tpu.memory_space<vmem>> -> memref<1x128x128xf32, #tpu.memory_space<vmem>>
    %dma_start3A_36 = tpu.memref_squeeze %dma_start3A_35 : memref<1x128x128xf32, #tpu.memory_space<vmem>> -> memref<128x128xf32, #tpu.memory_space<vmem>>
    tpu.enqueue_dma source(%dma_start3A_36 : memref<128x128xf32, #tpu.memory_space<vmem>>) target(%dma_start3A_32 : memref<128x128xf32, #tpu.memory_space<vmem_shared>>) target_semaphore(%arg16 : memref<!tpu.dma_semaphore, #tpu.memory_space<semaphore_mem>>)
    %add3A_37 = arith.constant 256 : i32
    %add3A_38 = arith.addi %mul3A_8, %add3A_37 : i32
    %dma_start3A_39 = arith.constant 0 : i32
    %dma_start3A_40 = arith.constant 0 : i32
    %dma_start3A_41 = arith.constant 0 : i32
    %dma_start3A_42 = tpu.memref_slice %arg8[%dma_start3A_39, %dma_start3A_40, %dma_start3A_41] : memref<2x128x128xf32, #tpu.memory_space<vmem>> -> memref<1x128x128xf32, #tpu.memory_space<vmem>>
    %dma_start3A_43 = tpu.memref_squeeze %dma_start3A_42 : memref<1x128x128xf32, #tpu.memory_space<vmem>> -> memref<128x128xf32, #tpu.memory_space<vmem>>
    %dma_start3A_44 = arith.constant 0 : i32
    %dma_start3A_45 = tpu.memref_slice %arg9[%add3A_38, %dma_start3A_44] : memref<10240x128xf32, #tpu.memory_space<vmem_shared>> -> memref<128x128xf32, #tpu.memory_space<vmem_shared>>
    %dma_start3A_46 = arith.constant 0 : i32
    %dma_start3A_47 = tpu.memref_slice %arg9[%add3A_38, %dma_start3A_46] : memref<10240x128xf32, #tpu.memory_space<vmem_shared>> -> memref<128x128xf32, #tpu.memory_space<vmem_shared>>
    %dma_start3A_48 = arith.constant 0 : i32
    %dma_start3A_49 = arith.constant 0 : i32
    %dma_start3A_50 = tpu.memref_slice %arg8[%dma_start3A_39, %dma_start3A_48, %dma_start3A_49] : memref<2x128x128xf32, #tpu.memory_space<vmem>> -> memref<1x128x128xf32, #tpu.memory_space<vmem>>
    %dma_start3A_51 = tpu.memref_squeeze %dma_start3A_50 : memref<1x128x128xf32, #tpu.memory_space<vmem>> -> memref<128x128xf32, #tpu.memory_space<vmem>>
    tpu.enqueue_dma source(%dma_start3A_51 : memref<128x128xf32, #tpu.memory_space<vmem>>) target(%dma_start3A_47 : memref<128x128xf32, #tpu.memory_space<vmem_shared>>) target_semaphore(%arg16 : memref<!tpu.dma_semaphore, #tpu.memory_space<semaphore_mem>>)
    %add3A_52 = arith.constant 384 : i32
    %add3A_53 = arith.addi %mul3A_8, %add3A_52 : i32
    %dma_start3A_54 = arith.constant 0 : i32
    %dma_start3A_55 = arith.constant 0 : i32
    %dma_start3A_56 = arith.constant 0 : i32
    %dma_start3A_57 = tpu.memref_slice %arg8[%dma_start3A_54, %dma_start3A_55, %dma_start3A_56] : memref<2x128x128xf32, #tpu.memory_space<vmem>> -> memref<1x128x128xf32, #tpu.memory_space<vmem>>
    %dma_start3A_58 = tpu.memref_squeeze %dma_start3A_57 : memref<1x128x128xf32, #tpu.memory_space<vmem>> -> memref<128x128xf32, #tpu.memory_space<vmem>>
    %dma_start3A_59 = arith.constant 0 : i32
    %dma_start3A_60 = tpu.memref_slice %arg9[%add3A_53, %dma_start3A_59] : memref<10240x128xf32, #tpu.memory_space<vmem_shared>> -> memref<128x128xf32, #tpu.memory_space<vmem_shared>>
    %dma_start3A_61 = arith.constant 0 : i32
    %dma_start3A_62 = tpu.memref_slice %arg9[%add3A_53, %dma_start3A_61] : memref<10240x128xf32, #tpu.memory_space<vmem_shared>> -> memref<128x128xf32, #tpu.memory_space<vmem_shared>>
    %dma_start3A_63 = arith.constant 0 : i32
    %dma_start3A_64 = arith.constant 0 : i32
    %dma_start3A_65 = tpu.memref_slice %arg8[%dma_start3A_54, %dma_start3A_63, %dma_start3A_64] : memref<2x128x128xf32, #tpu.memory_space<vmem>> -> memref<1x128x128xf32, #tpu.memory_space<vmem>>
    %dma_start3A_66 = tpu.memref_squeeze %dma_start3A_65 : memref<1x128x128xf32, #tpu.memory_space<vmem>> -> memref<128x128xf32, #tpu.memory_space<vmem>>
    tpu.enqueue_dma source(%dma_start3A_66 : memref<128x128xf32, #tpu.memory_space<vmem>>) target(%dma_start3A_62 : memref<128x128xf32, #tpu.memory_space<vmem_shared>>) target_semaphore(%arg16 : memref<!tpu.dma_semaphore, #tpu.memory_space<semaphore_mem>>)
    %add3A_67 = arith.constant 512 : i32
    %add3A_68 = arith.addi %mul3A_8, %add3A_67 : i32
    %dma_start3A_69 = arith.constant 0 : i32
    %dma_start3A_70 = arith.constant 0 : i32
    %dma_start3A_71 = arith.constant 0 : i32
    %dma_start3A_72 = tpu.memref_slice %arg8[%dma_start3A_69, %dma_start3A_70, %dma_start3A_71] : memref<2x128x128xf32, #tpu.memory_space<vmem>> -> memref<1x128x128xf32, #tpu.memory_space<vmem>>
    %dma_start3A_73 = tpu.memref_squeeze %dma_start3A_72 : memref<1x128x128xf32, #tpu.memory_space<vmem>> -> memref<128x128xf32, #tpu.memory_space<vmem>>
    %dma_start3A_74 = arith.constant 0 : i32
    %dma_start3A_75 = tpu.memref_slice %arg9[%add3A_68, %dma_start3A_74] : memref<10240x128xf32, #tpu.memory_space<vmem_shared>> -> memref<128x128xf32, #tpu.memory_space<vmem_shared>>
    %dma_start3A_76 = arith.constant 0 : i32
    %dma_start3A_77 = tpu.memref_slice %arg9[%add3A_68, %dma_start3A_76] : memref<10240x128xf32, #tpu.memory_space<vmem_shared>> -> memref<128x128xf32, #tpu.memory_space<vmem_shared>>
    %dma_start3A_78 = arith.constant 0 : i32
    %dma_start3A_79 = arith.constant 0 : i32
    %dma_start3A_80 = tpu.memref_slice %arg8[%dma_start3A_69, %dma_start3A_78, %dma_start3A_79] : memref<2x128x128xf32, #tpu.memory_space<vmem>> -> memref<1x128x128xf32, #tpu.memory_space<vmem>>
    %dma_start3A_81 = tpu.memref_squeeze %dma_start3A_80 : memref<1x128x128xf32, #tpu.memory_space<vmem>> -> memref<128x128xf32, #tpu.memory_space<vmem>>
    tpu.enqueue_dma source(%dma_start3A_81 : memref<128x128xf32, #tpu.memory_space<vmem>>) target(%dma_start3A_77 : memref<128x128xf32, #tpu.memory_space<vmem_shared>>) target_semaphore(%arg16 : memref<!tpu.dma_semaphore, #tpu.memory_space<semaphore_mem>>)
    "tpu.region"() ({
      %run_scoped3A = tpu.sem_alloc : memref<!tpu.dma_semaphore, #tpu.memory_space<semaphore_mem>>
      %dma_start3A_240 = arith.constant 0 : i32
      %dma_start3A_241 = arith.constant 0 : i32
      %dma_start3A_242 = tpu.memref_slice %arg3[%arg0, %arg1, %dma_start3A_240, %dma_start3A_241] : memref<2x16x40x128xi32, #tpu.memory_space<hbm>> -> memref<1x1x40x128xi32, #tpu.memory_space<hbm>>
      %dma_start3A_243 = tpu.memref_squeeze %dma_start3A_242 : memref<1x1x40x128xi32, #tpu.memory_space<hbm>> -> memref<40x128xi32, #tpu.memory_space<hbm>>
      %dma_start3A_244 = arith.constant 0 : i32
      %dma_start3A_245 = arith.constant 0 : i32
      %dma_start3A_246 = tpu.memref_slice %arg3[%arg0, %arg1, %dma_start3A_244, %dma_start3A_245] : memref<2x16x40x128xi32, #tpu.memory_space<hbm>> -> memref<1x1x40x128xi32, #tpu.memory_space<hbm>>
      %dma_start3A_247 = tpu.memref_squeeze %dma_start3A_246 : memref<1x1x40x128xi32, #tpu.memory_space<hbm>> -> memref<40x128xi32, #tpu.memory_space<hbm>>
      tpu.enqueue_dma source(%dma_start3A_247 : memref<40x128xi32, #tpu.memory_space<hbm>>) target(%arg6 : memref<40x128xi32, #tpu.memory_space<vmem>>) target_semaphore(%run_scoped3A : memref<!tpu.dma_semaphore, #tpu.memory_space<semaphore_mem>>)
      %dma_wait3A_248 = arith.constant 0 : i32
      %dma_wait3A_249 = arith.constant 0 : i32
      %dma_wait3A_250 = tpu.memref_slice %arg3[%arg0, %arg1, %dma_wait3A_248, %dma_wait3A_249] : memref<2x16x40x128xi32, #tpu.memory_space<hbm>> -> memref<1x1x40x128xi32, #tpu.memory_space<hbm>>
      %dma_wait3A_251 = tpu.memref_squeeze %dma_wait3A_250 : memref<1x1x40x128xi32, #tpu.memory_space<hbm>> -> memref<40x128xi32, #tpu.memory_space<hbm>>
      %dma_wait3A_252 = arith.constant 0 : i32
      %dma_wait3A_253 = arith.constant 0 : i32
      %dma_wait3A_254 = tpu.memref_slice %arg3[%arg0, %arg1, %dma_wait3A_252, %dma_wait3A_253] : memref<2x16x40x128xi32, #tpu.memory_space<hbm>> -> memref<1x1x40x128xi32, #tpu.memory_space<hbm>>
      %dma_wait3A_255 = tpu.memref_squeeze %dma_wait3A_254 : memref<1x1x40x128xi32, #tpu.memory_space<hbm>> -> memref<40x128xi32, #tpu.memory_space<hbm>>
      tpu.wait_dma2 semaphore(%run_scoped3A : memref<!tpu.dma_semaphore, #tpu.memory_space<semaphore_mem>>) src(%dma_wait3A_255 : memref<40x128xi32, #tpu.memory_space<hbm>>) dst(%arg6 : memref<40x128xi32, #tpu.memory_space<vmem>>)
      tpu.yield
    }) : () -> ()
    %add3A_82 = arith.constant 0 : i32
    %add3A_83 = arith.addi %mul3A_8, %add3A_82 : i32
    %dma_wait3A = arith.constant 0 : i32
    %dma_wait3A_84 = arith.constant 0 : i32
    %dma_wait3A_85 = arith.constant 0 : i32
    %dma_wait3A_86 = tpu.memref_slice %arg8[%dma_wait3A, %dma_wait3A_84, %dma_wait3A_85] : memref<2x128x128xf32, #tpu.memory_space<vmem>> -> memref<1x128x128xf32, #tpu.memory_space<vmem>>
    %dma_wait3A_87 = tpu.memref_squeeze %dma_wait3A_86 : memref<1x128x128xf32, #tpu.memory_space<vmem>> -> memref<128x128xf32, #tpu.memory_space<vmem>>
    %dma_wait3A_88 = arith.constant 0 : i32
    %dma_wait3A_89 = tpu.memref_slice %arg9[%add3A_83, %dma_wait3A_88] : memref<10240x128xf32, #tpu.memory_space<vmem_shared>> -> memref<128x128xf32, #tpu.memory_space<vmem_shared>>
    %dma_wait3A_90 = arith.constant 0 : i32
    %dma_wait3A_91 = tpu.memref_slice %arg9[%add3A_83, %dma_wait3A_90] : memref<10240x128xf32, #tpu.memory_space<vmem_shared>> -> memref<128x128xf32, #tpu.memory_space<vmem_shared>>
    %dma_wait3A_92 = arith.constant 0 : i32
    %dma_wait3A_93 = arith.constant 0 : i32
    %dma_wait3A_94 = tpu.memref_slice %arg8[%dma_wait3A, %dma_wait3A_92, %dma_wait3A_93] : memref<2x128x128xf32, #tpu.memory_space<vmem>> -> memref<1x128x128xf32, #tpu.memory_space<vmem>>
    %dma_wait3A_95 = tpu.memref_squeeze %dma_wait3A_94 : memref<1x128x128xf32, #tpu.memory_space<vmem>> -> memref<128x128xf32, #tpu.memory_space<vmem>>
    tpu.wait_dma2 semaphore(%arg16 : memref<!tpu.dma_semaphore, #tpu.memory_space<semaphore_mem>>) src(%dma_wait3A_95 : memref<128x128xf32, #tpu.memory_space<vmem>>) dst(%dma_wait3A_91 : memref<128x128xf32, #tpu.memory_space<vmem_shared>>)
    %add3A_96 = arith.constant 128 : i32
    %add3A_97 = arith.addi %mul3A_8, %add3A_96 : i32
    %dma_wait3A_98 = arith.constant 0 : i32
    %dma_wait3A_99 = arith.constant 0 : i32
    %dma_wait3A_100 = arith.constant 0 : i32
    %dma_wait3A_101 = tpu.memref_slice %arg8[%dma_wait3A_98, %dma_wait3A_99, %dma_wait3A_100] : memref<2x128x128xf32, #tpu.memory_space<vmem>> -> memref<1x128x128xf32, #tpu.memory_space<vmem>>
    %dma_wait3A_102 = tpu.memref_squeeze %dma_wait3A_101 : memref<1x128x128xf32, #tpu.memory_space<vmem>> -> memref<128x128xf32, #tpu.memory_space<vmem>>
    %dma_wait3A_103 = arith.constant 0 : i32
    %dma_wait3A_104 = tpu.memref_slice %arg9[%add3A_97, %dma_wait3A_103] : memref<10240x128xf32, #tpu.memory_space<vmem_shared>> -> memref<128x128xf32, #tpu.memory_space<vmem_shared>>
    %dma_wait3A_105 = arith.constant 0 : i32
    %dma_wait3A_106 = tpu.memref_slice %arg9[%add3A_97, %dma_wait3A_105] : memref<10240x128xf32, #tpu.memory_space<vmem_shared>> -> memref<128x128xf32, #tpu.memory_space<vmem_shared>>
    %dma_wait3A_107 = arith.constant 0 : i32
    %dma_wait3A_108 = arith.constant 0 : i32
    %dma_wait3A_109 = tpu.memref_slice %arg8[%dma_wait3A_98, %dma_wait3A_107, %dma_wait3A_108] : memref<2x128x128xf32, #tpu.memory_space<vmem>> -> memref<1x128x128xf32, #tpu.memory_space<vmem>>
    %dma_wait3A_110 = tpu.memref_squeeze %dma_wait3A_109 : memref<1x128x128xf32, #tpu.memory_space<vmem>> -> memref<128x128xf32, #tpu.memory_space<vmem>>
    tpu.wait_dma2 semaphore(%arg16 : memref<!tpu.dma_semaphore, #tpu.memory_space<semaphore_mem>>) src(%dma_wait3A_110 : memref<128x128xf32, #tpu.memory_space<vmem>>) dst(%dma_wait3A_106 : memref<128x128xf32, #tpu.memory_space<vmem_shared>>)
    %add3A_111 = arith.constant 256 : i32
    %add3A_112 = arith.addi %mul3A_8, %add3A_111 : i32
    %dma_wait3A_113 = arith.constant 0 : i32
    %dma_wait3A_114 = arith.constant 0 : i32
    %dma_wait3A_115 = arith.constant 0 : i32
    %dma_wait3A_116 = tpu.memref_slice %arg8[%dma_wait3A_113, %dma_wait3A_114, %dma_wait3A_115] : memref<2x128x128xf32, #tpu.memory_space<vmem>> -> memref<1x128x128xf32, #tpu.memory_space<vmem>>
    %dma_wait3A_117 = tpu.memref_squeeze %dma_wait3A_116 : memref<1x128x128xf32, #tpu.memory_space<vmem>> -> memref<128x128xf32, #tpu.memory_space<vmem>>
    %dma_wait3A_118 = arith.constant 0 : i32
    %dma_wait3A_119 = tpu.memref_slice %arg9[%add3A_112, %dma_wait3A_118] : memref<10240x128xf32, #tpu.memory_space<vmem_shared>> -> memref<128x128xf32, #tpu.memory_space<vmem_shared>>
    %dma_wait3A_120 = arith.constant 0 : i32
    %dma_wait3A_121 = tpu.memref_slice %arg9[%add3A_112, %dma_wait3A_120] : memref<10240x128xf32, #tpu.memory_space<vmem_shared>> -> memref<128x128xf32, #tpu.memory_space<vmem_shared>>
    %dma_wait3A_122 = arith.constant 0 : i32
    %dma_wait3A_123 = arith.constant 0 : i32
    %dma_wait3A_124 = tpu.memref_slice %arg8[%dma_wait3A_113, %dma_wait3A_122, %dma_wait3A_123] : memref<2x128x128xf32, #tpu.memory_space<vmem>> -> memref<1x128x128xf32, #tpu.memory_space<vmem>>
    %dma_wait3A_125 = tpu.memref_squeeze %dma_wait3A_124 : memref<1x128x128xf32, #tpu.memory_space<vmem>> -> memref<128x128xf32, #tpu.memory_space<vmem>>
    tpu.wait_dma2 semaphore(%arg16 : memref<!tpu.dma_semaphore, #tpu.memory_space<semaphore_mem>>) src(%dma_wait3A_125 : memref<128x128xf32, #tpu.memory_space<vmem>>) dst(%dma_wait3A_121 : memref<128x128xf32, #tpu.memory_space<vmem_shared>>)
    %add3A_126 = arith.constant 384 : i32
    %add3A_127 = arith.addi %mul3A_8, %add3A_126 : i32
    %dma_wait3A_128 = arith.constant 0 : i32
    %dma_wait3A_129 = arith.constant 0 : i32
    %dma_wait3A_130 = arith.constant 0 : i32
    %dma_wait3A_131 = tpu.memref_slice %arg8[%dma_wait3A_128, %dma_wait3A_129, %dma_wait3A_130] : memref<2x128x128xf32, #tpu.memory_space<vmem>> -> memref<1x128x128xf32, #tpu.memory_space<vmem>>
    %dma_wait3A_132 = tpu.memref_squeeze %dma_wait3A_131 : memref<1x128x128xf32, #tpu.memory_space<vmem>> -> memref<128x128xf32, #tpu.memory_space<vmem>>
    %dma_wait3A_133 = arith.constant 0 : i32
    %dma_wait3A_134 = tpu.memref_slice %arg9[%add3A_127, %dma_wait3A_133] : memref<10240x128xf32, #tpu.memory_space<vmem_shared>> -> memref<128x128xf32, #tpu.memory_space<vmem_shared>>
    %dma_wait3A_135 = arith.constant 0 : i32
    %dma_wait3A_136 = tpu.memref_slice %arg9[%add3A_127, %dma_wait3A_135] : memref<10240x128xf32, #tpu.memory_space<vmem_shared>> -> memref<128x128xf32, #tpu.memory_space<vmem_shared>>
    %dma_wait3A_137 = arith.constant 0 : i32
    %dma_wait3A_138 = arith.constant 0 : i32
    %dma_wait3A_139 = tpu.memref_slice %arg8[%dma_wait3A_128, %dma_wait3A_137, %dma_wait3A_138] : memref<2x128x128xf32, #tpu.memory_space<vmem>> -> memref<1x128x128xf32, #tpu.memory_space<vmem>>
    %dma_wait3A_140 = tpu.memref_squeeze %dma_wait3A_139 : memref<1x128x128xf32, #tpu.memory_space<vmem>> -> memref<128x128xf32, #tpu.memory_space<vmem>>
    tpu.wait_dma2 semaphore(%arg16 : memref<!tpu.dma_semaphore, #tpu.memory_space<semaphore_mem>>) src(%dma_wait3A_140 : memref<128x128xf32, #tpu.memory_space<vmem>>) dst(%dma_wait3A_136 : memref<128x128xf32, #tpu.memory_space<vmem_shared>>)
    %add3A_141 = arith.constant 512 : i32
    %add3A_142 = arith.addi %mul3A_8, %add3A_141 : i32
    %dma_wait3A_143 = arith.constant 0 : i32
    %dma_wait3A_144 = arith.constant 0 : i32
    %dma_wait3A_145 = arith.constant 0 : i32
    %dma_wait3A_146 = tpu.memref_slice %arg8[%dma_wait3A_143, %dma_wait3A_144, %dma_wait3A_145] : memref<2x128x128xf32, #tpu.memory_space<vmem>> -> memref<1x128x128xf32, #tpu.memory_space<vmem>>
    %dma_wait3A_147 = tpu.memref_squeeze %dma_wait3A_146 : memref<1x128x128xf32, #tpu.memory_space<vmem>> -> memref<128x128xf32, #tpu.memory_space<vmem>>
    %dma_wait3A_148 = arith.constant 0 : i32
    %dma_wait3A_149 = tpu.memref_slice %arg9[%add3A_142, %dma_wait3A_148] : memref<10240x128xf32, #tpu.memory_space<vmem_shared>> -> memref<128x128xf32, #tpu.memory_space<vmem_shared>>
    %dma_wait3A_150 = arith.constant 0 : i32
    %dma_wait3A_151 = tpu.memref_slice %arg9[%add3A_142, %dma_wait3A_150] : memref<10240x128xf32, #tpu.memory_space<vmem_shared>> -> memref<128x128xf32, #tpu.memory_space<vmem_shared>>
    %dma_wait3A_152 = arith.constant 0 : i32
    %dma_wait3A_153 = arith.constant 0 : i32
    %dma_wait3A_154 = tpu.memref_slice %arg8[%dma_wait3A_143, %dma_wait3A_152, %dma_wait3A_153] : memref<2x128x128xf32, #tpu.memory_space<vmem>> -> memref<1x128x128xf32, #tpu.memory_space<vmem>>
    %dma_wait3A_155 = tpu.memref_squeeze %dma_wait3A_154 : memref<1x128x128xf32, #tpu.memory_space<vmem>> -> memref<128x128xf32, #tpu.memory_space<vmem>>
    tpu.wait_dma2 semaphore(%arg16 : memref<!tpu.dma_semaphore, #tpu.memory_space<semaphore_mem>>) src(%dma_wait3A_155 : memref<128x128xf32, #tpu.memory_space<vmem>>) dst(%dma_wait3A_151 : memref<128x128xf32, #tpu.memory_space<vmem_shared>>)
    %dma_start3A_156 = arith.constant 0 : i32
    %dma_start3A_157 = arith.constant 0 : i32
    %dma_start3A_158 = arith.constant 0 : i32
    %dma_start3A_159 = tpu.memref_slice %arg7[%dma_start3A_157, %dma_start3A_158] : memref<2x128xi32, #tpu.memory_space<vmem>> -> memref<1x128xi32, #tpu.memory_space<vmem>>
    %dma_start3A_160 = tpu.memref_squeeze %dma_start3A_159 : memref<1x128xi32, #tpu.memory_space<vmem>> -> memref<128xi32, #tpu.memory_space<vmem>>
    %dma_start3A_161 = arith.constant 0 : i32
    %dma_start3A_162 = tpu.memref_slice %arg4[%arg0, %arg1, %dma_start3A_156, %dma_start3A_161] : memref<2x16x40x128xi32, #tpu.memory_space<hbm>> -> memref<1x1x1x128xi32, #tpu.memory_space<hbm>>
    %dma_start3A_163 = tpu.memref_squeeze %dma_start3A_162 : memref<1x1x1x128xi32, #tpu.memory_space<hbm>> -> memref<128xi32, #tpu.memory_space<hbm>>
    %dma_start3A_164 = arith.constant 0 : i32
    %dma_start3A_165 = tpu.memref_slice %arg7[%dma_start3A_157, %dma_start3A_164] : memref<2x128xi32, #tpu.memory_space<vmem>> -> memref<1x128xi32, #tpu.memory_space<vmem>>
    %dma_start3A_166 = tpu.memref_squeeze %dma_start3A_165 : memref<1x128xi32, #tpu.memory_space<vmem>> -> memref<128xi32, #tpu.memory_space<vmem>>
    %dma_start3A_167 = arith.constant 0 : i32
    %dma_start3A_168 = tpu.memref_slice %arg4[%arg0, %arg1, %dma_start3A_156, %dma_start3A_167] : memref<2x16x40x128xi32, #tpu.memory_space<hbm>> -> memref<1x1x1x128xi32, #tpu.memory_space<hbm>>
    %dma_start3A_169 = tpu.memref_squeeze %dma_start3A_168 : memref<1x1x1x128xi32, #tpu.memory_space<hbm>> -> memref<128xi32, #tpu.memory_space<hbm>>
    tpu.enqueue_dma source(%dma_start3A_169 : memref<128xi32, #tpu.memory_space<hbm>>) target(%dma_start3A_166 : memref<128xi32, #tpu.memory_space<vmem>>) target_semaphore(%arg14 : memref<!tpu.dma_semaphore, #tpu.memory_space<semaphore_mem>>)
    %dma_start3A_170 = arith.constant 0 : i32
    %dma_start3A_171 = arith.constant 0 : i32
    %dma_start3A_172 = arith.constant 0 : i32
    %dma_start3A_173 = arith.constant 0 : i32
    %dma_start3A_174 = tpu.memref_slice %arg8[%dma_start3A_171, %dma_start3A_172, %dma_start3A_173] : memref<2x128x128xf32, #tpu.memory_space<vmem>> -> memref<1x128x128xf32, #tpu.memory_space<vmem>>
    %dma_start3A_175 = tpu.memref_squeeze %dma_start3A_174 : memref<1x128x128xf32, #tpu.memory_space<vmem>> -> memref<128x128xf32, #tpu.memory_space<vmem>>
    %dma_start3A_176 = arith.constant 0 : i32
    %dma_start3A_177 = tpu.memref_slice %arg6[%dma_start3A_170, %dma_start3A_176] : memref<40x128xi32, #tpu.memory_space<vmem>> -> memref<1x128xi32, #tpu.memory_space<vmem>>
    %dma_start3A_178 = tpu.memref_squeeze %dma_start3A_177 : memref<1x128xi32, #tpu.memory_space<vmem>> -> memref<128xi32, #tpu.memory_space<vmem>>
    %dma_start3A_179 = arith.constant 0 : i32
    %dma_start3A_180 = arith.constant 0 : i32
    %dma_start3A_181 = tpu.memref_slice %arg2[%dma_start3A_179, %dma_start3A_180] : memref<10000x128xf32, #tpu.memory_space<hbm>> -> memref<10000x128xf32, #tpu.memory_space<hbm>>
    tpu.enqueue_indirect_dma source(%dma_start3A_181 : memref<10000x128xf32, #tpu.memory_space<hbm>>) target(%dma_start3A_175 : memref<128x128xf32, #tpu.memory_space<vmem>>) offsets(%dma_start3A_178 : memref<128xi32, #tpu.memory_space<vmem>>) semaphore(%arg10 : memref<!tpu.dma_semaphore, #tpu.memory_space<semaphore_mem>>)
    %dma_start3A_182 = arith.constant 1 : i32
    %dma_start3A_183 = arith.constant 1 : i32
    %dma_start3A_184 = arith.constant 0 : i32
    %dma_start3A_185 = tpu.memref_slice %arg7[%dma_start3A_183, %dma_start3A_184] : memref<2x128xi32, #tpu.memory_space<vmem>> -> memref<1x128xi32, #tpu.memory_space<vmem>>
    %dma_start3A_186 = tpu.memref_squeeze %dma_start3A_185 : memref<1x128xi32, #tpu.memory_space<vmem>> -> memref<128xi32, #tpu.memory_space<vmem>>
    %dma_start3A_187 = arith.constant 0 : i32
    %dma_start3A_188 = tpu.memref_slice %arg4[%arg0, %arg1, %dma_start3A_182, %dma_start3A_187] : memref<2x16x40x128xi32, #tpu.memory_space<hbm>> -> memref<1x1x1x128xi32, #tpu.memory_space<hbm>>
    %dma_start3A_189 = tpu.memref_squeeze %dma_start3A_188 : memref<1x1x1x128xi32, #tpu.memory_space<hbm>> -> memref<128xi32, #tpu.memory_space<hbm>>
    %dma_start3A_190 = arith.constant 0 : i32
    %dma_start3A_191 = tpu.memref_slice %arg7[%dma_start3A_183, %dma_start3A_190] : memref<2x128xi32, #tpu.memory_space<vmem>> -> memref<1x128xi32, #tpu.memory_space<vmem>>
    %dma_start3A_192 = tpu.memref_squeeze %dma_start3A_191 : memref<1x128xi32, #tpu.memory_space<vmem>> -> memref<128xi32, #tpu.memory_space<vmem>>
    %dma_start3A_193 = arith.constant 0 : i32
    %dma_start3A_194 = tpu.memref_slice %arg4[%arg0, %arg1, %dma_start3A_182, %dma_start3A_193] : memref<2x16x40x128xi32, #tpu.memory_space<hbm>> -> memref<1x1x1x128xi32, #tpu.memory_space<hbm>>
    %dma_start3A_195 = tpu.memref_squeeze %dma_start3A_194 : memref<1x1x1x128xi32, #tpu.memory_space<hbm>> -> memref<128xi32, #tpu.memory_space<hbm>>
    tpu.enqueue_dma source(%dma_start3A_195 : memref<128xi32, #tpu.memory_space<hbm>>) target(%dma_start3A_192 : memref<128xi32, #tpu.memory_space<vmem>>) target_semaphore(%arg15 : memref<!tpu.dma_semaphore, #tpu.memory_space<semaphore_mem>>)
    %dma_start3A_196 = arith.constant 1 : i32
    %dma_start3A_197 = arith.constant 1 : i32
    %dma_start3A_198 = arith.constant 0 : i32
    %dma_start3A_199 = arith.constant 0 : i32
    %dma_start3A_200 = tpu.memref_slice %arg8[%dma_start3A_197, %dma_start3A_198, %dma_start3A_199] : memref<2x128x128xf32, #tpu.memory_space<vmem>> -> memref<1x128x128xf32, #tpu.memory_space<vmem>>
    %dma_start3A_201 = tpu.memref_squeeze %dma_start3A_200 : memref<1x128x128xf32, #tpu.memory_space<vmem>> -> memref<128x128xf32, #tpu.memory_space<vmem>>
    %dma_start3A_202 = arith.constant 0 : i32
    %dma_start3A_203 = tpu.memref_slice %arg6[%dma_start3A_196, %dma_start3A_202] : memref<40x128xi32, #tpu.memory_space<vmem>> -> memref<1x128xi32, #tpu.memory_space<vmem>>
    %dma_start3A_204 = tpu.memref_squeeze %dma_start3A_203 : memref<1x128xi32, #tpu.memory_space<vmem>> -> memref<128xi32, #tpu.memory_space<vmem>>
    %dma_start3A_205 = arith.constant 0 : i32
    %dma_start3A_206 = arith.constant 0 : i32
    %dma_start3A_207 = tpu.memref_slice %arg2[%dma_start3A_205, %dma_start3A_206] : memref<10000x128xf32, #tpu.memory_space<hbm>> -> memref<10000x128xf32, #tpu.memory_space<hbm>>
    tpu.enqueue_indirect_dma source(%dma_start3A_207 : memref<10000x128xf32, #tpu.memory_space<hbm>>) target(%dma_start3A_201 : memref<128x128xf32, #tpu.memory_space<vmem>>) offsets(%dma_start3A_204 : memref<128xi32, #tpu.memory_space<vmem>>) semaphore(%arg11 : memref<!tpu.dma_semaphore, #tpu.memory_space<semaphore_mem>>)
    %barrier3A = arith.constant 0 : index
    tpu.barrier barrier_id(%barrier3A)
    %scan3A_208 = arith.constant 0 : i32
    %scan3A_209 = arith.constant 0 : i32
    %scan3A_210 = arith.constant 20 : i32
    %scan3A_211 = arith.addi %scan3A_209, %scan3A_210 : i32
    %scan3A_212 = arith.constant 1 : i32
    %scan3A_213 = scf.for %scan3A_240 = %scan3A_209 to %scan3A_211 step %scan3A_212 iter_args(%scan3A_241 = %scan3A_208) -> (i32)  : i32 {
      %mul3A_242 = arith.constant 2 : i32
      %mul3A_243 = arith.muli %scan3A_240, %mul3A_242 : i32
      %add3A_244 = arith.constant 0 : i32
      %add3A_245 = arith.addi %mul3A_243, %add3A_244 : i32
      %dma_wait3A_246 = arith.constant 0 : i32
      %dma_wait3A_247 = arith.constant 0 : i32
      %dma_wait3A_248 = arith.constant 0 : i32
      %dma_wait3A_249 = tpu.memref_slice %arg8[%dma_wait3A_246, %dma_wait3A_247, %dma_wait3A_248] : memref<2x128x128xf32, #tpu.memory_space<vmem>> -> memref<1x128x128xf32, #tpu.memory_space<vmem>>
      %dma_wait3A_250 = tpu.memref_squeeze %dma_wait3A_249 : memref<1x128x128xf32, #tpu.memory_space<vmem>> -> memref<128x128xf32, #tpu.memory_space<vmem>>
      %dma_wait3A_251 = arith.constant 0 : i32
      %dma_wait3A_252 = tpu.memref_slice %arg6[%add3A_245, %dma_wait3A_251] : memref<40x128xi32, #tpu.memory_space<vmem>> -> memref<1x128xi32, #tpu.memory_space<vmem>>
      %dma_wait3A_253 = tpu.memref_squeeze %dma_wait3A_252 : memref<1x128xi32, #tpu.memory_space<vmem>> -> memref<128xi32, #tpu.memory_space<vmem>>
      %dma_wait3A_254 = arith.constant 0 : i32
      %dma_wait3A_255 = arith.constant 0 : i32
      %dma_wait3A_256 = tpu.memref_slice %arg2[%dma_wait3A_254, %dma_wait3A_255] : memref<10000x128xf32, #tpu.memory_space<hbm>> -> memref<10000x128xf32, #tpu.memory_space<hbm>>
      tpu.wait_indirect_dma semaphore(%arg10 : memref<!tpu.dma_semaphore, #tpu.memory_space<semaphore_mem>>) src(%dma_wait3A_256 : memref<10000x128xf32, #tpu.memory_space<hbm>>) dst(%dma_wait3A_250 : memref<128x128xf32, #tpu.memory_space<vmem>>)
      %dma_wait3A_257 = arith.constant 0 : i32
      %dma_wait3A_258 = arith.constant 0 : i32
      %dma_wait3A_259 = tpu.memref_slice %arg7[%dma_wait3A_257, %dma_wait3A_258] : memref<2x128xi32, #tpu.memory_space<vmem>> -> memref<1x128xi32, #tpu.memory_space<vmem>>
      %dma_wait3A_260 = tpu.memref_squeeze %dma_wait3A_259 : memref<1x128xi32, #tpu.memory_space<vmem>> -> memref<128xi32, #tpu.memory_space<vmem>>
      %dma_wait3A_261 = arith.constant 0 : i32
      %dma_wait3A_262 = tpu.memref_slice %arg4[%arg0, %arg1, %add3A_245, %dma_wait3A_261] : memref<2x16x40x128xi32, #tpu.memory_space<hbm>> -> memref<1x1x1x128xi32, #tpu.memory_space<hbm>>
      %dma_wait3A_263 = tpu.memref_squeeze %dma_wait3A_262 : memref<1x1x1x128xi32, #tpu.memory_space<hbm>> -> memref<128xi32, #tpu.memory_space<hbm>>
      %dma_wait3A_264 = arith.constant 0 : i32
      %dma_wait3A_265 = tpu.memref_slice %arg7[%dma_wait3A_257, %dma_wait3A_264] : memref<2x128xi32, #tpu.memory_space<vmem>> -> memref<1x128xi32, #tpu.memory_space<vmem>>
      %dma_wait3A_266 = tpu.memref_squeeze %dma_wait3A_265 : memref<1x128xi32, #tpu.memory_space<vmem>> -> memref<128xi32, #tpu.memory_space<vmem>>
      %dma_wait3A_267 = arith.constant 0 : i32
      %dma_wait3A_268 = tpu.memref_slice %arg4[%arg0, %arg1, %add3A_245, %dma_wait3A_267] : memref<2x16x40x128xi32, #tpu.memory_space<hbm>> -> memref<1x1x1x128xi32, #tpu.memory_space<hbm>>
      %dma_wait3A_269 = tpu.memref_squeeze %dma_wait3A_268 : memref<1x1x1x128xi32, #tpu.memory_space<hbm>> -> memref<128xi32, #tpu.memory_space<hbm>>
      tpu.wait_dma2 semaphore(%arg14 : memref<!tpu.dma_semaphore, #tpu.memory_space<semaphore_mem>>) src(%dma_wait3A_269 : memref<128xi32, #tpu.memory_space<hbm>>) dst(%dma_wait3A_266 : memref<128xi32, #tpu.memory_space<vmem>>)
      %dma_start3A_270 = arith.constant 0 : i32
      %dma_start3A_271 = arith.constant 0 : i32
      %dma_start3A_272 = arith.constant 0 : i32
      %dma_start3A_273 = arith.constant 0 : i32
      %dma_start3A_274 = tpu.memref_slice %arg8[%dma_start3A_270, %dma_start3A_272, %dma_start3A_273] : memref<2x128x128xf32, #tpu.memory_space<vmem>> -> memref<1x128x128xf32, #tpu.memory_space<vmem>>
      %dma_start3A_275 = tpu.memref_squeeze %dma_start3A_274 : memref<1x128x128xf32, #tpu.memory_space<vmem>> -> memref<128x128xf32, #tpu.memory_space<vmem>>
      %dma_start3A_276 = arith.constant 0 : i32
      %dma_start3A_277 = tpu.memref_slice %arg7[%dma_start3A_271, %dma_start3A_276] : memref<2x128xi32, #tpu.memory_space<vmem>> -> memref<1x128xi32, #tpu.memory_space<vmem>>
      %dma_start3A_278 = tpu.memref_squeeze %dma_start3A_277 : memref<1x128xi32, #tpu.memory_space<vmem>> -> memref<128xi32, #tpu.memory_space<vmem>>
      %dma_start3A_279 = arith.constant 0 : i32
      %dma_start3A_280 = arith.constant 0 : i32
      %dma_start3A_281 = tpu.memref_slice %arg9[%dma_start3A_279, %dma_start3A_280] : memref<10240x128xf32, #tpu.memory_space<vmem_shared>> -> memref<10240x128xf32, #tpu.memory_space<vmem_shared>>
      tpu.enqueue_indirect_dma source(%dma_start3A_275 : memref<128x128xf32, #tpu.memory_space<vmem>>) target(%dma_start3A_281 : memref<10240x128xf32, #tpu.memory_space<vmem_shared>>) offsets(%dma_start3A_278 : memref<128xi32, #tpu.memory_space<vmem>>) semaphore(%arg12 : memref<!tpu.dma_semaphore, #tpu.memory_space<semaphore_mem>>) {add = true}
      %lt3A = arith.constant 19 : i32
      %lt3A_282 = arith.cmpi slt, %scan3A_240, %lt3A : i32
      %convert_element_type3A = arith.extui %lt3A_282 : i1 to i32
      %cond3A = arith.constant 0 : i32
      %cond3A_283 = arith.cmpi ne, %convert_element_type3A, %cond3A : i32
      scf.if %cond3A_283 {
        %dma_wait3A_330 = arith.constant 0 : i32
        %dma_wait3A_331 = arith.constant 0 : i32
        %dma_wait3A_332 = arith.constant 0 : i32
        %dma_wait3A_333 = arith.constant 0 : i32
        %dma_wait3A_334 = tpu.memref_slice %arg8[%dma_wait3A_330, %dma_wait3A_332, %dma_wait3A_333] : memref<2x128x128xf32, #tpu.memory_space<vmem>> -> memref<1x128x128xf32, #tpu.memory_space<vmem>>
        %dma_wait3A_335 = tpu.memref_squeeze %dma_wait3A_334 : memref<1x128x128xf32, #tpu.memory_space<vmem>> -> memref<128x128xf32, #tpu.memory_space<vmem>>
        %dma_wait3A_336 = arith.constant 0 : i32
        %dma_wait3A_337 = tpu.memref_slice %arg7[%dma_wait3A_331, %dma_wait3A_336] : memref<2x128xi32, #tpu.memory_space<vmem>> -> memref<1x128xi32, #tpu.memory_space<vmem>>
        %dma_wait3A_338 = tpu.memref_squeeze %dma_wait3A_337 : memref<1x128xi32, #tpu.memory_space<vmem>> -> memref<128xi32, #tpu.memory_space<vmem>>
        %dma_wait3A_339 = arith.constant 0 : i32
        %dma_wait3A_340 = arith.constant 0 : i32
        %dma_wait3A_341 = tpu.memref_slice %arg9[%dma_wait3A_339, %dma_wait3A_340] : memref<10240x128xf32, #tpu.memory_space<vmem_shared>> -> memref<10240x128xf32, #tpu.memory_space<vmem_shared>>
        tpu.wait_indirect_dma semaphore(%arg12 : memref<!tpu.dma_semaphore, #tpu.memory_space<semaphore_mem>>) src(%dma_wait3A_335 : memref<128x128xf32, #tpu.memory_space<vmem>>) dst(%dma_wait3A_341 : memref<10240x128xf32, #tpu.memory_space<vmem_shared>>)
        %add3A_342 = arith.constant 2 : i32
        %add3A_343 = arith.addi %add3A_245, %add3A_342 : i32
        %dma_start3A_344 = arith.constant 0 : i32
        %dma_start3A_345 = arith.constant 0 : i32
        %dma_start3A_346 = tpu.memref_slice %arg7[%dma_start3A_344, %dma_start3A_345] : memref<2x128xi32, #tpu.memory_space<vmem>> -> memref<1x128xi32, #tpu.memory_space<vmem>>
        %dma_start3A_347 = tpu.memref_squeeze %dma_start3A_346 : memref<1x128xi32, #tpu.memory_space<vmem>> -> memref<128xi32, #tpu.memory_space<vmem>>
        %dma_start3A_348 = arith.constant 0 : i32
        %dma_start3A_349 = tpu.memref_slice %arg4[%arg0, %arg1, %add3A_343, %dma_start3A_348] : memref<2x16x40x128xi32, #tpu.memory_space<hbm>> -> memref<1x1x1x128xi32, #tpu.memory_space<hbm>>
        %dma_start3A_350 = tpu.memref_squeeze %dma_start3A_349 : memref<1x1x1x128xi32, #tpu.memory_space<hbm>> -> memref<128xi32, #tpu.memory_space<hbm>>
        %dma_start3A_351 = arith.constant 0 : i32
        %dma_start3A_352 = tpu.memref_slice %arg7[%dma_start3A_344, %dma_start3A_351] : memref<2x128xi32, #tpu.memory_space<vmem>> -> memref<1x128xi32, #tpu.memory_space<vmem>>
        %dma_start3A_353 = tpu.memref_squeeze %dma_start3A_352 : memref<1x128xi32, #tpu.memory_space<vmem>> -> memref<128xi32, #tpu.memory_space<vmem>>
        %dma_start3A_354 = arith.constant 0 : i32
        %dma_start3A_355 = tpu.memref_slice %arg4[%arg0, %arg1, %add3A_343, %dma_start3A_354] : memref<2x16x40x128xi32, #tpu.memory_space<hbm>> -> memref<1x1x1x128xi32, #tpu.memory_space<hbm>>
        %dma_start3A_356 = tpu.memref_squeeze %dma_start3A_355 : memref<1x1x1x128xi32, #tpu.memory_space<hbm>> -> memref<128xi32, #tpu.memory_space<hbm>>
        tpu.enqueue_dma source(%dma_start3A_356 : memref<128xi32, #tpu.memory_space<hbm>>) target(%dma_start3A_353 : memref<128xi32, #tpu.memory_space<vmem>>) target_semaphore(%arg14 : memref<!tpu.dma_semaphore, #tpu.memory_space<semaphore_mem>>)
        %add3A_357 = arith.constant 2 : i32
        %add3A_358 = arith.addi %add3A_245, %add3A_357 : i32
        %dma_start3A_359 = arith.constant 0 : i32
        %dma_start3A_360 = arith.constant 0 : i32
        %dma_start3A_361 = arith.constant 0 : i32
        %dma_start3A_362 = tpu.memref_slice %arg8[%dma_start3A_359, %dma_start3A_360, %dma_start3A_361] : memref<2x128x128xf32, #tpu.memory_space<vmem>> -> memref<1x128x128xf32, #tpu.memory_space<vmem>>
        %dma_start3A_363 = tpu.memref_squeeze %dma_start3A_362 : memref<1x128x128xf32, #tpu.memory_space<vmem>> -> memref<128x128xf32, #tpu.memory_space<vmem>>
        %dma_start3A_364 = arith.constant 0 : i32
        %dma_start3A_365 = tpu.memref_slice %arg6[%add3A_358, %dma_start3A_364] : memref<40x128xi32, #tpu.memory_space<vmem>> -> memref<1x128xi32, #tpu.memory_space<vmem>>
        %dma_start3A_366 = tpu.memref_squeeze %dma_start3A_365 : memref<1x128xi32, #tpu.memory_space<vmem>> -> memref<128xi32, #tpu.memory_space<vmem>>
        %dma_start3A_367 = arith.constant 0 : i32
        %dma_start3A_368 = arith.constant 0 : i32
        %dma_start3A_369 = tpu.memref_slice %arg2[%dma_start3A_367, %dma_start3A_368] : memref<10000x128xf32, #tpu.memory_space<hbm>> -> memref<10000x128xf32, #tpu.memory_space<hbm>>
        tpu.enqueue_indirect_dma source(%dma_start3A_369 : memref<10000x128xf32, #tpu.memory_space<hbm>>) target(%dma_start3A_363 : memref<128x128xf32, #tpu.memory_space<vmem>>) offsets(%dma_start3A_366 : memref<128xi32, #tpu.memory_space<vmem>>) semaphore(%arg10 : memref<!tpu.dma_semaphore, #tpu.memory_space<semaphore_mem>>)
      } else {
      }
      %mul3A_284 = arith.constant 2 : i32
      %mul3A_285 = arith.muli %scan3A_240, %mul3A_284 : i32
      %add3A_286 = arith.constant 1 : i32
      %add3A_287 = arith.addi %mul3A_285, %add3A_286 : i32
      %dma_wait3A_288 = arith.constant 1 : i32
      %dma_wait3A_289 = arith.constant 0 : i32
      %dma_wait3A_290 = arith.constant 0 : i32
      %dma_wait3A_291 = tpu.memref_slice %arg8[%dma_wait3A_288, %dma_wait3A_289, %dma_wait3A_290] : memref<2x128x128xf32, #tpu.memory_space<vmem>> -> memref<1x128x128xf32, #tpu.memory_space<vmem>>
      %dma_wait3A_292 = tpu.memref_squeeze %dma_wait3A_291 : memref<1x128x128xf32, #tpu.memory_space<vmem>> -> memref<128x128xf32, #tpu.memory_space<vmem>>
      %dma_wait3A_293 = arith.constant 0 : i32
      %dma_wait3A_294 = tpu.memref_slice %arg6[%add3A_287, %dma_wait3A_293] : memref<40x128xi32, #tpu.memory_space<vmem>> -> memref<1x128xi32, #tpu.memory_space<vmem>>
      %dma_wait3A_295 = tpu.memref_squeeze %dma_wait3A_294 : memref<1x128xi32, #tpu.memory_space<vmem>> -> memref<128xi32, #tpu.memory_space<vmem>>
      %dma_wait3A_296 = arith.constant 0 : i32
      %dma_wait3A_297 = arith.constant 0 : i32
      %dma_wait3A_298 = tpu.memref_slice %arg2[%dma_wait3A_296, %dma_wait3A_297] : memref<10000x128xf32, #tpu.memory_space<hbm>> -> memref<10000x128xf32, #tpu.memory_space<hbm>>
      tpu.wait_indirect_dma semaphore(%arg11 : memref<!tpu.dma_semaphore, #tpu.memory_space<semaphore_mem>>) src(%dma_wait3A_298 : memref<10000x128xf32, #tpu.memory_space<hbm>>) dst(%dma_wait3A_292 : memref<128x128xf32, #tpu.memory_space<vmem>>)
      %dma_wait3A_299 = arith.constant 1 : i32
      %dma_wait3A_300 = arith.constant 0 : i32
      %dma_wait3A_301 = tpu.memref_slice %arg7[%dma_wait3A_299, %dma_wait3A_300] : memref<2x128xi32, #tpu.memory_space<vmem>> -> memref<1x128xi32, #tpu.memory_space<vmem>>
      %dma_wait3A_302 = tpu.memref_squeeze %dma_wait3A_301 : memref<1x128xi32, #tpu.memory_space<vmem>> -> memref<128xi32, #tpu.memory_space<vmem>>
      %dma_wait3A_303 = arith.constant 0 : i32
      %dma_wait3A_304 = tpu.memref_slice %arg4[%arg0, %arg1, %add3A_287, %dma_wait3A_303] : memref<2x16x40x128xi32, #tpu.memory_space<hbm>> -> memref<1x1x1x128xi32, #tpu.memory_space<hbm>>
      %dma_wait3A_305 = tpu.memref_squeeze %dma_wait3A_304 : memref<1x1x1x128xi32, #tpu.memory_space<hbm>> -> memref<128xi32, #tpu.memory_space<hbm>>
      %dma_wait3A_306 = arith.constant 0 : i32
      %dma_wait3A_307 = tpu.memref_slice %arg7[%dma_wait3A_299, %dma_wait3A_306] : memref<2x128xi32, #tpu.memory_space<vmem>> -> memref<1x128xi32, #tpu.memory_space<vmem>>
      %dma_wait3A_308 = tpu.memref_squeeze %dma_wait3A_307 : memref<1x128xi32, #tpu.memory_space<vmem>> -> memref<128xi32, #tpu.memory_space<vmem>>
      %dma_wait3A_309 = arith.constant 0 : i32
      %dma_wait3A_310 = tpu.memref_slice %arg4[%arg0, %arg1, %add3A_287, %dma_wait3A_309] : memref<2x16x40x128xi32, #tpu.memory_space<hbm>> -> memref<1x1x1x128xi32, #tpu.memory_space<hbm>>
      %dma_wait3A_311 = tpu.memref_squeeze %dma_wait3A_310 : memref<1x1x1x128xi32, #tpu.memory_space<hbm>> -> memref<128xi32, #tpu.memory_space<hbm>>
      tpu.wait_dma2 semaphore(%arg15 : memref<!tpu.dma_semaphore, #tpu.memory_space<semaphore_mem>>) src(%dma_wait3A_311 : memref<128xi32, #tpu.memory_space<hbm>>) dst(%dma_wait3A_308 : memref<128xi32, #tpu.memory_space<vmem>>)
      %dma_start3A_312 = arith.constant 1 : i32
      %dma_start3A_313 = arith.constant 1 : i32
      %dma_start3A_314 = arith.constant 0 : i32
      %dma_start3A_315 = arith.constant 0 : i32
      %dma_start3A_316 = tpu.memref_slice %arg8[%dma_start3A_312, %dma_start3A_314, %dma_start3A_315] : memref<2x128x128xf32, #tpu.memory_space<vmem>> -> memref<1x128x128xf32, #tpu.memory_space<vmem>>
      %dma_start3A_317 = tpu.memref_squeeze %dma_start3A_316 : memref<1x128x128xf32, #tpu.memory_space<vmem>> -> memref<128x128xf32, #tpu.memory_space<vmem>>
      %dma_start3A_318 = arith.constant 0 : i32
      %dma_start3A_319 = tpu.memref_slice %arg7[%dma_start3A_313, %dma_start3A_318] : memref<2x128xi32, #tpu.memory_space<vmem>> -> memref<1x128xi32, #tpu.memory_space<vmem>>
      %dma_start3A_320 = tpu.memref_squeeze %dma_start3A_319 : memref<1x128xi32, #tpu.memory_space<vmem>> -> memref<128xi32, #tpu.memory_space<vmem>>
      %dma_start3A_321 = arith.constant 0 : i32
      %dma_start3A_322 = arith.constant 0 : i32
      %dma_start3A_323 = tpu.memref_slice %arg9[%dma_start3A_321, %dma_start3A_322] : memref<10240x128xf32, #tpu.memory_space<vmem_shared>> -> memref<10240x128xf32, #tpu.memory_space<vmem_shared>>
      tpu.enqueue_indirect_dma source(%dma_start3A_317 : memref<128x128xf32, #tpu.memory_space<vmem>>) target(%dma_start3A_323 : memref<10240x128xf32, #tpu.memory_space<vmem_shared>>) offsets(%dma_start3A_320 : memref<128xi32, #tpu.memory_space<vmem>>) semaphore(%arg13 : memref<!tpu.dma_semaphore, #tpu.memory_space<semaphore_mem>>) {add = true}
      %lt3A_324 = arith.constant 19 : i32
      %lt3A_325 = arith.cmpi slt, %scan3A_240, %lt3A_324 : i32
      %convert_element_type3A_326 = arith.extui %lt3A_325 : i1 to i32
      %cond3A_327 = arith.constant 0 : i32
      %cond3A_328 = arith.cmpi ne, %convert_element_type3A_326, %cond3A_327 : i32
      scf.if %cond3A_328 {
        %dma_wait3A_330 = arith.constant 1 : i32
        %dma_wait3A_331 = arith.constant 1 : i32
        %dma_wait3A_332 = arith.constant 0 : i32
        %dma_wait3A_333 = arith.constant 0 : i32
        %dma_wait3A_334 = tpu.memref_slice %arg8[%dma_wait3A_330, %dma_wait3A_332, %dma_wait3A_333] : memref<2x128x128xf32, #tpu.memory_space<vmem>> -> memref<1x128x128xf32, #tpu.memory_space<vmem>>
        %dma_wait3A_335 = tpu.memref_squeeze %dma_wait3A_334 : memref<1x128x128xf32, #tpu.memory_space<vmem>> -> memref<128x128xf32, #tpu.memory_space<vmem>>
        %dma_wait3A_336 = arith.constant 0 : i32
        %dma_wait3A_337 = tpu.memref_slice %arg7[%dma_wait3A_331, %dma_wait3A_336] : memref<2x128xi32, #tpu.memory_space<vmem>> -> memref<1x128xi32, #tpu.memory_space<vmem>>
        %dma_wait3A_338 = tpu.memref_squeeze %dma_wait3A_337 : memref<1x128xi32, #tpu.memory_space<vmem>> -> memref<128xi32, #tpu.memory_space<vmem>>
        %dma_wait3A_339 = arith.constant 0 : i32
        %dma_wait3A_340 = arith.constant 0 : i32
        %dma_wait3A_341 = tpu.memref_slice %arg9[%dma_wait3A_339, %dma_wait3A_340] : memref<10240x128xf32, #tpu.memory_space<vmem_shared>> -> memref<10240x128xf32, #tpu.memory_space<vmem_shared>>
        tpu.wait_indirect_dma semaphore(%arg13 : memref<!tpu.dma_semaphore, #tpu.memory_space<semaphore_mem>>) src(%dma_wait3A_335 : memref<128x128xf32, #tpu.memory_space<vmem>>) dst(%dma_wait3A_341 : memref<10240x128xf32, #tpu.memory_space<vmem_shared>>)
        %add3A_342 = arith.constant 2 : i32
        %add3A_343 = arith.addi %add3A_287, %add3A_342 : i32
        %dma_start3A_344 = arith.constant 1 : i32
        %dma_start3A_345 = arith.constant 0 : i32
        %dma_start3A_346 = tpu.memref_slice %arg7[%dma_start3A_344, %dma_start3A_345] : memref<2x128xi32, #tpu.memory_space<vmem>> -> memref<1x128xi32, #tpu.memory_space<vmem>>
        %dma_start3A_347 = tpu.memref_squeeze %dma_start3A_346 : memref<1x128xi32, #tpu.memory_space<vmem>> -> memref<128xi32, #tpu.memory_space<vmem>>
        %dma_start3A_348 = arith.constant 0 : i32
        %dma_start3A_349 = tpu.memref_slice %arg4[%arg0, %arg1, %add3A_343, %dma_start3A_348] : memref<2x16x40x128xi32, #tpu.memory_space<hbm>> -> memref<1x1x1x128xi32, #tpu.memory_space<hbm>>
        %dma_start3A_350 = tpu.memref_squeeze %dma_start3A_349 : memref<1x1x1x128xi32, #tpu.memory_space<hbm>> -> memref<128xi32, #tpu.memory_space<hbm>>
        %dma_start3A_351 = arith.constant 0 : i32
        %dma_start3A_352 = tpu.memref_slice %arg7[%dma_start3A_344, %dma_start3A_351] : memref<2x128xi32, #tpu.memory_space<vmem>> -> memref<1x128xi32, #tpu.memory_space<vmem>>
        %dma_start3A_353 = tpu.memref_squeeze %dma_start3A_352 : memref<1x128xi32, #tpu.memory_space<vmem>> -> memref<128xi32, #tpu.memory_space<vmem>>
        %dma_start3A_354 = arith.constant 0 : i32
        %dma_start3A_355 = tpu.memref_slice %arg4[%arg0, %arg1, %add3A_343, %dma_start3A_354] : memref<2x16x40x128xi32, #tpu.memory_space<hbm>> -> memref<1x1x1x128xi32, #tpu.memory_space<hbm>>
        %dma_start3A_356 = tpu.memref_squeeze %dma_start3A_355 : memref<1x1x1x128xi32, #tpu.memory_space<hbm>> -> memref<128xi32, #tpu.memory_space<hbm>>
        tpu.enqueue_dma source(%dma_start3A_356 : memref<128xi32, #tpu.memory_space<hbm>>) target(%dma_start3A_353 : memref<128xi32, #tpu.memory_space<vmem>>) target_semaphore(%arg15 : memref<!tpu.dma_semaphore, #tpu.memory_space<semaphore_mem>>)
        %add3A_357 = arith.constant 2 : i32
        %add3A_358 = arith.addi %add3A_287, %add3A_357 : i32
        %dma_start3A_359 = arith.constant 1 : i32
        %dma_start3A_360 = arith.constant 0 : i32
        %dma_start3A_361 = arith.constant 0 : i32
        %dma_start3A_362 = tpu.memref_slice %arg8[%dma_start3A_359, %dma_start3A_360, %dma_start3A_361] : memref<2x128x128xf32, #tpu.memory_space<vmem>> -> memref<1x128x128xf32, #tpu.memory_space<vmem>>
        %dma_start3A_363 = tpu.memref_squeeze %dma_start3A_362 : memref<1x128x128xf32, #tpu.memory_space<vmem>> -> memref<128x128xf32, #tpu.memory_space<vmem>>
        %dma_start3A_364 = arith.constant 0 : i32
        %dma_start3A_365 = tpu.memref_slice %arg6[%add3A_358, %dma_start3A_364] : memref<40x128xi32, #tpu.memory_space<vmem>> -> memref<1x128xi32, #tpu.memory_space<vmem>>
        %dma_start3A_366 = tpu.memref_squeeze %dma_start3A_365 : memref<1x128xi32, #tpu.memory_space<vmem>> -> memref<128xi32, #tpu.memory_space<vmem>>
        %dma_start3A_367 = arith.constant 0 : i32
        %dma_start3A_368 = arith.constant 0 : i32
        %dma_start3A_369 = tpu.memref_slice %arg2[%dma_start3A_367, %dma_start3A_368] : memref<10000x128xf32, #tpu.memory_space<hbm>> -> memref<10000x128xf32, #tpu.memory_space<hbm>>
        tpu.enqueue_indirect_dma source(%dma_start3A_369 : memref<10000x128xf32, #tpu.memory_space<hbm>>) target(%dma_start3A_363 : memref<128x128xf32, #tpu.memory_space<vmem>>) offsets(%dma_start3A_366 : memref<128xi32, #tpu.memory_space<vmem>>) semaphore(%arg11 : memref<!tpu.dma_semaphore, #tpu.memory_space<semaphore_mem>>)
      } else {
      }
      %scan3A_329 = arith.constant 0 : i32
      scf.yield %scan3A_329 : i32
    }
    %scan3A_214 = arith.constant 20 : i32
    %dma_wait3A_215 = arith.constant 0 : i32
    %dma_wait3A_216 = arith.constant 0 : i32
    %dma_wait3A_217 = arith.constant 0 : i32
    %dma_wait3A_218 = arith.constant 0 : i32
    %dma_wait3A_219 = tpu.memref_slice %arg8[%dma_wait3A_215, %dma_wait3A_217, %dma_wait3A_218] : memref<2x128x128xf32, #tpu.memory_space<vmem>> -> memref<1x128x128xf32, #tpu.memory_space<vmem>>
    %dma_wait3A_220 = tpu.memref_squeeze %dma_wait3A_219 : memref<1x128x128xf32, #tpu.memory_space<vmem>> -> memref<128x128xf32, #tpu.memory_space<vmem>>
    %dma_wait3A_221 = arith.constant 0 : i32
    %dma_wait3A_222 = tpu.memref_slice %arg7[%dma_wait3A_216, %dma_wait3A_221] : memref<2x128xi32, #tpu.memory_space<vmem>> -> memref<1x128xi32, #tpu.memory_space<vmem>>
    %dma_wait3A_223 = tpu.memref_squeeze %dma_wait3A_222 : memref<1x128xi32, #tpu.memory_space<vmem>> -> memref<128xi32, #tpu.memory_space<vmem>>
    %dma_wait3A_224 = arith.constant 0 : i32
    %dma_wait3A_225 = arith.constant 0 : i32
    %dma_wait3A_226 = tpu.memref_slice %arg9[%dma_wait3A_224, %dma_wait3A_225] : memref<10240x128xf32, #tpu.memory_space<vmem_shared>> -> memref<10240x128xf32, #tpu.memory_space<vmem_shared>>
    tpu.wait_indirect_dma semaphore(%arg12 : memref<!tpu.dma_semaphore, #tpu.memory_space<semaphore_mem>>) src(%dma_wait3A_220 : memref<128x128xf32, #tpu.memory_space<vmem>>) dst(%dma_wait3A_226 : memref<10240x128xf32, #tpu.memory_space<vmem_shared>>)
    %dma_wait3A_227 = arith.constant 1 : i32
    %dma_wait3A_228 = arith.constant 1 : i32
    %dma_wait3A_229 = arith.constant 0 : i32
    %dma_wait3A_230 = arith.constant 0 : i32
    %dma_wait3A_231 = tpu.memref_slice %arg8[%dma_wait3A_227, %dma_wait3A_229, %dma_wait3A_230] : memref<2x128x128xf32, #tpu.memory_space<vmem>> -> memref<1x128x128xf32, #tpu.memory_space<vmem>>
    %dma_wait3A_232 = tpu.memref_squeeze %dma_wait3A_231 : memref<1x128x128xf32, #tpu.memory_space<vmem>> -> memref<128x128xf32, #tpu.memory_space<vmem>>
    %dma_wait3A_233 = arith.constant 0 : i32
    %dma_wait3A_234 = tpu.memref_slice %arg7[%dma_wait3A_228, %dma_wait3A_233] : memref<2x128xi32, #tpu.memory_space<vmem>> -> memref<1x128xi32, #tpu.memory_space<vmem>>
    %dma_wait3A_235 = tpu.memref_squeeze %dma_wait3A_234 : memref<1x128xi32, #tpu.memory_space<vmem>> -> memref<128xi32, #tpu.memory_space<vmem>>
    %dma_wait3A_236 = arith.constant 0 : i32
    %dma_wait3A_237 = arith.constant 0 : i32
    %dma_wait3A_238 = tpu.memref_slice %arg9[%dma_wait3A_236, %dma_wait3A_237] : memref<10240x128xf32, #tpu.memory_space<vmem_shared>> -> memref<10240x128xf32, #tpu.memory_space<vmem_shared>>
    tpu.wait_indirect_dma semaphore(%arg13 : memref<!tpu.dma_semaphore, #tpu.memory_space<semaphore_mem>>) src(%dma_wait3A_232 : memref<128x128xf32, #tpu.memory_space<vmem>>) dst(%dma_wait3A_238 : memref<10240x128xf32, #tpu.memory_space<vmem_shared>>)
    %barrier3A_239 = arith.constant 0 : index
    tpu.barrier barrier_id(%barrier3A_239)
    "tpu.region"() ({
      %run_scoped3A = tpu.sem_alloc : memref<!tpu.dma_semaphore, #tpu.memory_space<semaphore_mem>>
      %dma_start3A_240 = arith.constant 0 : i32
      %dma_start3A_241 = tpu.memref_slice %arg5[%arg0, %mul3A_8, %dma_start3A_240] : memref<2x10240x128xf32, #tpu.memory_space<hbm>> -> memref<1x640x128xf32, #tpu.memory_space<hbm>>
      %dma_start3A_242 = tpu.memref_squeeze %dma_start3A_241 : memref<1x640x128xf32, #tpu.memory_space<hbm>> -> memref<640x128xf32, #tpu.memory_space<hbm>>
      %dma_start3A_243 = arith.constant 0 : i32
      %dma_start3A_244 = tpu.memref_slice %arg9[%mul3A_8, %dma_start3A_243] : memref<10240x128xf32, #tpu.memory_space<vmem_shared>> -> memref<640x128xf32, #tpu.memory_space<vmem_shared>>
      tpu.enqueue_dma source(%dma_start3A_244 : memref<640x128xf32, #tpu.memory_space<vmem_shared>>) target(%dma_start3A_242 : memref<640x128xf32, #tpu.memory_space<hbm>>) target_semaphore(%run_scoped3A : memref<!tpu.dma_semaphore, #tpu.memory_space<semaphore_mem>>)
      %dma_wait3A_245 = arith.constant 0 : i32
      %dma_wait3A_246 = tpu.memref_slice %arg5[%arg0, %mul3A_8, %dma_wait3A_245] : memref<2x10240x128xf32, #tpu.memory_space<hbm>> -> memref<1x640x128xf32, #tpu.memory_space<hbm>>
      %dma_wait3A_247 = tpu.memref_squeeze %dma_wait3A_246 : memref<1x640x128xf32, #tpu.memory_space<hbm>> -> memref<640x128xf32, #tpu.memory_space<hbm>>
      %dma_wait3A_248 = arith.constant 0 : i32
      %dma_wait3A_249 = tpu.memref_slice %arg9[%mul3A_8, %dma_wait3A_248] : memref<10240x128xf32, #tpu.memory_space<vmem_shared>> -> memref<640x128xf32, #tpu.memory_space<vmem_shared>>
      tpu.wait_dma2 semaphore(%run_scoped3A : memref<!tpu.dma_semaphore, #tpu.memory_space<semaphore_mem>>) src(%dma_wait3A_249 : memref<640x128xf32, #tpu.memory_space<vmem_shared>>) dst(%dma_wait3A_247 : memref<640x128xf32, #tpu.memory_space<hbm>>)
      tpu.yield
    }) : () -> ()
    return
  }
}

#map = affine_map<(d0, d1) -> (0, 0)>
#map1 = affine_map<(d0, d1) -> (0, 0, 0, 0)>
#map2 = affine_map<(d0, d1) -> (0, 0, 0)>
module attributes {stable_mosaic.version = 14 : i64} {
  func.func @agg(%arg0: i32, %arg1: i32, %arg2: memref<20000x128xf32, #tpu.memory_space<hbm>>, %arg3: memref<2x16x80x128xi32, #tpu.memory_space<hbm>>, %arg4: memref<2x16x80x128xi32, #tpu.memory_space<hbm>>, %arg5: memref<2x10240x128xf32, #tpu.memory_space<hbm>>, %arg6: memref<80x128xi32, #tpu.memory_space<vmem>>, %arg7: memref<2x128xi32, #tpu.memory_space<vmem>>, %arg8: memref<2x128x128xf32, #tpu.memory_space<vmem>>, %arg9: memref<10240x128xf32, #tpu.memory_space<vmem_shared>>, %arg10: memref<!tpu.dma_semaphore, #tpu.memory_space<semaphore_mem>>, %arg11: memref<!tpu.dma_semaphore, #tpu.memory_space<semaphore_mem>>, %arg12: memref<!tpu.dma_semaphore, #tpu.memory_space<semaphore_mem>>, %arg13: memref<!tpu.dma_semaphore, #tpu.memory_space<semaphore_mem>>, %arg14: memref<!tpu.dma_semaphore, #tpu.memory_space<semaphore_mem>>, %arg15: memref<!tpu.dma_semaphore, #tpu.memory_space<semaphore_mem>>, %arg16: memref<!tpu.dma_semaphore, #tpu.memory_space<semaphore_mem>>) attributes {dimension_semantics = [#tpu.dimension_semantics<core_parallel>, #tpu.dimension_semantics<subcore_parallel>], iteration_bounds = array<i64: 2, 16>, scalar_prefetch = 0 : i64, scratch_operands = 11 : i64, tpu.core_type = #tpu.core_type<sc_vector_subcore>, window_params = [{transform_indices = #map}, {transform_indices = #map1}, {transform_indices = #map1}, {transform_indices = #map2}]} {
    %broadcast_in_dim3A = arith.constant 0.000000e+00 : f32
    %broadcast_in_dim3A_0 = vector.broadcast %broadcast_in_dim3A : f32 to vector<16xf32>
    %scan3A = arith.constant 0 : i32
    %scan3A_1 = arith.constant 0 : i32
    %scan3A_2 = arith.constant 0 : i32
    %scan3A_3 = arith.constant 128 : i32
    %scan3A_4 = arith.addi %scan3A_2, %scan3A_3 : i32
    %scan3A_5 = arith.constant 1 : i32
    %scan3A_6 = scf.for %scan3A_240 = %scan3A_2 to %scan3A_4 step %scan3A_5 iter_args(%scan3A_241 = %scan3A_1) -> (i32)  : i32 {
      %swap3A = arith.constant 0 : i32
      %swap3A_242 = arith.constant 0 : i32
      %swap3A_243 = tpu.memref_slice %arg8[%scan3A, %swap3A, %swap3A_242] : memref<2x128x128xf32, #tpu.memory_space<vmem>> -> memref<1x128x128xf32, #tpu.memory_space<vmem>>
      %swap3A_244 = tpu.memref_squeeze %swap3A_243 : memref<1x128x128xf32, #tpu.memory_space<vmem>> -> memref<128x128xf32, #tpu.memory_space<vmem>>
      %swap3A_245 = arith.index_cast %scan3A_240 : i32 to index
      %swap3A_246 = arith.constant 0 : index
      %swap3A_247 = tpu.vector_load %swap3A_244[%swap3A_245, %swap3A_246] {strides = array<i32>} : memref<128x128xf32, #tpu.memory_space<vmem>>, vector<1x16xf32>,
      %swap3A_248 = vector.shape_cast %swap3A_247 : vector<1x16xf32> to vector<16xf32>
      %swap3A_249 = vector.shape_cast %broadcast_in_dim3A_0 : vector<16xf32> to vector<1x16xf32>
      tpu.vector_store %swap3A_244[%swap3A_245, %swap3A_246], %swap3A_249 {strides = array<i32>} : memref<128x128xf32, #tpu.memory_space<vmem>>, vector<1x16xf32>,
      %swap3A_250 = arith.constant 0 : i32
      %swap3A_251 = arith.constant 0 : i32
      %swap3A_252 = tpu.memref_slice %arg8[%scan3A, %swap3A_250, %swap3A_251] : memref<2x128x128xf32, #tpu.memory_space<vmem>> -> memref<1x128x128xf32, #tpu.memory_space<vmem>>
      %swap3A_253 = tpu.memref_squeeze %swap3A_252 : memref<1x128x128xf32, #tpu.memory_space<vmem>> -> memref<128x128xf32, #tpu.memory_space<vmem>>
      %swap3A_254 = arith.index_cast %scan3A_240 : i32 to index
      %swap3A_255 = arith.constant 16 : index
      %swap3A_256 = tpu.vector_load %swap3A_253[%swap3A_254, %swap3A_255] {strides = array<i32>} : memref<128x128xf32, #tpu.memory_space<vmem>>, vector<1x16xf32>,
      %swap3A_257 = vector.shape_cast %swap3A_256 : vector<1x16xf32> to vector<16xf32>
      %swap3A_258 = vector.shape_cast %broadcast_in_dim3A_0 : vector<16xf32> to vector<1x16xf32>
      tpu.vector_store %swap3A_253[%swap3A_254, %swap3A_255], %swap3A_258 {strides = array<i32>} : memref<128x128xf32, #tpu.memory_space<vmem>>, vector<1x16xf32>,
      %swap3A_259 = arith.constant 0 : i32
      %swap3A_260 = arith.constant 0 : i32
      %swap3A_261 = tpu.memref_slice %arg8[%scan3A, %swap3A_259, %swap3A_260] : memref<2x128x128xf32, #tpu.memory_space<vmem>> -> memref<1x128x128xf32, #tpu.memory_space<vmem>>
      %swap3A_262 = tpu.memref_squeeze %swap3A_261 : memref<1x128x128xf32, #tpu.memory_space<vmem>> -> memref<128x128xf32, #tpu.memory_space<vmem>>
      %swap3A_263 = arith.index_cast %scan3A_240 : i32 to index
      %swap3A_264 = arith.constant 32 : index
      %swap3A_265 = tpu.vector_load %swap3A_262[%swap3A_263, %swap3A_264] {strides = array<i32>} : memref<128x128xf32, #tpu.memory_space<vmem>>, vector<1x16xf32>,
      %swap3A_266 = vector.shape_cast %swap3A_265 : vector<1x16xf32> to vector<16xf32>
      %swap3A_267 = vector.shape_cast %broadcast_in_dim3A_0 : vector<16xf32> to vector<1x16xf32>
      tpu.vector_store %swap3A_262[%swap3A_263, %swap3A_264], %swap3A_267 {strides = array<i32>} : memref<128x128xf32, #tpu.memory_space<vmem>>, vector<1x16xf32>,
      %swap3A_268 = arith.constant 0 : i32
      %swap3A_269 = arith.constant 0 : i32
      %swap3A_270 = tpu.memref_slice %arg8[%scan3A, %swap3A_268, %swap3A_269] : memref<2x128x128xf32, #tpu.memory_space<vmem>> -> memref<1x128x128xf32, #tpu.memory_space<vmem>>
      %swap3A_271 = tpu.memref_squeeze %swap3A_270 : memref<1x128x128xf32, #tpu.memory_space<vmem>> -> memref<128x128xf32, #tpu.memory_space<vmem>>
      %swap3A_272 = arith.index_cast %scan3A_240 : i32 to index
      %swap3A_273 = arith.constant 48 : index
      %swap3A_274 = tpu.vector_load %swap3A_271[%swap3A_272, %swap3A_273] {strides = array<i32>} : memref<128x128xf32, #tpu.memory_space<vmem>>, vector<1x16xf32>,
      %swap3A_275 = vector.shape_cast %swap3A_274 : vector<1x16xf32> to vector<16xf32>
      %swap3A_276 = vector.shape_cast %broadcast_in_dim3A_0 : vector<16xf32> to vector<1x16xf32>
      tpu.vector_store %swap3A_271[%swap3A_272, %swap3A_273], %swap3A_276 {strides = array<i32>} : memref<128x128xf32, #tpu.memory_space<vmem>>, vector<1x16xf32>,
      %swap3A_277 = arith.constant 0 : i32
      %swap3A_278 = arith.constant 0 : i32
      %swap3A_279 = tpu.memref_slice %arg8[%scan3A, %swap3A_277, %swap3A_278] : memref<2x128x128xf32, #tpu.memory_space<vmem>> -> memref<1x128x128xf32, #tpu.memory_space<vmem>>
      %swap3A_280 = tpu.memref_squeeze %swap3A_279 : memref<1x128x128xf32, #tpu.memory_space<vmem>> -> memref<128x128xf32, #tpu.memory_space<vmem>>
      %swap3A_281 = arith.index_cast %scan3A_240 : i32 to index
      %swap3A_282 = arith.constant 64 : index
      %swap3A_283 = tpu.vector_load %swap3A_280[%swap3A_281, %swap3A_282] {strides = array<i32>} : memref<128x128xf32, #tpu.memory_space<vmem>>, vector<1x16xf32>,
      %swap3A_284 = vector.shape_cast %swap3A_283 : vector<1x16xf32> to vector<16xf32>
      %swap3A_285 = vector.shape_cast %broadcast_in_dim3A_0 : vector<16xf32> to vector<1x16xf32>
      tpu.vector_store %swap3A_280[%swap3A_281, %swap3A_282], %swap3A_285 {strides = array<i32>} : memref<128x128xf32, #tpu.memory_space<vmem>>, vector<1x16xf32>,
      %swap3A_286 = arith.constant 0 : i32
      %swap3A_287 = arith.constant 0 : i32
      %swap3A_288 = tpu.memref_slice %arg8[%scan3A, %swap3A_286, %swap3A_287] : memref<2x128x128xf32, #tpu.memory_space<vmem>> -> memref<1x128x128xf32, #tpu.memory_space<vmem>>
      %swap3A_289 = tpu.memref_squeeze %swap3A_288 : memref<1x128x128xf32, #tpu.memory_space<vmem>> -> memref<128x128xf32, #tpu.memory_space<vmem>>
      %swap3A_290 = arith.index_cast %scan3A_240 : i32 to index
      %swap3A_291 = arith.constant 80 : index
      %swap3A_292 = tpu.vector_load %swap3A_289[%swap3A_290, %swap3A_291] {strides = array<i32>} : memref<128x128xf32, #tpu.memory_space<vmem>>, vector<1x16xf32>,
      %swap3A_293 = vector.shape_cast %swap3A_292 : vector<1x16xf32> to vector<16xf32>
      %swap3A_294 = vector.shape_cast %broadcast_in_dim3A_0 : vector<16xf32> to vector<1x16xf32>
      tpu.vector_store %swap3A_289[%swap3A_290, %swap3A_291], %swap3A_294 {strides = array<i32>} : memref<128x128xf32, #tpu.memory_space<vmem>>, vector<1x16xf32>,
      %swap3A_295 = arith.constant 0 : i32
      %swap3A_296 = arith.constant 0 : i32
      %swap3A_297 = tpu.memref_slice %arg8[%scan3A, %swap3A_295, %swap3A_296] : memref<2x128x128xf32, #tpu.memory_space<vmem>> -> memref<1x128x128xf32, #tpu.memory_space<vmem>>
      %swap3A_298 = tpu.memref_squeeze %swap3A_297 : memref<1x128x128xf32, #tpu.memory_space<vmem>> -> memref<128x128xf32, #tpu.memory_space<vmem>>
      %swap3A_299 = arith.index_cast %scan3A_240 : i32 to index
      %swap3A_300 = arith.constant 96 : index
      %swap3A_301 = tpu.vector_load %swap3A_298[%swap3A_299, %swap3A_300] {strides = array<i32>} : memref<128x128xf32, #tpu.memory_space<vmem>>, vector<1x16xf32>,
      %swap3A_302 = vector.shape_cast %swap3A_301 : vector<1x16xf32> to vector<16xf32>
      %swap3A_303 = vector.shape_cast %broadcast_in_dim3A_0 : vector<16xf32> to vector<1x16xf32>
      tpu.vector_store %swap3A_298[%swap3A_299, %swap3A_300], %swap3A_303 {strides = array<i32>} : memref<128x128xf32, #tpu.memory_space<vmem>>, vector<1x16xf32>,
      %swap3A_304 = arith.constant 0 : i32
      %swap3A_305 = arith.constant 0 : i32
      %swap3A_306 = tpu.memref_slice %arg8[%scan3A, %swap3A_304, %swap3A_305] : memref<2x128x128xf32, #tpu.memory_space<vmem>> -> memref<1x128x128xf32, #tpu.memory_space<vmem>>
      %swap3A_307 = tpu.memref_squeeze %swap3A_306 : memref<1x128x128xf32, #tpu.memory_space<vmem>> -> memref<128x128xf32, #tpu.memory_space<vmem>>
      %swap3A_308 = arith.index_cast %scan3A_240 : i32 to index
      %swap3A_309 = arith.constant 112 : index
      %swap3A_310 = tpu.vector_load %swap3A_307[%swap3A_308, %swap3A_309] {strides = array<i32>} : memref<128x128xf32, #tpu.memory_space<vmem>>, vector<1x16xf32>,
      %swap3A_311 = vector.shape_cast %swap3A_310 : vector<1x16xf32> to vector<16xf32>
      %swap3A_312 = vector.shape_cast %broadcast_in_dim3A_0 : vector<16xf32> to vector<1x16xf32>
      tpu.vector_store %swap3A_307[%swap3A_308, %swap3A_309], %swap3A_312 {strides = array<i32>} : memref<128x128xf32, #tpu.memory_space<vmem>>, vector<1x16xf32>,
      %scan3A_313 = arith.constant 0 : i32
      scf.yield %scan3A_313 : i32
    }
    %scan3A_7 = arith.constant 128 : i32
    %mul3A = arith.constant 640 : i32
    %mul3A_8 = arith.muli %arg1, %mul3A : i32
    %add3A = arith.constant 0 : i32
    %add3A_9 = arith.addi %mul3A_8, %add3A : i32
    %dma_start3A = arith.constant 0 : i32
    %dma_start3A_10 = arith.constant 0 : i32
    %dma_start3A_11 = arith.constant 0 : i32
    %dma_start3A_12 = tpu.memref_slice %arg8[%dma_start3A, %dma_start3A_10, %dma_start3A_11] : memref<2x128x128xf32, #tpu.memory_space<vmem>> -> memref<1x128x128xf32, #tpu.memory_space<vmem>>
    %dma_start3A_13 = tpu.memref_squeeze %dma_start3A_12 : memref<1x128x128xf32, #tpu.memory_space<vmem>> -> memref<128x128xf32, #tpu.memory_space<vmem>>
    %dma_start3A_14 = arith.constant 0 : i32
    %dma_start3A_15 = tpu.memref_slice %arg9[%add3A_9, %dma_start3A_14] : memref<10240x128xf32, #tpu.memory_space<vmem_shared>> -> memref<128x128xf32, #tpu.memory_space<vmem_shared>>
    %dma_start3A_16 = arith.constant 0 : i32
    %dma_start3A_17 = tpu.memref_slice %arg9[%add3A_9, %dma_start3A_16] : memref<10240x128xf32, #tpu.memory_space<vmem_shared>> -> memref<128x128xf32, #tpu.memory_space<vmem_shared>>
    %dma_start3A_18 = arith.constant 0 : i32
    %dma_start3A_19 = arith.constant 0 : i32
    %dma_start3A_20 = tpu.memref_slice %arg8[%dma_start3A, %dma_start3A_18, %dma_start3A_19] : memref<2x128x128xf32, #tpu.memory_space<vmem>> -> memref<1x128x128xf32, #tpu.memory_space<vmem>>
    %dma_start3A_21 = tpu.memref_squeeze %dma_start3A_20 : memref<1x128x128xf32, #tpu.memory_space<vmem>> -> memref<128x128xf32, #tpu.memory_space<vmem>>
    tpu.enqueue_dma source(%dma_start3A_21 : memref<128x128xf32, #tpu.memory_space<vmem>>) target(%dma_start3A_17 : memref<128x128xf32, #tpu.memory_space<vmem_shared>>) target_semaphore(%arg16 : memref<!tpu.dma_semaphore, #tpu.memory_space<semaphore_mem>>)
    %add3A_22 = arith.constant 128 : i32
    %add3A_23 = arith.addi %mul3A_8, %add3A_22 : i32
    %dma_start3A_24 = arith.constant 0 : i32
    %dma_start3A_25 = arith.constant 0 : i32
    %dma_start3A_26 = arith.constant 0 : i32
    %dma_start3A_27 = tpu.memref_slice %arg8[%dma_start3A_24, %dma_start3A_25, %dma_start3A_26] : memref<2x128x128xf32, #tpu.memory_space<vmem>> -> memref<1x128x128xf32, #tpu.memory_space<vmem>>
    %dma_start3A_28 = tpu.memref_squeeze %dma_start3A_27 : memref<1x128x128xf32, #tpu.memory_space<vmem>> -> memref<128x128xf32, #tpu.memory_space<vmem>>
    %dma_start3A_29 = arith.constant 0 : i32
    %dma_start3A_30 = tpu.memref_slice %arg9[%add3A_23, %dma_start3A_29] : memref<10240x128xf32, #tpu.memory_space<vmem_shared>> -> memref<128x128xf32, #tpu.memory_space<vmem_shared>>
    %dma_start3A_31 = arith.constant 0 : i32
    %dma_start3A_32 = tpu.memref_slice %arg9[%add3A_23, %dma_start3A_31] : memref<10240x128xf32, #tpu.memory_space<vmem_shared>> -> memref<128x128xf32, #tpu.memory_space<vmem_shared>>
    %dma_start3A_33 = arith.constant 0 : i32
    %dma_start3A_34 = arith.constant 0 : i32
    %dma_start3A_35 = tpu.memref_slice %arg8[%dma_start3A_24, %dma_start3A_33, %dma_start3A_34] : memref<2x128x128xf32, #tpu.memory_space<vmem>> -> memref<1x128x128xf32, #tpu.memory_space<vmem>>
    %dma_start3A_36 = tpu.memref_squeeze %dma_start3A_35 : memref<1x128x128xf32, #tpu.memory_space<vmem>> -> memref<128x128xf32, #tpu.memory_space<vmem>>
    tpu.enqueue_dma source(%dma_start3A_36 : memref<128x128xf32, #tpu.memory_space<vmem>>) target(%dma_start3A_32 : memref<128x128xf32, #tpu.memory_space<vmem_shared>>) target_semaphore(%arg16 : memref<!tpu.dma_semaphore, #tpu.memory_space<semaphore_mem>>)
    %add3A_37 = arith.constant 256 : i32
    %add3A_38 = arith.addi %mul3A_8, %add3A_37 : i32
    %dma_start3A_39 = arith.constant 0 : i32
    %dma_start3A_40 = arith.constant 0 : i32
    %dma_start3A_41 = arith.constant 0 : i32
    %dma_start3A_42 = tpu.memref_slice %arg8[%dma_start3A_39, %dma_start3A_40, %dma_start3A_41] : memref<2x128x128xf32, #tpu.memory_space<vmem>> -> memref<1x128x128xf32, #tpu.memory_space<vmem>>
    %dma_start3A_43 = tpu.memref_squeeze %dma_start3A_42 : memref<1x128x128xf32, #tpu.memory_space<vmem>> -> memref<128x128xf32, #tpu.memory_space<vmem>>
    %dma_start3A_44 = arith.constant 0 : i32
    %dma_start3A_45 = tpu.memref_slice %arg9[%add3A_38, %dma_start3A_44] : memref<10240x128xf32, #tpu.memory_space<vmem_shared>> -> memref<128x128xf32, #tpu.memory_space<vmem_shared>>
    %dma_start3A_46 = arith.constant 0 : i32
    %dma_start3A_47 = tpu.memref_slice %arg9[%add3A_38, %dma_start3A_46] : memref<10240x128xf32, #tpu.memory_space<vmem_shared>> -> memref<128x128xf32, #tpu.memory_space<vmem_shared>>
    %dma_start3A_48 = arith.constant 0 : i32
    %dma_start3A_49 = arith.constant 0 : i32
    %dma_start3A_50 = tpu.memref_slice %arg8[%dma_start3A_39, %dma_start3A_48, %dma_start3A_49] : memref<2x128x128xf32, #tpu.memory_space<vmem>> -> memref<1x128x128xf32, #tpu.memory_space<vmem>>
    %dma_start3A_51 = tpu.memref_squeeze %dma_start3A_50 : memref<1x128x128xf32, #tpu.memory_space<vmem>> -> memref<128x128xf32, #tpu.memory_space<vmem>>
    tpu.enqueue_dma source(%dma_start3A_51 : memref<128x128xf32, #tpu.memory_space<vmem>>) target(%dma_start3A_47 : memref<128x128xf32, #tpu.memory_space<vmem_shared>>) target_semaphore(%arg16 : memref<!tpu.dma_semaphore, #tpu.memory_space<semaphore_mem>>)
    %add3A_52 = arith.constant 384 : i32
    %add3A_53 = arith.addi %mul3A_8, %add3A_52 : i32
    %dma_start3A_54 = arith.constant 0 : i32
    %dma_start3A_55 = arith.constant 0 : i32
    %dma_start3A_56 = arith.constant 0 : i32
    %dma_start3A_57 = tpu.memref_slice %arg8[%dma_start3A_54, %dma_start3A_55, %dma_start3A_56] : memref<2x128x128xf32, #tpu.memory_space<vmem>> -> memref<1x128x128xf32, #tpu.memory_space<vmem>>
    %dma_start3A_58 = tpu.memref_squeeze %dma_start3A_57 : memref<1x128x128xf32, #tpu.memory_space<vmem>> -> memref<128x128xf32, #tpu.memory_space<vmem>>
    %dma_start3A_59 = arith.constant 0 : i32
    %dma_start3A_60 = tpu.memref_slice %arg9[%add3A_53, %dma_start3A_59] : memref<10240x128xf32, #tpu.memory_space<vmem_shared>> -> memref<128x128xf32, #tpu.memory_space<vmem_shared>>
    %dma_start3A_61 = arith.constant 0 : i32
    %dma_start3A_62 = tpu.memref_slice %arg9[%add3A_53, %dma_start3A_61] : memref<10240x128xf32, #tpu.memory_space<vmem_shared>> -> memref<128x128xf32, #tpu.memory_space<vmem_shared>>
    %dma_start3A_63 = arith.constant 0 : i32
    %dma_start3A_64 = arith.constant 0 : i32
    %dma_start3A_65 = tpu.memref_slice %arg8[%dma_start3A_54, %dma_start3A_63, %dma_start3A_64] : memref<2x128x128xf32, #tpu.memory_space<vmem>> -> memref<1x128x128xf32, #tpu.memory_space<vmem>>
    %dma_start3A_66 = tpu.memref_squeeze %dma_start3A_65 : memref<1x128x128xf32, #tpu.memory_space<vmem>> -> memref<128x128xf32, #tpu.memory_space<vmem>>
    tpu.enqueue_dma source(%dma_start3A_66 : memref<128x128xf32, #tpu.memory_space<vmem>>) target(%dma_start3A_62 : memref<128x128xf32, #tpu.memory_space<vmem_shared>>) target_semaphore(%arg16 : memref<!tpu.dma_semaphore, #tpu.memory_space<semaphore_mem>>)
    %add3A_67 = arith.constant 512 : i32
    %add3A_68 = arith.addi %mul3A_8, %add3A_67 : i32
    %dma_start3A_69 = arith.constant 0 : i32
    %dma_start3A_70 = arith.constant 0 : i32
    %dma_start3A_71 = arith.constant 0 : i32
    %dma_start3A_72 = tpu.memref_slice %arg8[%dma_start3A_69, %dma_start3A_70, %dma_start3A_71] : memref<2x128x128xf32, #tpu.memory_space<vmem>> -> memref<1x128x128xf32, #tpu.memory_space<vmem>>
    %dma_start3A_73 = tpu.memref_squeeze %dma_start3A_72 : memref<1x128x128xf32, #tpu.memory_space<vmem>> -> memref<128x128xf32, #tpu.memory_space<vmem>>
    %dma_start3A_74 = arith.constant 0 : i32
    %dma_start3A_75 = tpu.memref_slice %arg9[%add3A_68, %dma_start3A_74] : memref<10240x128xf32, #tpu.memory_space<vmem_shared>> -> memref<128x128xf32, #tpu.memory_space<vmem_shared>>
    %dma_start3A_76 = arith.constant 0 : i32
    %dma_start3A_77 = tpu.memref_slice %arg9[%add3A_68, %dma_start3A_76] : memref<10240x128xf32, #tpu.memory_space<vmem_shared>> -> memref<128x128xf32, #tpu.memory_space<vmem_shared>>
    %dma_start3A_78 = arith.constant 0 : i32
    %dma_start3A_79 = arith.constant 0 : i32
    %dma_start3A_80 = tpu.memref_slice %arg8[%dma_start3A_69, %dma_start3A_78, %dma_start3A_79] : memref<2x128x128xf32, #tpu.memory_space<vmem>> -> memref<1x128x128xf32, #tpu.memory_space<vmem>>
    %dma_start3A_81 = tpu.memref_squeeze %dma_start3A_80 : memref<1x128x128xf32, #tpu.memory_space<vmem>> -> memref<128x128xf32, #tpu.memory_space<vmem>>
    tpu.enqueue_dma source(%dma_start3A_81 : memref<128x128xf32, #tpu.memory_space<vmem>>) target(%dma_start3A_77 : memref<128x128xf32, #tpu.memory_space<vmem_shared>>) target_semaphore(%arg16 : memref<!tpu.dma_semaphore, #tpu.memory_space<semaphore_mem>>)
    "tpu.region"() ({
      %run_scoped3A = tpu.sem_alloc : memref<!tpu.dma_semaphore, #tpu.memory_space<semaphore_mem>>
      %dma_start3A_240 = arith.constant 0 : i32
      %dma_start3A_241 = arith.constant 0 : i32
      %dma_start3A_242 = tpu.memref_slice %arg3[%arg0, %arg1, %dma_start3A_240, %dma_start3A_241] : memref<2x16x80x128xi32, #tpu.memory_space<hbm>> -> memref<1x1x80x128xi32, #tpu.memory_space<hbm>>
      %dma_start3A_243 = tpu.memref_squeeze %dma_start3A_242 : memref<1x1x80x128xi32, #tpu.memory_space<hbm>> -> memref<80x128xi32, #tpu.memory_space<hbm>>
      %dma_start3A_244 = arith.constant 0 : i32
      %dma_start3A_245 = arith.constant 0 : i32
      %dma_start3A_246 = tpu.memref_slice %arg3[%arg0, %arg1, %dma_start3A_244, %dma_start3A_245] : memref<2x16x80x128xi32, #tpu.memory_space<hbm>> -> memref<1x1x80x128xi32, #tpu.memory_space<hbm>>
      %dma_start3A_247 = tpu.memref_squeeze %dma_start3A_246 : memref<1x1x80x128xi32, #tpu.memory_space<hbm>> -> memref<80x128xi32, #tpu.memory_space<hbm>>
      tpu.enqueue_dma source(%dma_start3A_247 : memref<80x128xi32, #tpu.memory_space<hbm>>) target(%arg6 : memref<80x128xi32, #tpu.memory_space<vmem>>) target_semaphore(%run_scoped3A : memref<!tpu.dma_semaphore, #tpu.memory_space<semaphore_mem>>)
      %dma_wait3A_248 = arith.constant 0 : i32
      %dma_wait3A_249 = arith.constant 0 : i32
      %dma_wait3A_250 = tpu.memref_slice %arg3[%arg0, %arg1, %dma_wait3A_248, %dma_wait3A_249] : memref<2x16x80x128xi32, #tpu.memory_space<hbm>> -> memref<1x1x80x128xi32, #tpu.memory_space<hbm>>
      %dma_wait3A_251 = tpu.memref_squeeze %dma_wait3A_250 : memref<1x1x80x128xi32, #tpu.memory_space<hbm>> -> memref<80x128xi32, #tpu.memory_space<hbm>>
      %dma_wait3A_252 = arith.constant 0 : i32
      %dma_wait3A_253 = arith.constant 0 : i32
      %dma_wait3A_254 = tpu.memref_slice %arg3[%arg0, %arg1, %dma_wait3A_252, %dma_wait3A_253] : memref<2x16x80x128xi32, #tpu.memory_space<hbm>> -> memref<1x1x80x128xi32, #tpu.memory_space<hbm>>
      %dma_wait3A_255 = tpu.memref_squeeze %dma_wait3A_254 : memref<1x1x80x128xi32, #tpu.memory_space<hbm>> -> memref<80x128xi32, #tpu.memory_space<hbm>>
      tpu.wait_dma2 semaphore(%run_scoped3A : memref<!tpu.dma_semaphore, #tpu.memory_space<semaphore_mem>>) src(%dma_wait3A_255 : memref<80x128xi32, #tpu.memory_space<hbm>>) dst(%arg6 : memref<80x128xi32, #tpu.memory_space<vmem>>)
      tpu.yield
    }) : () -> ()
    %add3A_82 = arith.constant 0 : i32
    %add3A_83 = arith.addi %mul3A_8, %add3A_82 : i32
    %dma_wait3A = arith.constant 0 : i32
    %dma_wait3A_84 = arith.constant 0 : i32
    %dma_wait3A_85 = arith.constant 0 : i32
    %dma_wait3A_86 = tpu.memref_slice %arg8[%dma_wait3A, %dma_wait3A_84, %dma_wait3A_85] : memref<2x128x128xf32, #tpu.memory_space<vmem>> -> memref<1x128x128xf32, #tpu.memory_space<vmem>>
    %dma_wait3A_87 = tpu.memref_squeeze %dma_wait3A_86 : memref<1x128x128xf32, #tpu.memory_space<vmem>> -> memref<128x128xf32, #tpu.memory_space<vmem>>
    %dma_wait3A_88 = arith.constant 0 : i32
    %dma_wait3A_89 = tpu.memref_slice %arg9[%add3A_83, %dma_wait3A_88] : memref<10240x128xf32, #tpu.memory_space<vmem_shared>> -> memref<128x128xf32, #tpu.memory_space<vmem_shared>>
    %dma_wait3A_90 = arith.constant 0 : i32
    %dma_wait3A_91 = tpu.memref_slice %arg9[%add3A_83, %dma_wait3A_90] : memref<10240x128xf32, #tpu.memory_space<vmem_shared>> -> memref<128x128xf32, #tpu.memory_space<vmem_shared>>
    %dma_wait3A_92 = arith.constant 0 : i32
    %dma_wait3A_93 = arith.constant 0 : i32
    %dma_wait3A_94 = tpu.memref_slice %arg8[%dma_wait3A, %dma_wait3A_92, %dma_wait3A_93] : memref<2x128x128xf32, #tpu.memory_space<vmem>> -> memref<1x128x128xf32, #tpu.memory_space<vmem>>
    %dma_wait3A_95 = tpu.memref_squeeze %dma_wait3A_94 : memref<1x128x128xf32, #tpu.memory_space<vmem>> -> memref<128x128xf32, #tpu.memory_space<vmem>>
    tpu.wait_dma2 semaphore(%arg16 : memref<!tpu.dma_semaphore, #tpu.memory_space<semaphore_mem>>) src(%dma_wait3A_95 : memref<128x128xf32, #tpu.memory_space<vmem>>) dst(%dma_wait3A_91 : memref<128x128xf32, #tpu.memory_space<vmem_shared>>)
    %add3A_96 = arith.constant 128 : i32
    %add3A_97 = arith.addi %mul3A_8, %add3A_96 : i32
    %dma_wait3A_98 = arith.constant 0 : i32
    %dma_wait3A_99 = arith.constant 0 : i32
    %dma_wait3A_100 = arith.constant 0 : i32
    %dma_wait3A_101 = tpu.memref_slice %arg8[%dma_wait3A_98, %dma_wait3A_99, %dma_wait3A_100] : memref<2x128x128xf32, #tpu.memory_space<vmem>> -> memref<1x128x128xf32, #tpu.memory_space<vmem>>
    %dma_wait3A_102 = tpu.memref_squeeze %dma_wait3A_101 : memref<1x128x128xf32, #tpu.memory_space<vmem>> -> memref<128x128xf32, #tpu.memory_space<vmem>>
    %dma_wait3A_103 = arith.constant 0 : i32
    %dma_wait3A_104 = tpu.memref_slice %arg9[%add3A_97, %dma_wait3A_103] : memref<10240x128xf32, #tpu.memory_space<vmem_shared>> -> memref<128x128xf32, #tpu.memory_space<vmem_shared>>
    %dma_wait3A_105 = arith.constant 0 : i32
    %dma_wait3A_106 = tpu.memref_slice %arg9[%add3A_97, %dma_wait3A_105] : memref<10240x128xf32, #tpu.memory_space<vmem_shared>> -> memref<128x128xf32, #tpu.memory_space<vmem_shared>>
    %dma_wait3A_107 = arith.constant 0 : i32
    %dma_wait3A_108 = arith.constant 0 : i32
    %dma_wait3A_109 = tpu.memref_slice %arg8[%dma_wait3A_98, %dma_wait3A_107, %dma_wait3A_108] : memref<2x128x128xf32, #tpu.memory_space<vmem>> -> memref<1x128x128xf32, #tpu.memory_space<vmem>>
    %dma_wait3A_110 = tpu.memref_squeeze %dma_wait3A_109 : memref<1x128x128xf32, #tpu.memory_space<vmem>> -> memref<128x128xf32, #tpu.memory_space<vmem>>
    tpu.wait_dma2 semaphore(%arg16 : memref<!tpu.dma_semaphore, #tpu.memory_space<semaphore_mem>>) src(%dma_wait3A_110 : memref<128x128xf32, #tpu.memory_space<vmem>>) dst(%dma_wait3A_106 : memref<128x128xf32, #tpu.memory_space<vmem_shared>>)
    %add3A_111 = arith.constant 256 : i32
    %add3A_112 = arith.addi %mul3A_8, %add3A_111 : i32
    %dma_wait3A_113 = arith.constant 0 : i32
    %dma_wait3A_114 = arith.constant 0 : i32
    %dma_wait3A_115 = arith.constant 0 : i32
    %dma_wait3A_116 = tpu.memref_slice %arg8[%dma_wait3A_113, %dma_wait3A_114, %dma_wait3A_115] : memref<2x128x128xf32, #tpu.memory_space<vmem>> -> memref<1x128x128xf32, #tpu.memory_space<vmem>>
    %dma_wait3A_117 = tpu.memref_squeeze %dma_wait3A_116 : memref<1x128x128xf32, #tpu.memory_space<vmem>> -> memref<128x128xf32, #tpu.memory_space<vmem>>
    %dma_wait3A_118 = arith.constant 0 : i32
    %dma_wait3A_119 = tpu.memref_slice %arg9[%add3A_112, %dma_wait3A_118] : memref<10240x128xf32, #tpu.memory_space<vmem_shared>> -> memref<128x128xf32, #tpu.memory_space<vmem_shared>>
    %dma_wait3A_120 = arith.constant 0 : i32
    %dma_wait3A_121 = tpu.memref_slice %arg9[%add3A_112, %dma_wait3A_120] : memref<10240x128xf32, #tpu.memory_space<vmem_shared>> -> memref<128x128xf32, #tpu.memory_space<vmem_shared>>
    %dma_wait3A_122 = arith.constant 0 : i32
    %dma_wait3A_123 = arith.constant 0 : i32
    %dma_wait3A_124 = tpu.memref_slice %arg8[%dma_wait3A_113, %dma_wait3A_122, %dma_wait3A_123] : memref<2x128x128xf32, #tpu.memory_space<vmem>> -> memref<1x128x128xf32, #tpu.memory_space<vmem>>
    %dma_wait3A_125 = tpu.memref_squeeze %dma_wait3A_124 : memref<1x128x128xf32, #tpu.memory_space<vmem>> -> memref<128x128xf32, #tpu.memory_space<vmem>>
    tpu.wait_dma2 semaphore(%arg16 : memref<!tpu.dma_semaphore, #tpu.memory_space<semaphore_mem>>) src(%dma_wait3A_125 : memref<128x128xf32, #tpu.memory_space<vmem>>) dst(%dma_wait3A_121 : memref<128x128xf32, #tpu.memory_space<vmem_shared>>)
    %add3A_126 = arith.constant 384 : i32
    %add3A_127 = arith.addi %mul3A_8, %add3A_126 : i32
    %dma_wait3A_128 = arith.constant 0 : i32
    %dma_wait3A_129 = arith.constant 0 : i32
    %dma_wait3A_130 = arith.constant 0 : i32
    %dma_wait3A_131 = tpu.memref_slice %arg8[%dma_wait3A_128, %dma_wait3A_129, %dma_wait3A_130] : memref<2x128x128xf32, #tpu.memory_space<vmem>> -> memref<1x128x128xf32, #tpu.memory_space<vmem>>
    %dma_wait3A_132 = tpu.memref_squeeze %dma_wait3A_131 : memref<1x128x128xf32, #tpu.memory_space<vmem>> -> memref<128x128xf32, #tpu.memory_space<vmem>>
    %dma_wait3A_133 = arith.constant 0 : i32
    %dma_wait3A_134 = tpu.memref_slice %arg9[%add3A_127, %dma_wait3A_133] : memref<10240x128xf32, #tpu.memory_space<vmem_shared>> -> memref<128x128xf32, #tpu.memory_space<vmem_shared>>
    %dma_wait3A_135 = arith.constant 0 : i32
    %dma_wait3A_136 = tpu.memref_slice %arg9[%add3A_127, %dma_wait3A_135] : memref<10240x128xf32, #tpu.memory_space<vmem_shared>> -> memref<128x128xf32, #tpu.memory_space<vmem_shared>>
    %dma_wait3A_137 = arith.constant 0 : i32
    %dma_wait3A_138 = arith.constant 0 : i32
    %dma_wait3A_139 = tpu.memref_slice %arg8[%dma_wait3A_128, %dma_wait3A_137, %dma_wait3A_138] : memref<2x128x128xf32, #tpu.memory_space<vmem>> -> memref<1x128x128xf32, #tpu.memory_space<vmem>>
    %dma_wait3A_140 = tpu.memref_squeeze %dma_wait3A_139 : memref<1x128x128xf32, #tpu.memory_space<vmem>> -> memref<128x128xf32, #tpu.memory_space<vmem>>
    tpu.wait_dma2 semaphore(%arg16 : memref<!tpu.dma_semaphore, #tpu.memory_space<semaphore_mem>>) src(%dma_wait3A_140 : memref<128x128xf32, #tpu.memory_space<vmem>>) dst(%dma_wait3A_136 : memref<128x128xf32, #tpu.memory_space<vmem_shared>>)
    %add3A_141 = arith.constant 512 : i32
    %add3A_142 = arith.addi %mul3A_8, %add3A_141 : i32
    %dma_wait3A_143 = arith.constant 0 : i32
    %dma_wait3A_144 = arith.constant 0 : i32
    %dma_wait3A_145 = arith.constant 0 : i32
    %dma_wait3A_146 = tpu.memref_slice %arg8[%dma_wait3A_143, %dma_wait3A_144, %dma_wait3A_145] : memref<2x128x128xf32, #tpu.memory_space<vmem>> -> memref<1x128x128xf32, #tpu.memory_space<vmem>>
    %dma_wait3A_147 = tpu.memref_squeeze %dma_wait3A_146 : memref<1x128x128xf32, #tpu.memory_space<vmem>> -> memref<128x128xf32, #tpu.memory_space<vmem>>
    %dma_wait3A_148 = arith.constant 0 : i32
    %dma_wait3A_149 = tpu.memref_slice %arg9[%add3A_142, %dma_wait3A_148] : memref<10240x128xf32, #tpu.memory_space<vmem_shared>> -> memref<128x128xf32, #tpu.memory_space<vmem_shared>>
    %dma_wait3A_150 = arith.constant 0 : i32
    %dma_wait3A_151 = tpu.memref_slice %arg9[%add3A_142, %dma_wait3A_150] : memref<10240x128xf32, #tpu.memory_space<vmem_shared>> -> memref<128x128xf32, #tpu.memory_space<vmem_shared>>
    %dma_wait3A_152 = arith.constant 0 : i32
    %dma_wait3A_153 = arith.constant 0 : i32
    %dma_wait3A_154 = tpu.memref_slice %arg8[%dma_wait3A_143, %dma_wait3A_152, %dma_wait3A_153] : memref<2x128x128xf32, #tpu.memory_space<vmem>> -> memref<1x128x128xf32, #tpu.memory_space<vmem>>
    %dma_wait3A_155 = tpu.memref_squeeze %dma_wait3A_154 : memref<1x128x128xf32, #tpu.memory_space<vmem>> -> memref<128x128xf32, #tpu.memory_space<vmem>>
    tpu.wait_dma2 semaphore(%arg16 : memref<!tpu.dma_semaphore, #tpu.memory_space<semaphore_mem>>) src(%dma_wait3A_155 : memref<128x128xf32, #tpu.memory_space<vmem>>) dst(%dma_wait3A_151 : memref<128x128xf32, #tpu.memory_space<vmem_shared>>)
    %dma_start3A_156 = arith.constant 0 : i32
    %dma_start3A_157 = arith.constant 0 : i32
    %dma_start3A_158 = arith.constant 0 : i32
    %dma_start3A_159 = tpu.memref_slice %arg7[%dma_start3A_157, %dma_start3A_158] : memref<2x128xi32, #tpu.memory_space<vmem>> -> memref<1x128xi32, #tpu.memory_space<vmem>>
    %dma_start3A_160 = tpu.memref_squeeze %dma_start3A_159 : memref<1x128xi32, #tpu.memory_space<vmem>> -> memref<128xi32, #tpu.memory_space<vmem>>
    %dma_start3A_161 = arith.constant 0 : i32
    %dma_start3A_162 = tpu.memref_slice %arg4[%arg0, %arg1, %dma_start3A_156, %dma_start3A_161] : memref<2x16x80x128xi32, #tpu.memory_space<hbm>> -> memref<1x1x1x128xi32, #tpu.memory_space<hbm>>
    %dma_start3A_163 = tpu.memref_squeeze %dma_start3A_162 : memref<1x1x1x128xi32, #tpu.memory_space<hbm>> -> memref<128xi32, #tpu.memory_space<hbm>>
    %dma_start3A_164 = arith.constant 0 : i32
    %dma_start3A_165 = tpu.memref_slice %arg7[%dma_start3A_157, %dma_start3A_164] : memref<2x128xi32, #tpu.memory_space<vmem>> -> memref<1x128xi32, #tpu.memory_space<vmem>>
    %dma_start3A_166 = tpu.memref_squeeze %dma_start3A_165 : memref<1x128xi32, #tpu.memory_space<vmem>> -> memref<128xi32, #tpu.memory_space<vmem>>
    %dma_start3A_167 = arith.constant 0 : i32
    %dma_start3A_168 = tpu.memref_slice %arg4[%arg0, %arg1, %dma_start3A_156, %dma_start3A_167] : memref<2x16x80x128xi32, #tpu.memory_space<hbm>> -> memref<1x1x1x128xi32, #tpu.memory_space<hbm>>
    %dma_start3A_169 = tpu.memref_squeeze %dma_start3A_168 : memref<1x1x1x128xi32, #tpu.memory_space<hbm>> -> memref<128xi32, #tpu.memory_space<hbm>>
    tpu.enqueue_dma source(%dma_start3A_169 : memref<128xi32, #tpu.memory_space<hbm>>) target(%dma_start3A_166 : memref<128xi32, #tpu.memory_space<vmem>>) target_semaphore(%arg14 : memref<!tpu.dma_semaphore, #tpu.memory_space<semaphore_mem>>)
    %dma_start3A_170 = arith.constant 0 : i32
    %dma_start3A_171 = arith.constant 0 : i32
    %dma_start3A_172 = arith.constant 0 : i32
    %dma_start3A_173 = arith.constant 0 : i32
    %dma_start3A_174 = tpu.memref_slice %arg8[%dma_start3A_171, %dma_start3A_172, %dma_start3A_173] : memref<2x128x128xf32, #tpu.memory_space<vmem>> -> memref<1x128x128xf32, #tpu.memory_space<vmem>>
    %dma_start3A_175 = tpu.memref_squeeze %dma_start3A_174 : memref<1x128x128xf32, #tpu.memory_space<vmem>> -> memref<128x128xf32, #tpu.memory_space<vmem>>
    %dma_start3A_176 = arith.constant 0 : i32
    %dma_start3A_177 = tpu.memref_slice %arg6[%dma_start3A_170, %dma_start3A_176] : memref<80x128xi32, #tpu.memory_space<vmem>> -> memref<1x128xi32, #tpu.memory_space<vmem>>
    %dma_start3A_178 = tpu.memref_squeeze %dma_start3A_177 : memref<1x128xi32, #tpu.memory_space<vmem>> -> memref<128xi32, #tpu.memory_space<vmem>>
    %dma_start3A_179 = arith.constant 0 : i32
    %dma_start3A_180 = arith.constant 0 : i32
    %dma_start3A_181 = tpu.memref_slice %arg2[%dma_start3A_179, %dma_start3A_180] : memref<20000x128xf32, #tpu.memory_space<hbm>> -> memref<20000x128xf32, #tpu.memory_space<hbm>>
    tpu.enqueue_indirect_dma source(%dma_start3A_181 : memref<20000x128xf32, #tpu.memory_space<hbm>>) target(%dma_start3A_175 : memref<128x128xf32, #tpu.memory_space<vmem>>) offsets(%dma_start3A_178 : memref<128xi32, #tpu.memory_space<vmem>>) semaphore(%arg10 : memref<!tpu.dma_semaphore, #tpu.memory_space<semaphore_mem>>)
    %dma_start3A_182 = arith.constant 1 : i32
    %dma_start3A_183 = arith.constant 1 : i32
    %dma_start3A_184 = arith.constant 0 : i32
    %dma_start3A_185 = tpu.memref_slice %arg7[%dma_start3A_183, %dma_start3A_184] : memref<2x128xi32, #tpu.memory_space<vmem>> -> memref<1x128xi32, #tpu.memory_space<vmem>>
    %dma_start3A_186 = tpu.memref_squeeze %dma_start3A_185 : memref<1x128xi32, #tpu.memory_space<vmem>> -> memref<128xi32, #tpu.memory_space<vmem>>
    %dma_start3A_187 = arith.constant 0 : i32
    %dma_start3A_188 = tpu.memref_slice %arg4[%arg0, %arg1, %dma_start3A_182, %dma_start3A_187] : memref<2x16x80x128xi32, #tpu.memory_space<hbm>> -> memref<1x1x1x128xi32, #tpu.memory_space<hbm>>
    %dma_start3A_189 = tpu.memref_squeeze %dma_start3A_188 : memref<1x1x1x128xi32, #tpu.memory_space<hbm>> -> memref<128xi32, #tpu.memory_space<hbm>>
    %dma_start3A_190 = arith.constant 0 : i32
    %dma_start3A_191 = tpu.memref_slice %arg7[%dma_start3A_183, %dma_start3A_190] : memref<2x128xi32, #tpu.memory_space<vmem>> -> memref<1x128xi32, #tpu.memory_space<vmem>>
    %dma_start3A_192 = tpu.memref_squeeze %dma_start3A_191 : memref<1x128xi32, #tpu.memory_space<vmem>> -> memref<128xi32, #tpu.memory_space<vmem>>
    %dma_start3A_193 = arith.constant 0 : i32
    %dma_start3A_194 = tpu.memref_slice %arg4[%arg0, %arg1, %dma_start3A_182, %dma_start3A_193] : memref<2x16x80x128xi32, #tpu.memory_space<hbm>> -> memref<1x1x1x128xi32, #tpu.memory_space<hbm>>
    %dma_start3A_195 = tpu.memref_squeeze %dma_start3A_194 : memref<1x1x1x128xi32, #tpu.memory_space<hbm>> -> memref<128xi32, #tpu.memory_space<hbm>>
    tpu.enqueue_dma source(%dma_start3A_195 : memref<128xi32, #tpu.memory_space<hbm>>) target(%dma_start3A_192 : memref<128xi32, #tpu.memory_space<vmem>>) target_semaphore(%arg15 : memref<!tpu.dma_semaphore, #tpu.memory_space<semaphore_mem>>)
    %dma_start3A_196 = arith.constant 1 : i32
    %dma_start3A_197 = arith.constant 1 : i32
    %dma_start3A_198 = arith.constant 0 : i32
    %dma_start3A_199 = arith.constant 0 : i32
    %dma_start3A_200 = tpu.memref_slice %arg8[%dma_start3A_197, %dma_start3A_198, %dma_start3A_199] : memref<2x128x128xf32, #tpu.memory_space<vmem>> -> memref<1x128x128xf32, #tpu.memory_space<vmem>>
    %dma_start3A_201 = tpu.memref_squeeze %dma_start3A_200 : memref<1x128x128xf32, #tpu.memory_space<vmem>> -> memref<128x128xf32, #tpu.memory_space<vmem>>
    %dma_start3A_202 = arith.constant 0 : i32
    %dma_start3A_203 = tpu.memref_slice %arg6[%dma_start3A_196, %dma_start3A_202] : memref<80x128xi32, #tpu.memory_space<vmem>> -> memref<1x128xi32, #tpu.memory_space<vmem>>
    %dma_start3A_204 = tpu.memref_squeeze %dma_start3A_203 : memref<1x128xi32, #tpu.memory_space<vmem>> -> memref<128xi32, #tpu.memory_space<vmem>>
    %dma_start3A_205 = arith.constant 0 : i32
    %dma_start3A_206 = arith.constant 0 : i32
    %dma_start3A_207 = tpu.memref_slice %arg2[%dma_start3A_205, %dma_start3A_206] : memref<20000x128xf32, #tpu.memory_space<hbm>> -> memref<20000x128xf32, #tpu.memory_space<hbm>>
    tpu.enqueue_indirect_dma source(%dma_start3A_207 : memref<20000x128xf32, #tpu.memory_space<hbm>>) target(%dma_start3A_201 : memref<128x128xf32, #tpu.memory_space<vmem>>) offsets(%dma_start3A_204 : memref<128xi32, #tpu.memory_space<vmem>>) semaphore(%arg11 : memref<!tpu.dma_semaphore, #tpu.memory_space<semaphore_mem>>)
    %barrier3A = arith.constant 0 : index
    tpu.barrier barrier_id(%barrier3A)
    %scan3A_208 = arith.constant 0 : i32
    %scan3A_209 = arith.constant 0 : i32
    %scan3A_210 = arith.constant 40 : i32
    %scan3A_211 = arith.addi %scan3A_209, %scan3A_210 : i32
    %scan3A_212 = arith.constant 1 : i32
    %scan3A_213 = scf.for %scan3A_240 = %scan3A_209 to %scan3A_211 step %scan3A_212 iter_args(%scan3A_241 = %scan3A_208) -> (i32)  : i32 {
      %mul3A_242 = arith.constant 2 : i32
      %mul3A_243 = arith.muli %scan3A_240, %mul3A_242 : i32
      %add3A_244 = arith.constant 0 : i32
      %add3A_245 = arith.addi %mul3A_243, %add3A_244 : i32
      %dma_wait3A_246 = arith.constant 0 : i32
      %dma_wait3A_247 = arith.constant 0 : i32
      %dma_wait3A_248 = arith.constant 0 : i32
      %dma_wait3A_249 = tpu.memref_slice %arg8[%dma_wait3A_246, %dma_wait3A_247, %dma_wait3A_248] : memref<2x128x128xf32, #tpu.memory_space<vmem>> -> memref<1x128x128xf32, #tpu.memory_space<vmem>>
      %dma_wait3A_250 = tpu.memref_squeeze %dma_wait3A_249 : memref<1x128x128xf32, #tpu.memory_space<vmem>> -> memref<128x128xf32, #tpu.memory_space<vmem>>
      %dma_wait3A_251 = arith.constant 0 : i32
      %dma_wait3A_252 = tpu.memref_slice %arg6[%add3A_245, %dma_wait3A_251] : memref<80x128xi32, #tpu.memory_space<vmem>> -> memref<1x128xi32, #tpu.memory_space<vmem>>
      %dma_wait3A_253 = tpu.memref_squeeze %dma_wait3A_252 : memref<1x128xi32, #tpu.memory_space<vmem>> -> memref<128xi32, #tpu.memory_space<vmem>>
      %dma_wait3A_254 = arith.constant 0 : i32
      %dma_wait3A_255 = arith.constant 0 : i32
      %dma_wait3A_256 = tpu.memref_slice %arg2[%dma_wait3A_254, %dma_wait3A_255] : memref<20000x128xf32, #tpu.memory_space<hbm>> -> memref<20000x128xf32, #tpu.memory_space<hbm>>
      tpu.wait_indirect_dma semaphore(%arg10 : memref<!tpu.dma_semaphore, #tpu.memory_space<semaphore_mem>>) src(%dma_wait3A_256 : memref<20000x128xf32, #tpu.memory_space<hbm>>) dst(%dma_wait3A_250 : memref<128x128xf32, #tpu.memory_space<vmem>>)
      %dma_wait3A_257 = arith.constant 0 : i32
      %dma_wait3A_258 = arith.constant 0 : i32
      %dma_wait3A_259 = tpu.memref_slice %arg7[%dma_wait3A_257, %dma_wait3A_258] : memref<2x128xi32, #tpu.memory_space<vmem>> -> memref<1x128xi32, #tpu.memory_space<vmem>>
      %dma_wait3A_260 = tpu.memref_squeeze %dma_wait3A_259 : memref<1x128xi32, #tpu.memory_space<vmem>> -> memref<128xi32, #tpu.memory_space<vmem>>
      %dma_wait3A_261 = arith.constant 0 : i32
      %dma_wait3A_262 = tpu.memref_slice %arg4[%arg0, %arg1, %add3A_245, %dma_wait3A_261] : memref<2x16x80x128xi32, #tpu.memory_space<hbm>> -> memref<1x1x1x128xi32, #tpu.memory_space<hbm>>
      %dma_wait3A_263 = tpu.memref_squeeze %dma_wait3A_262 : memref<1x1x1x128xi32, #tpu.memory_space<hbm>> -> memref<128xi32, #tpu.memory_space<hbm>>
      %dma_wait3A_264 = arith.constant 0 : i32
      %dma_wait3A_265 = tpu.memref_slice %arg7[%dma_wait3A_257, %dma_wait3A_264] : memref<2x128xi32, #tpu.memory_space<vmem>> -> memref<1x128xi32, #tpu.memory_space<vmem>>
      %dma_wait3A_266 = tpu.memref_squeeze %dma_wait3A_265 : memref<1x128xi32, #tpu.memory_space<vmem>> -> memref<128xi32, #tpu.memory_space<vmem>>
      %dma_wait3A_267 = arith.constant 0 : i32
      %dma_wait3A_268 = tpu.memref_slice %arg4[%arg0, %arg1, %add3A_245, %dma_wait3A_267] : memref<2x16x80x128xi32, #tpu.memory_space<hbm>> -> memref<1x1x1x128xi32, #tpu.memory_space<hbm>>
      %dma_wait3A_269 = tpu.memref_squeeze %dma_wait3A_268 : memref<1x1x1x128xi32, #tpu.memory_space<hbm>> -> memref<128xi32, #tpu.memory_space<hbm>>
      tpu.wait_dma2 semaphore(%arg14 : memref<!tpu.dma_semaphore, #tpu.memory_space<semaphore_mem>>) src(%dma_wait3A_269 : memref<128xi32, #tpu.memory_space<hbm>>) dst(%dma_wait3A_266 : memref<128xi32, #tpu.memory_space<vmem>>)
      %dma_start3A_270 = arith.constant 0 : i32
      %dma_start3A_271 = arith.constant 0 : i32
      %dma_start3A_272 = arith.constant 0 : i32
      %dma_start3A_273 = arith.constant 0 : i32
      %dma_start3A_274 = tpu.memref_slice %arg8[%dma_start3A_270, %dma_start3A_272, %dma_start3A_273] : memref<2x128x128xf32, #tpu.memory_space<vmem>> -> memref<1x128x128xf32, #tpu.memory_space<vmem>>
      %dma_start3A_275 = tpu.memref_squeeze %dma_start3A_274 : memref<1x128x128xf32, #tpu.memory_space<vmem>> -> memref<128x128xf32, #tpu.memory_space<vmem>>
      %dma_start3A_276 = arith.constant 0 : i32
      %dma_start3A_277 = tpu.memref_slice %arg7[%dma_start3A_271, %dma_start3A_276] : memref<2x128xi32, #tpu.memory_space<vmem>> -> memref<1x128xi32, #tpu.memory_space<vmem>>
      %dma_start3A_278 = tpu.memref_squeeze %dma_start3A_277 : memref<1x128xi32, #tpu.memory_space<vmem>> -> memref<128xi32, #tpu.memory_space<vmem>>
      %dma_start3A_279 = arith.constant 0 : i32
      %dma_start3A_280 = arith.constant 0 : i32
      %dma_start3A_281 = tpu.memref_slice %arg9[%dma_start3A_279, %dma_start3A_280] : memref<10240x128xf32, #tpu.memory_space<vmem_shared>> -> memref<10240x128xf32, #tpu.memory_space<vmem_shared>>
      tpu.enqueue_indirect_dma source(%dma_start3A_275 : memref<128x128xf32, #tpu.memory_space<vmem>>) target(%dma_start3A_281 : memref<10240x128xf32, #tpu.memory_space<vmem_shared>>) offsets(%dma_start3A_278 : memref<128xi32, #tpu.memory_space<vmem>>) semaphore(%arg12 : memref<!tpu.dma_semaphore, #tpu.memory_space<semaphore_mem>>) {add = true}
      %lt3A = arith.constant 39 : i32
      %lt3A_282 = arith.cmpi slt, %scan3A_240, %lt3A : i32
      %convert_element_type3A = arith.extui %lt3A_282 : i1 to i32
      %cond3A = arith.constant 0 : i32
      %cond3A_283 = arith.cmpi ne, %convert_element_type3A, %cond3A : i32
      scf.if %cond3A_283 {
        %dma_wait3A_330 = arith.constant 0 : i32
        %dma_wait3A_331 = arith.constant 0 : i32
        %dma_wait3A_332 = arith.constant 0 : i32
        %dma_wait3A_333 = arith.constant 0 : i32
        %dma_wait3A_334 = tpu.memref_slice %arg8[%dma_wait3A_330, %dma_wait3A_332, %dma_wait3A_333] : memref<2x128x128xf32, #tpu.memory_space<vmem>> -> memref<1x128x128xf32, #tpu.memory_space<vmem>>
        %dma_wait3A_335 = tpu.memref_squeeze %dma_wait3A_334 : memref<1x128x128xf32, #tpu.memory_space<vmem>> -> memref<128x128xf32, #tpu.memory_space<vmem>>
        %dma_wait3A_336 = arith.constant 0 : i32
        %dma_wait3A_337 = tpu.memref_slice %arg7[%dma_wait3A_331, %dma_wait3A_336] : memref<2x128xi32, #tpu.memory_space<vmem>> -> memref<1x128xi32, #tpu.memory_space<vmem>>
        %dma_wait3A_338 = tpu.memref_squeeze %dma_wait3A_337 : memref<1x128xi32, #tpu.memory_space<vmem>> -> memref<128xi32, #tpu.memory_space<vmem>>
        %dma_wait3A_339 = arith.constant 0 : i32
        %dma_wait3A_340 = arith.constant 0 : i32
        %dma_wait3A_341 = tpu.memref_slice %arg9[%dma_wait3A_339, %dma_wait3A_340] : memref<10240x128xf32, #tpu.memory_space<vmem_shared>> -> memref<10240x128xf32, #tpu.memory_space<vmem_shared>>
        tpu.wait_indirect_dma semaphore(%arg12 : memref<!tpu.dma_semaphore, #tpu.memory_space<semaphore_mem>>) src(%dma_wait3A_335 : memref<128x128xf32, #tpu.memory_space<vmem>>) dst(%dma_wait3A_341 : memref<10240x128xf32, #tpu.memory_space<vmem_shared>>)
        %add3A_342 = arith.constant 2 : i32
        %add3A_343 = arith.addi %add3A_245, %add3A_342 : i32
        %dma_start3A_344 = arith.constant 0 : i32
        %dma_start3A_345 = arith.constant 0 : i32
        %dma_start3A_346 = tpu.memref_slice %arg7[%dma_start3A_344, %dma_start3A_345] : memref<2x128xi32, #tpu.memory_space<vmem>> -> memref<1x128xi32, #tpu.memory_space<vmem>>
        %dma_start3A_347 = tpu.memref_squeeze %dma_start3A_346 : memref<1x128xi32, #tpu.memory_space<vmem>> -> memref<128xi32, #tpu.memory_space<vmem>>
        %dma_start3A_348 = arith.constant 0 : i32
        %dma_start3A_349 = tpu.memref_slice %arg4[%arg0, %arg1, %add3A_343, %dma_start3A_348] : memref<2x16x80x128xi32, #tpu.memory_space<hbm>> -> memref<1x1x1x128xi32, #tpu.memory_space<hbm>>
        %dma_start3A_350 = tpu.memref_squeeze %dma_start3A_349 : memref<1x1x1x128xi32, #tpu.memory_space<hbm>> -> memref<128xi32, #tpu.memory_space<hbm>>
        %dma_start3A_351 = arith.constant 0 : i32
        %dma_start3A_352 = tpu.memref_slice %arg7[%dma_start3A_344, %dma_start3A_351] : memref<2x128xi32, #tpu.memory_space<vmem>> -> memref<1x128xi32, #tpu.memory_space<vmem>>
        %dma_start3A_353 = tpu.memref_squeeze %dma_start3A_352 : memref<1x128xi32, #tpu.memory_space<vmem>> -> memref<128xi32, #tpu.memory_space<vmem>>
        %dma_start3A_354 = arith.constant 0 : i32
        %dma_start3A_355 = tpu.memref_slice %arg4[%arg0, %arg1, %add3A_343, %dma_start3A_354] : memref<2x16x80x128xi32, #tpu.memory_space<hbm>> -> memref<1x1x1x128xi32, #tpu.memory_space<hbm>>
        %dma_start3A_356 = tpu.memref_squeeze %dma_start3A_355 : memref<1x1x1x128xi32, #tpu.memory_space<hbm>> -> memref<128xi32, #tpu.memory_space<hbm>>
        tpu.enqueue_dma source(%dma_start3A_356 : memref<128xi32, #tpu.memory_space<hbm>>) target(%dma_start3A_353 : memref<128xi32, #tpu.memory_space<vmem>>) target_semaphore(%arg14 : memref<!tpu.dma_semaphore, #tpu.memory_space<semaphore_mem>>)
        %add3A_357 = arith.constant 2 : i32
        %add3A_358 = arith.addi %add3A_245, %add3A_357 : i32
        %dma_start3A_359 = arith.constant 0 : i32
        %dma_start3A_360 = arith.constant 0 : i32
        %dma_start3A_361 = arith.constant 0 : i32
        %dma_start3A_362 = tpu.memref_slice %arg8[%dma_start3A_359, %dma_start3A_360, %dma_start3A_361] : memref<2x128x128xf32, #tpu.memory_space<vmem>> -> memref<1x128x128xf32, #tpu.memory_space<vmem>>
        %dma_start3A_363 = tpu.memref_squeeze %dma_start3A_362 : memref<1x128x128xf32, #tpu.memory_space<vmem>> -> memref<128x128xf32, #tpu.memory_space<vmem>>
        %dma_start3A_364 = arith.constant 0 : i32
        %dma_start3A_365 = tpu.memref_slice %arg6[%add3A_358, %dma_start3A_364] : memref<80x128xi32, #tpu.memory_space<vmem>> -> memref<1x128xi32, #tpu.memory_space<vmem>>
        %dma_start3A_366 = tpu.memref_squeeze %dma_start3A_365 : memref<1x128xi32, #tpu.memory_space<vmem>> -> memref<128xi32, #tpu.memory_space<vmem>>
        %dma_start3A_367 = arith.constant 0 : i32
        %dma_start3A_368 = arith.constant 0 : i32
        %dma_start3A_369 = tpu.memref_slice %arg2[%dma_start3A_367, %dma_start3A_368] : memref<20000x128xf32, #tpu.memory_space<hbm>> -> memref<20000x128xf32, #tpu.memory_space<hbm>>
        tpu.enqueue_indirect_dma source(%dma_start3A_369 : memref<20000x128xf32, #tpu.memory_space<hbm>>) target(%dma_start3A_363 : memref<128x128xf32, #tpu.memory_space<vmem>>) offsets(%dma_start3A_366 : memref<128xi32, #tpu.memory_space<vmem>>) semaphore(%arg10 : memref<!tpu.dma_semaphore, #tpu.memory_space<semaphore_mem>>)
      } else {
      }
      %mul3A_284 = arith.constant 2 : i32
      %mul3A_285 = arith.muli %scan3A_240, %mul3A_284 : i32
      %add3A_286 = arith.constant 1 : i32
      %add3A_287 = arith.addi %mul3A_285, %add3A_286 : i32
      %dma_wait3A_288 = arith.constant 1 : i32
      %dma_wait3A_289 = arith.constant 0 : i32
      %dma_wait3A_290 = arith.constant 0 : i32
      %dma_wait3A_291 = tpu.memref_slice %arg8[%dma_wait3A_288, %dma_wait3A_289, %dma_wait3A_290] : memref<2x128x128xf32, #tpu.memory_space<vmem>> -> memref<1x128x128xf32, #tpu.memory_space<vmem>>
      %dma_wait3A_292 = tpu.memref_squeeze %dma_wait3A_291 : memref<1x128x128xf32, #tpu.memory_space<vmem>> -> memref<128x128xf32, #tpu.memory_space<vmem>>
      %dma_wait3A_293 = arith.constant 0 : i32
      %dma_wait3A_294 = tpu.memref_slice %arg6[%add3A_287, %dma_wait3A_293] : memref<80x128xi32, #tpu.memory_space<vmem>> -> memref<1x128xi32, #tpu.memory_space<vmem>>
      %dma_wait3A_295 = tpu.memref_squeeze %dma_wait3A_294 : memref<1x128xi32, #tpu.memory_space<vmem>> -> memref<128xi32, #tpu.memory_space<vmem>>
      %dma_wait3A_296 = arith.constant 0 : i32
      %dma_wait3A_297 = arith.constant 0 : i32
      %dma_wait3A_298 = tpu.memref_slice %arg2[%dma_wait3A_296, %dma_wait3A_297] : memref<20000x128xf32, #tpu.memory_space<hbm>> -> memref<20000x128xf32, #tpu.memory_space<hbm>>
      tpu.wait_indirect_dma semaphore(%arg11 : memref<!tpu.dma_semaphore, #tpu.memory_space<semaphore_mem>>) src(%dma_wait3A_298 : memref<20000x128xf32, #tpu.memory_space<hbm>>) dst(%dma_wait3A_292 : memref<128x128xf32, #tpu.memory_space<vmem>>)
      %dma_wait3A_299 = arith.constant 1 : i32
      %dma_wait3A_300 = arith.constant 0 : i32
      %dma_wait3A_301 = tpu.memref_slice %arg7[%dma_wait3A_299, %dma_wait3A_300] : memref<2x128xi32, #tpu.memory_space<vmem>> -> memref<1x128xi32, #tpu.memory_space<vmem>>
      %dma_wait3A_302 = tpu.memref_squeeze %dma_wait3A_301 : memref<1x128xi32, #tpu.memory_space<vmem>> -> memref<128xi32, #tpu.memory_space<vmem>>
      %dma_wait3A_303 = arith.constant 0 : i32
      %dma_wait3A_304 = tpu.memref_slice %arg4[%arg0, %arg1, %add3A_287, %dma_wait3A_303] : memref<2x16x80x128xi32, #tpu.memory_space<hbm>> -> memref<1x1x1x128xi32, #tpu.memory_space<hbm>>
      %dma_wait3A_305 = tpu.memref_squeeze %dma_wait3A_304 : memref<1x1x1x128xi32, #tpu.memory_space<hbm>> -> memref<128xi32, #tpu.memory_space<hbm>>
      %dma_wait3A_306 = arith.constant 0 : i32
      %dma_wait3A_307 = tpu.memref_slice %arg7[%dma_wait3A_299, %dma_wait3A_306] : memref<2x128xi32, #tpu.memory_space<vmem>> -> memref<1x128xi32, #tpu.memory_space<vmem>>
      %dma_wait3A_308 = tpu.memref_squeeze %dma_wait3A_307 : memref<1x128xi32, #tpu.memory_space<vmem>> -> memref<128xi32, #tpu.memory_space<vmem>>
      %dma_wait3A_309 = arith.constant 0 : i32
      %dma_wait3A_310 = tpu.memref_slice %arg4[%arg0, %arg1, %add3A_287, %dma_wait3A_309] : memref<2x16x80x128xi32, #tpu.memory_space<hbm>> -> memref<1x1x1x128xi32, #tpu.memory_space<hbm>>
      %dma_wait3A_311 = tpu.memref_squeeze %dma_wait3A_310 : memref<1x1x1x128xi32, #tpu.memory_space<hbm>> -> memref<128xi32, #tpu.memory_space<hbm>>
      tpu.wait_dma2 semaphore(%arg15 : memref<!tpu.dma_semaphore, #tpu.memory_space<semaphore_mem>>) src(%dma_wait3A_311 : memref<128xi32, #tpu.memory_space<hbm>>) dst(%dma_wait3A_308 : memref<128xi32, #tpu.memory_space<vmem>>)
      %dma_start3A_312 = arith.constant 1 : i32
      %dma_start3A_313 = arith.constant 1 : i32
      %dma_start3A_314 = arith.constant 0 : i32
      %dma_start3A_315 = arith.constant 0 : i32
      %dma_start3A_316 = tpu.memref_slice %arg8[%dma_start3A_312, %dma_start3A_314, %dma_start3A_315] : memref<2x128x128xf32, #tpu.memory_space<vmem>> -> memref<1x128x128xf32, #tpu.memory_space<vmem>>
      %dma_start3A_317 = tpu.memref_squeeze %dma_start3A_316 : memref<1x128x128xf32, #tpu.memory_space<vmem>> -> memref<128x128xf32, #tpu.memory_space<vmem>>
      %dma_start3A_318 = arith.constant 0 : i32
      %dma_start3A_319 = tpu.memref_slice %arg7[%dma_start3A_313, %dma_start3A_318] : memref<2x128xi32, #tpu.memory_space<vmem>> -> memref<1x128xi32, #tpu.memory_space<vmem>>
      %dma_start3A_320 = tpu.memref_squeeze %dma_start3A_319 : memref<1x128xi32, #tpu.memory_space<vmem>> -> memref<128xi32, #tpu.memory_space<vmem>>
      %dma_start3A_321 = arith.constant 0 : i32
      %dma_start3A_322 = arith.constant 0 : i32
      %dma_start3A_323 = tpu.memref_slice %arg9[%dma_start3A_321, %dma_start3A_322] : memref<10240x128xf32, #tpu.memory_space<vmem_shared>> -> memref<10240x128xf32, #tpu.memory_space<vmem_shared>>
      tpu.enqueue_indirect_dma source(%dma_start3A_317 : memref<128x128xf32, #tpu.memory_space<vmem>>) target(%dma_start3A_323 : memref<10240x128xf32, #tpu.memory_space<vmem_shared>>) offsets(%dma_start3A_320 : memref<128xi32, #tpu.memory_space<vmem>>) semaphore(%arg13 : memref<!tpu.dma_semaphore, #tpu.memory_space<semaphore_mem>>) {add = true}
      %lt3A_324 = arith.constant 39 : i32
      %lt3A_325 = arith.cmpi slt, %scan3A_240, %lt3A_324 : i32
      %convert_element_type3A_326 = arith.extui %lt3A_325 : i1 to i32
      %cond3A_327 = arith.constant 0 : i32
      %cond3A_328 = arith.cmpi ne, %convert_element_type3A_326, %cond3A_327 : i32
      scf.if %cond3A_328 {
        %dma_wait3A_330 = arith.constant 1 : i32
        %dma_wait3A_331 = arith.constant 1 : i32
        %dma_wait3A_332 = arith.constant 0 : i32
        %dma_wait3A_333 = arith.constant 0 : i32
        %dma_wait3A_334 = tpu.memref_slice %arg8[%dma_wait3A_330, %dma_wait3A_332, %dma_wait3A_333] : memref<2x128x128xf32, #tpu.memory_space<vmem>> -> memref<1x128x128xf32, #tpu.memory_space<vmem>>
        %dma_wait3A_335 = tpu.memref_squeeze %dma_wait3A_334 : memref<1x128x128xf32, #tpu.memory_space<vmem>> -> memref<128x128xf32, #tpu.memory_space<vmem>>
        %dma_wait3A_336 = arith.constant 0 : i32
        %dma_wait3A_337 = tpu.memref_slice %arg7[%dma_wait3A_331, %dma_wait3A_336] : memref<2x128xi32, #tpu.memory_space<vmem>> -> memref<1x128xi32, #tpu.memory_space<vmem>>
        %dma_wait3A_338 = tpu.memref_squeeze %dma_wait3A_337 : memref<1x128xi32, #tpu.memory_space<vmem>> -> memref<128xi32, #tpu.memory_space<vmem>>
        %dma_wait3A_339 = arith.constant 0 : i32
        %dma_wait3A_340 = arith.constant 0 : i32
        %dma_wait3A_341 = tpu.memref_slice %arg9[%dma_wait3A_339, %dma_wait3A_340] : memref<10240x128xf32, #tpu.memory_space<vmem_shared>> -> memref<10240x128xf32, #tpu.memory_space<vmem_shared>>
        tpu.wait_indirect_dma semaphore(%arg13 : memref<!tpu.dma_semaphore, #tpu.memory_space<semaphore_mem>>) src(%dma_wait3A_335 : memref<128x128xf32, #tpu.memory_space<vmem>>) dst(%dma_wait3A_341 : memref<10240x128xf32, #tpu.memory_space<vmem_shared>>)
        %add3A_342 = arith.constant 2 : i32
        %add3A_343 = arith.addi %add3A_287, %add3A_342 : i32
        %dma_start3A_344 = arith.constant 1 : i32
        %dma_start3A_345 = arith.constant 0 : i32
        %dma_start3A_346 = tpu.memref_slice %arg7[%dma_start3A_344, %dma_start3A_345] : memref<2x128xi32, #tpu.memory_space<vmem>> -> memref<1x128xi32, #tpu.memory_space<vmem>>
        %dma_start3A_347 = tpu.memref_squeeze %dma_start3A_346 : memref<1x128xi32, #tpu.memory_space<vmem>> -> memref<128xi32, #tpu.memory_space<vmem>>
        %dma_start3A_348 = arith.constant 0 : i32
        %dma_start3A_349 = tpu.memref_slice %arg4[%arg0, %arg1, %add3A_343, %dma_start3A_348] : memref<2x16x80x128xi32, #tpu.memory_space<hbm>> -> memref<1x1x1x128xi32, #tpu.memory_space<hbm>>
        %dma_start3A_350 = tpu.memref_squeeze %dma_start3A_349 : memref<1x1x1x128xi32, #tpu.memory_space<hbm>> -> memref<128xi32, #tpu.memory_space<hbm>>
        %dma_start3A_351 = arith.constant 0 : i32
        %dma_start3A_352 = tpu.memref_slice %arg7[%dma_start3A_344, %dma_start3A_351] : memref<2x128xi32, #tpu.memory_space<vmem>> -> memref<1x128xi32, #tpu.memory_space<vmem>>
        %dma_start3A_353 = tpu.memref_squeeze %dma_start3A_352 : memref<1x128xi32, #tpu.memory_space<vmem>> -> memref<128xi32, #tpu.memory_space<vmem>>
        %dma_start3A_354 = arith.constant 0 : i32
        %dma_start3A_355 = tpu.memref_slice %arg4[%arg0, %arg1, %add3A_343, %dma_start3A_354] : memref<2x16x80x128xi32, #tpu.memory_space<hbm>> -> memref<1x1x1x128xi32, #tpu.memory_space<hbm>>
        %dma_start3A_356 = tpu.memref_squeeze %dma_start3A_355 : memref<1x1x1x128xi32, #tpu.memory_space<hbm>> -> memref<128xi32, #tpu.memory_space<hbm>>
        tpu.enqueue_dma source(%dma_start3A_356 : memref<128xi32, #tpu.memory_space<hbm>>) target(%dma_start3A_353 : memref<128xi32, #tpu.memory_space<vmem>>) target_semaphore(%arg15 : memref<!tpu.dma_semaphore, #tpu.memory_space<semaphore_mem>>)
        %add3A_357 = arith.constant 2 : i32
        %add3A_358 = arith.addi %add3A_287, %add3A_357 : i32
        %dma_start3A_359 = arith.constant 1 : i32
        %dma_start3A_360 = arith.constant 0 : i32
        %dma_start3A_361 = arith.constant 0 : i32
        %dma_start3A_362 = tpu.memref_slice %arg8[%dma_start3A_359, %dma_start3A_360, %dma_start3A_361] : memref<2x128x128xf32, #tpu.memory_space<vmem>> -> memref<1x128x128xf32, #tpu.memory_space<vmem>>
        %dma_start3A_363 = tpu.memref_squeeze %dma_start3A_362 : memref<1x128x128xf32, #tpu.memory_space<vmem>> -> memref<128x128xf32, #tpu.memory_space<vmem>>
        %dma_start3A_364 = arith.constant 0 : i32
        %dma_start3A_365 = tpu.memref_slice %arg6[%add3A_358, %dma_start3A_364] : memref<80x128xi32, #tpu.memory_space<vmem>> -> memref<1x128xi32, #tpu.memory_space<vmem>>
        %dma_start3A_366 = tpu.memref_squeeze %dma_start3A_365 : memref<1x128xi32, #tpu.memory_space<vmem>> -> memref<128xi32, #tpu.memory_space<vmem>>
        %dma_start3A_367 = arith.constant 0 : i32
        %dma_start3A_368 = arith.constant 0 : i32
        %dma_start3A_369 = tpu.memref_slice %arg2[%dma_start3A_367, %dma_start3A_368] : memref<20000x128xf32, #tpu.memory_space<hbm>> -> memref<20000x128xf32, #tpu.memory_space<hbm>>
        tpu.enqueue_indirect_dma source(%dma_start3A_369 : memref<20000x128xf32, #tpu.memory_space<hbm>>) target(%dma_start3A_363 : memref<128x128xf32, #tpu.memory_space<vmem>>) offsets(%dma_start3A_366 : memref<128xi32, #tpu.memory_space<vmem>>) semaphore(%arg11 : memref<!tpu.dma_semaphore, #tpu.memory_space<semaphore_mem>>)
      } else {
      }
      %scan3A_329 = arith.constant 0 : i32
      scf.yield %scan3A_329 : i32
    }
    %scan3A_214 = arith.constant 40 : i32
    %dma_wait3A_215 = arith.constant 0 : i32
    %dma_wait3A_216 = arith.constant 0 : i32
    %dma_wait3A_217 = arith.constant 0 : i32
    %dma_wait3A_218 = arith.constant 0 : i32
    %dma_wait3A_219 = tpu.memref_slice %arg8[%dma_wait3A_215, %dma_wait3A_217, %dma_wait3A_218] : memref<2x128x128xf32, #tpu.memory_space<vmem>> -> memref<1x128x128xf32, #tpu.memory_space<vmem>>
    %dma_wait3A_220 = tpu.memref_squeeze %dma_wait3A_219 : memref<1x128x128xf32, #tpu.memory_space<vmem>> -> memref<128x128xf32, #tpu.memory_space<vmem>>
    %dma_wait3A_221 = arith.constant 0 : i32
    %dma_wait3A_222 = tpu.memref_slice %arg7[%dma_wait3A_216, %dma_wait3A_221] : memref<2x128xi32, #tpu.memory_space<vmem>> -> memref<1x128xi32, #tpu.memory_space<vmem>>
    %dma_wait3A_223 = tpu.memref_squeeze %dma_wait3A_222 : memref<1x128xi32, #tpu.memory_space<vmem>> -> memref<128xi32, #tpu.memory_space<vmem>>
    %dma_wait3A_224 = arith.constant 0 : i32
    %dma_wait3A_225 = arith.constant 0 : i32
    %dma_wait3A_226 = tpu.memref_slice %arg9[%dma_wait3A_224, %dma_wait3A_225] : memref<10240x128xf32, #tpu.memory_space<vmem_shared>> -> memref<10240x128xf32, #tpu.memory_space<vmem_shared>>
    tpu.wait_indirect_dma semaphore(%arg12 : memref<!tpu.dma_semaphore, #tpu.memory_space<semaphore_mem>>) src(%dma_wait3A_220 : memref<128x128xf32, #tpu.memory_space<vmem>>) dst(%dma_wait3A_226 : memref<10240x128xf32, #tpu.memory_space<vmem_shared>>)
    %dma_wait3A_227 = arith.constant 1 : i32
    %dma_wait3A_228 = arith.constant 1 : i32
    %dma_wait3A_229 = arith.constant 0 : i32
    %dma_wait3A_230 = arith.constant 0 : i32
    %dma_wait3A_231 = tpu.memref_slice %arg8[%dma_wait3A_227, %dma_wait3A_229, %dma_wait3A_230] : memref<2x128x128xf32, #tpu.memory_space<vmem>> -> memref<1x128x128xf32, #tpu.memory_space<vmem>>
    %dma_wait3A_232 = tpu.memref_squeeze %dma_wait3A_231 : memref<1x128x128xf32, #tpu.memory_space<vmem>> -> memref<128x128xf32, #tpu.memory_space<vmem>>
    %dma_wait3A_233 = arith.constant 0 : i32
    %dma_wait3A_234 = tpu.memref_slice %arg7[%dma_wait3A_228, %dma_wait3A_233] : memref<2x128xi32, #tpu.memory_space<vmem>> -> memref<1x128xi32, #tpu.memory_space<vmem>>
    %dma_wait3A_235 = tpu.memref_squeeze %dma_wait3A_234 : memref<1x128xi32, #tpu.memory_space<vmem>> -> memref<128xi32, #tpu.memory_space<vmem>>
    %dma_wait3A_236 = arith.constant 0 : i32
    %dma_wait3A_237 = arith.constant 0 : i32
    %dma_wait3A_238 = tpu.memref_slice %arg9[%dma_wait3A_236, %dma_wait3A_237] : memref<10240x128xf32, #tpu.memory_space<vmem_shared>> -> memref<10240x128xf32, #tpu.memory_space<vmem_shared>>
    tpu.wait_indirect_dma semaphore(%arg13 : memref<!tpu.dma_semaphore, #tpu.memory_space<semaphore_mem>>) src(%dma_wait3A_232 : memref<128x128xf32, #tpu.memory_space<vmem>>) dst(%dma_wait3A_238 : memref<10240x128xf32, #tpu.memory_space<vmem_shared>>)
    %barrier3A_239 = arith.constant 0 : index
    tpu.barrier barrier_id(%barrier3A_239)
    "tpu.region"() ({
      %run_scoped3A = tpu.sem_alloc : memref<!tpu.dma_semaphore, #tpu.memory_space<semaphore_mem>>
      %dma_start3A_240 = arith.constant 0 : i32
      %dma_start3A_241 = tpu.memref_slice %arg5[%arg0, %mul3A_8, %dma_start3A_240] : memref<2x10240x128xf32, #tpu.memory_space<hbm>> -> memref<1x640x128xf32, #tpu.memory_space<hbm>>
      %dma_start3A_242 = tpu.memref_squeeze %dma_start3A_241 : memref<1x640x128xf32, #tpu.memory_space<hbm>> -> memref<640x128xf32, #tpu.memory_space<hbm>>
      %dma_start3A_243 = arith.constant 0 : i32
      %dma_start3A_244 = tpu.memref_slice %arg9[%mul3A_8, %dma_start3A_243] : memref<10240x128xf32, #tpu.memory_space<vmem_shared>> -> memref<640x128xf32, #tpu.memory_space<vmem_shared>>
      tpu.enqueue_dma source(%dma_start3A_244 : memref<640x128xf32, #tpu.memory_space<vmem_shared>>) target(%dma_start3A_242 : memref<640x128xf32, #tpu.memory_space<hbm>>) target_semaphore(%run_scoped3A : memref<!tpu.dma_semaphore, #tpu.memory_space<semaphore_mem>>)
      %dma_wait3A_245 = arith.constant 0 : i32
      %dma_wait3A_246 = tpu.memref_slice %arg5[%arg0, %mul3A_8, %dma_wait3A_245] : memref<2x10240x128xf32, #tpu.memory_space<hbm>> -> memref<1x640x128xf32, #tpu.memory_space<hbm>>
      %dma_wait3A_247 = tpu.memref_squeeze %dma_wait3A_246 : memref<1x640x128xf32, #tpu.memory_space<hbm>> -> memref<640x128xf32, #tpu.memory_space<hbm>>
      %dma_wait3A_248 = arith.constant 0 : i32
      %dma_wait3A_249 = tpu.memref_slice %arg9[%mul3A_8, %dma_wait3A_248] : memref<10240x128xf32, #tpu.memory_space<vmem_shared>> -> memref<640x128xf32, #tpu.memory_space<vmem_shared>>
      tpu.wait_dma2 semaphore(%run_scoped3A : memref<!tpu.dma_semaphore, #tpu.memory_space<semaphore_mem>>) src(%dma_wait3A_249 : memref<640x128xf32, #tpu.memory_space<vmem_shared>>) dst(%dma_wait3A_247 : memref<640x128xf32, #tpu.memory_space<hbm>>)
      tpu.yield
    }) : () -> ()
    return
  }
}

module attributes {stable_mosaic.version = 14 : i64} {
  func.func @_tc0_body(%arg0: i32, %arg1: memref<1000x256xf32, #tpu.memory_space<vmem>>, %arg2: memref<256x256xf32, #tpu.memory_space<vmem>>, %arg3: memref<1000x256xf32, #tpu.memory_space<vmem>>) attributes {dimension_semantics = [#tpu.dimension_semantics<arbitrary>], iteration_bounds = array<i64: 10>, scalar_prefetch = 0 : i64, scratch_operands = 0 : i64, tpu.core_type = #tpu.core_type<tc>, window_params = [{transform_indices = @transform_0, window_bounds = array<i64: 1000, 256>}, {pipeline_mode = #tpu.pipeline_mode<synchronous>, transform_indices = @transform_1, window_bounds = array<i64: 256, 256>}, {transform_indices = @transform_2, window_bounds = array<i64: 1000, 256>}]} {
    %get3A = arith.constant 0 : index
    %get3A_0 = arith.constant 0 : index
    %get3A_1 = vector.load %arg1[%get3A, %get3A_0] : memref<1000x256xf32, #tpu.memory_space<vmem>>, vector<1000x256xf32>
    %get3A_2 = arith.constant 0 : index
    %get3A_3 = arith.constant 0 : index
    %get3A_4 = vector.load %arg2[%get3A_2, %get3A_3] : memref<256x256xf32, #tpu.memory_space<vmem>>, vector<256x256xf32>
    %dot_general3A = arith.constant dense<0.000000e+00> : vector<1000x256xf32>
    %dot_general3A_5 = tpu.matmul %get3A_1, %get3A_4, %dot_general3A {dimension_numbers = #tpu.dot_dimension_numbers<[1], [0], [0], [1], [0, 0, 1, 1], [], []>, transpose_lhs_hint = false} : vector<1000x256xf32>, vector<256x256xf32>, vector<1000x256xf32> -> vector<1000x256xf32>
    %swap3A = arith.constant 0 : index
    %swap3A_6 = arith.constant 0 : index
    %swap3A_7 = vector.load %arg3[%swap3A, %swap3A_6] : memref<1000x256xf32, #tpu.memory_space<vmem>>, vector<1000x256xf32>
    tpu.vector_store %arg3[%swap3A, %swap3A_6], %dot_general3A_5 {strides = array<i32>} : memref<1000x256xf32, #tpu.memory_space<vmem>>, vector<1000x256xf32>,
    return
  }
  func.func @transform_0(%arg0: i32) -> (i32, i32) {
    %c0_i32 = arith.constant 0 : i32
    %c0_i32_0 = arith.constant 0 : i32
    return %arg0, %c0_i32 : i32, i32
  }
  func.func @transform_1(%arg0: i32) -> (i32, i32) {
    %c0_i32 = arith.constant 0 : i32
    %c0_i32_0 = arith.constant 0 : i32
    %c0_i32_1 = arith.constant 0 : i32
    return %c0_i32, %c0_i32_0 : i32, i32
  }
  func.func @transform_2(%arg0: i32) -> (i32, i32) {
    %c0_i32 = arith.constant 0 : i32
    %c0_i32_0 = arith.constant 0 : i32
    return %arg0, %c0_i32 : i32, i32
  }
}

module attributes {stable_mosaic.version = 14 : i64} {
  func.func @_tc1_body(%arg0: i32, %arg1: memref<1x2x1000xf32, #tpu.memory_space<vmem>>, %arg2: memref<1000x256xf32, #tpu.memory_space<vmem>>, %arg3: memref<2x1000x128xf32, #tpu.memory_space<vmem>>) attributes {dimension_semantics = [#tpu.dimension_semantics<arbitrary>], iteration_bounds = array<i64: 10>, scalar_prefetch = 0 : i64, scratch_operands = 0 : i64, tpu.core_type = #tpu.core_type<tc>, window_params = [{transform_indices = @transform_0, window_bounds = array<i64: 1, 2, 1000>}, {transform_indices = @transform_1, window_bounds = array<i64: 1000, 256>}, {transform_indices = @transform_2, window_bounds = array<i64: 2, 1000, 128>}]} {
    %get3A = arith.constant 0 : index
    %get3A_0 = arith.constant 0 : index
    %get3A_1 = arith.constant 0 : index
    %get3A_2 = vector.load %arg1[%get3A, %get3A_0, %get3A_1] : memref<1x2x1000xf32, #tpu.memory_space<vmem>>, vector<1x1x1000xf32>
    %get3A_3 = vector.shape_cast %get3A_2 : vector<1x1x1000xf32> to vector<1000xf32>
    %get3A_4 = arith.constant 0 : index
    %get3A_5 = arith.constant 1 : index
    %get3A_6 = arith.constant 0 : index
    %get3A_7 = vector.load %arg1[%get3A_4, %get3A_5, %get3A_6] : memref<1x2x1000xf32, #tpu.memory_space<vmem>>, vector<1x1x1000xf32>
    %get3A_8 = vector.shape_cast %get3A_7 : vector<1x1x1000xf32> to vector<1000xf32>
    %add3A = arith.addf %get3A_3, %get3A_8 : vector<1000xf32>
    %add3A_9 = arith.constant 1.000000e+00 : f32
    %add3A_10 = vector.broadcast %add3A_9 : f32 to vector<1000xf32>
    %add3A_11 = arith.addf %add3A, %add3A_10 : vector<1000xf32>
    %rsqrt3A = math.rsqrt %add3A_11 : vector<1000xf32>
    %broadcast_in_dim3A = vector.shape_cast %rsqrt3A : vector<1000xf32> to vector<1000x1xf32>
    %get3A_12 = arith.constant 0 : index
    %get3A_13 = arith.constant 0 : index
    %get3A_14 = vector.load %arg2[%get3A_12, %get3A_13] : memref<1000x256xf32, #tpu.memory_space<vmem>>, vector<1000x256xf32>
    %mul3A = vector.broadcast %broadcast_in_dim3A : vector<1000x1xf32> to vector<1000x256xf32>
    %mul3A_15 = arith.mulf %get3A_14, %mul3A : vector<1000x256xf32>
    %slice3A = vector.extract_strided_slice %mul3A_15 {offsets = [0, 0], sizes = [1000, 128], strides = [1, 1]} : vector<1000x256xf32> to vector<1000x128xf32>
    %swap3A = arith.constant 0 : index
    %swap3A_16 = arith.constant 0 : index
    %swap3A_17 = arith.constant 0 : index
    %swap3A_18 = vector.load %arg3[%swap3A, %swap3A_16, %swap3A_17] : memref<2x1000x128xf32, #tpu.memory_space<vmem>>, vector<1x1000x128xf32>
    %swap3A_19 = vector.shape_cast %swap3A_18 : vector<1x1000x128xf32> to vector<1000x128xf32>
    %swap3A_20 = vector.shape_cast %slice3A : vector<1000x128xf32> to vector<1x1000x128xf32>
    tpu.vector_store %arg3[%swap3A, %swap3A_16, %swap3A_17], %swap3A_20 {strides = array<i32>} : memref<2x1000x128xf32, #tpu.memory_space<vmem>>, vector<1x1000x128xf32>,
    %slice3A_21 = vector.extract_strided_slice %mul3A_15 {offsets = [0, 128], sizes = [1000, 128], strides = [1, 1]} : vector<1000x256xf32> to vector<1000x128xf32>
    %swap3A_22 = arith.constant 1 : index
    %swap3A_23 = arith.constant 0 : index
    %swap3A_24 = arith.constant 0 : index
    %swap3A_25 = vector.load %arg3[%swap3A_22, %swap3A_23, %swap3A_24] : memref<2x1000x128xf32, #tpu.memory_space<vmem>>, vector<1x1000x128xf32>
    %swap3A_26 = vector.shape_cast %swap3A_25 : vector<1x1000x128xf32> to vector<1000x128xf32>
    %swap3A_27 = vector.shape_cast %slice3A_21 : vector<1000x128xf32> to vector<1x1000x128xf32>
    tpu.vector_store %arg3[%swap3A_22, %swap3A_23, %swap3A_24], %swap3A_27 {strides = array<i32>} : memref<2x1000x128xf32, #tpu.memory_space<vmem>>, vector<1x1000x128xf32>,
    return
  }
  func.func @transform_0(%arg0: i32) -> (i32, i32, i32) {
    %c0_i32 = arith.constant 0 : i32
    %c0_i32_0 = arith.constant 0 : i32
    %c0_i32_1 = arith.constant 0 : i32
    return %arg0, %c0_i32, %c0_i32_0 : i32, i32, i32
  }
  func.func @transform_1(%arg0: i32) -> (i32, i32) {
    %c0_i32 = arith.constant 0 : i32
    %c0_i32_0 = arith.constant 0 : i32
    return %arg0, %c0_i32 : i32, i32
  }
  func.func @transform_2(%arg0: i32) -> (i32, i32, i32) {
    %c0_i32 = arith.constant 0 : i32
    %c0_i32_0 = arith.constant 0 : i32
    %c0_i32_1 = arith.constant 0 : i32
    return %c0_i32, %arg0, %c0_i32_0 : i32, i32, i32
  }
}

module attributes {stable_mosaic.version = 14 : i64} {
  func.func @_tc2_body(%arg0: i32, %arg1: memref<1x2x1000xf32, #tpu.memory_space<vmem>>, %arg2: memref<2x1000x128xf32, #tpu.memory_space<vmem>>, %arg3: memref<2x1000x128xf32, #tpu.memory_space<vmem>>, %arg4: memref<1x256xf32, #tpu.memory_space<vmem>>, %arg5: memref<256x128xf32, #tpu.memory_space<vmem>>, %arg6: memref<1000x128xf32, #tpu.memory_space<vmem>>) attributes {dimension_semantics = [#tpu.dimension_semantics<arbitrary>], iteration_bounds = array<i64: 10>, scalar_prefetch = 0 : i64, scratch_operands = 0 : i64, tpu.core_type = #tpu.core_type<tc>, window_params = [{transform_indices = @transform_0, window_bounds = array<i64: 1, 2, 1000>}, {transform_indices = @transform_1, window_bounds = array<i64: 2, 1000, 128>}, {transform_indices = @transform_2, window_bounds = array<i64: 2, 1000, 128>}, {pipeline_mode = #tpu.pipeline_mode<synchronous>, transform_indices = @transform_3, window_bounds = array<i64: 1, 256>}, {pipeline_mode = #tpu.pipeline_mode<synchronous>, transform_indices = @transform_4, window_bounds = array<i64: 256, 128>}, {transform_indices = @transform_5, window_bounds = array<i64: 1000, 128>}]} {
    %get3A = arith.constant 0 : index
    %get3A_0 = arith.constant 0 : index
    %get3A_1 = arith.constant 0 : index
    %get3A_2 = vector.load %arg1[%get3A, %get3A_0, %get3A_1] : memref<1x2x1000xf32, #tpu.memory_space<vmem>>, vector<1x1x1000xf32>
    %get3A_3 = vector.shape_cast %get3A_2 : vector<1x1x1000xf32> to vector<1000xf32>
    %get3A_4 = arith.constant 0 : index
    %get3A_5 = arith.constant 1 : index
    %get3A_6 = arith.constant 0 : index
    %get3A_7 = vector.load %arg1[%get3A_4, %get3A_5, %get3A_6] : memref<1x2x1000xf32, #tpu.memory_space<vmem>>, vector<1x1x1000xf32>
    %get3A_8 = vector.shape_cast %get3A_7 : vector<1x1x1000xf32> to vector<1000xf32>
    %add3A = arith.addf %get3A_3, %get3A_8 : vector<1000xf32>
    %add3A_9 = arith.constant 1.000000e+00 : f32
    %add3A_10 = vector.broadcast %add3A_9 : f32 to vector<1000xf32>
    %add3A_11 = arith.addf %add3A, %add3A_10 : vector<1000xf32>
    %rsqrt3A = math.rsqrt %add3A_11 : vector<1000xf32>
    %broadcast_in_dim3A = vector.shape_cast %rsqrt3A : vector<1000xf32> to vector<1000x1xf32>
    %get3A_12 = arith.constant 0 : index
    %get3A_13 = arith.constant 0 : index
    %get3A_14 = arith.constant 0 : index
    %get3A_15 = vector.load %arg2[%get3A_12, %get3A_13, %get3A_14] : memref<2x1000x128xf32, #tpu.memory_space<vmem>>, vector<1x1000x128xf32>
    %get3A_16 = vector.shape_cast %get3A_15 : vector<1x1000x128xf32> to vector<1000x128xf32>
    %get3A_17 = arith.constant 0 : index
    %get3A_18 = arith.constant 0 : index
    %get3A_19 = arith.constant 0 : index
    %get3A_20 = vector.load %arg3[%get3A_17, %get3A_18, %get3A_19] : memref<2x1000x128xf32, #tpu.memory_space<vmem>>, vector<1x1000x128xf32>
    %get3A_21 = vector.shape_cast %get3A_20 : vector<1x1000x128xf32> to vector<1000x128xf32>
    %add3A_22 = arith.addf %get3A_16, %get3A_21 : vector<1000x128xf32>
    %mul3A = vector.broadcast %broadcast_in_dim3A : vector<1000x1xf32> to vector<1000x128xf32>
    %mul3A_23 = arith.mulf %add3A_22, %mul3A : vector<1000x128xf32>
    %get3A_24 = arith.constant 1 : index
    %get3A_25 = arith.constant 0 : index
    %get3A_26 = arith.constant 0 : index
    %get3A_27 = vector.load %arg2[%get3A_24, %get3A_25, %get3A_26] : memref<2x1000x128xf32, #tpu.memory_space<vmem>>, vector<1x1000x128xf32>
    %get3A_28 = vector.shape_cast %get3A_27 : vector<1x1000x128xf32> to vector<1000x128xf32>
    %get3A_29 = arith.constant 1 : index
    %get3A_30 = arith.constant 0 : index
    %get3A_31 = arith.constant 0 : index
    %get3A_32 = vector.load %arg3[%get3A_29, %get3A_30, %get3A_31] : memref<2x1000x128xf32, #tpu.memory_space<vmem>>, vector<1x1000x128xf32>
    %get3A_33 = vector.shape_cast %get3A_32 : vector<1x1000x128xf32> to vector<1000x128xf32>
    %add3A_34 = arith.addf %get3A_28, %get3A_33 : vector<1000x128xf32>
    %mul3A_35 = vector.broadcast %broadcast_in_dim3A : vector<1000x1xf32> to vector<1000x128xf32>
    %mul3A_36 = arith.mulf %add3A_34, %mul3A_35 : vector<1000x128xf32>
    %concatenate3A = tpu.concatenate %mul3A_23, %mul3A_36 in 1 : vector<1000x128xf32>, vector<1000x128xf32> -> vector<1000x256xf32>
    %get3A_37 = arith.constant 0 : index
    %get3A_38 = arith.constant 0 : index
    %get3A_39 = vector.load %arg4[%get3A_37, %get3A_38] : memref<1x256xf32, #tpu.memory_space<vmem>>, vector<1x256xf32>
    %add3A_40 = vector.broadcast %get3A_39 : vector<1x256xf32> to vector<1000x256xf32>
    %add3A_41 = arith.addf %concatenate3A, %add3A_40 : vector<1000x256xf32>
    %max3A = arith.constant 0.000000e+00 : f32
    %max3A_42 = vector.broadcast %max3A : f32 to vector<1000x256xf32>
    %max3A_43 = arith.maximumf %add3A_41, %max3A_42 : vector<1000x256xf32>
    %get3A_44 = arith.constant 0 : index
    %get3A_45 = arith.constant 0 : index
    %get3A_46 = vector.load %arg5[%get3A_44, %get3A_45] : memref<256x128xf32, #tpu.memory_space<vmem>>, vector<256x128xf32>
    %dot_general3A = arith.constant dense<0.000000e+00> : vector<1000x128xf32>
    %dot_general3A_47 = tpu.matmul %max3A_43, %get3A_46, %dot_general3A {dimension_numbers = #tpu.dot_dimension_numbers<[1], [0], [0], [1], [0, 0, 1, 1], [], []>, transpose_lhs_hint = false} : vector<1000x256xf32>, vector<256x128xf32>, vector<1000x128xf32> -> vector<1000x128xf32>
    %mul3A_48 = vector.broadcast %broadcast_in_dim3A : vector<1000x1xf32> to vector<1000x128xf32>
    %mul3A_49 = arith.mulf %dot_general3A_47, %mul3A_48 : vector<1000x128xf32>
    %swap3A = arith.constant 0 : index
    %swap3A_50 = arith.constant 0 : index
    %swap3A_51 = vector.load %arg6[%swap3A, %swap3A_50] : memref<1000x128xf32, #tpu.memory_space<vmem>>, vector<1000x128xf32>
    tpu.vector_store %arg6[%swap3A, %swap3A_50], %mul3A_49 {strides = array<i32>} : memref<1000x128xf32, #tpu.memory_space<vmem>>, vector<1000x128xf32>,
    return
  }
  func.func @transform_0(%arg0: i32) -> (i32, i32, i32) {
    %c0_i32 = arith.constant 0 : i32
    %c0_i32_0 = arith.constant 0 : i32
    %c0_i32_1 = arith.constant 0 : i32
    return %arg0, %c0_i32, %c0_i32_0 : i32, i32, i32
  }
  func.func @transform_1(%arg0: i32) -> (i32, i32, i32) {
    %c0_i32 = arith.constant 0 : i32
    %c0_i32_0 = arith.constant 0 : i32
    %c0_i32_1 = arith.constant 0 : i32
    return %c0_i32, %arg0, %c0_i32_0 : i32, i32, i32
  }
  func.func @transform_2(%arg0: i32) -> (i32, i32, i32) {
    %c0_i32 = arith.constant 0 : i32
    %c0_i32_0 = arith.constant 0 : i32
    %c0_i32_1 = arith.constant 0 : i32
    return %c0_i32, %arg0, %c0_i32_0 : i32, i32, i32
  }
  func.func @transform_3(%arg0: i32) -> (i32, i32) {
    %c0_i32 = arith.constant 0 : i32
    %c0_i32_0 = arith.constant 0 : i32
    %c0_i32_1 = arith.constant 0 : i32
    return %c0_i32, %c0_i32_0 : i32, i32
  }
  func.func @transform_4(%arg0: i32) -> (i32, i32) {
    %c0_i32 = arith.constant 0 : i32
    %c0_i32_0 = arith.constant 0 : i32
    %c0_i32_1 = arith.constant 0 : i32
    return %c0_i32, %c0_i32_0 : i32, i32
  }
  func.func @transform_5(%arg0: i32) -> (i32, i32) {
    %c0_i32 = arith.constant 0 : i32
    %c0_i32_0 = arith.constant 0 : i32
    return %arg0, %c0_i32 : i32, i32
  }
}

module attributes {stable_mosaic.version = 14 : i64} {
  func.func @_tc3_body(%arg0: i32, %arg1: memref<1x2x1000xf32, #tpu.memory_space<vmem>>, %arg2: memref<2x1000x128xf32, #tpu.memory_space<vmem>>, %arg3: memref<1000x128xf32, #tpu.memory_space<vmem>>, %arg4: memref<1x128xf32, #tpu.memory_space<vmem>>, %arg5: memref<1000x128xf32, #tpu.memory_space<vmem>>) attributes {dimension_semantics = [#tpu.dimension_semantics<arbitrary>], iteration_bounds = array<i64: 10>, scalar_prefetch = 0 : i64, scratch_operands = 0 : i64, tpu.core_type = #tpu.core_type<tc>, window_params = [{transform_indices = @transform_0, window_bounds = array<i64: 1, 2, 1000>}, {transform_indices = @transform_1, window_bounds = array<i64: 2, 1000, 128>}, {transform_indices = @transform_2, window_bounds = array<i64: 1000, 128>}, {pipeline_mode = #tpu.pipeline_mode<synchronous>, transform_indices = @transform_3, window_bounds = array<i64: 1, 128>}, {transform_indices = @transform_4, window_bounds = array<i64: 1000, 128>}]} {
    %get3A = arith.constant 0 : index
    %get3A_0 = arith.constant 0 : index
    %get3A_1 = arith.constant 0 : index
    %get3A_2 = vector.load %arg1[%get3A, %get3A_0, %get3A_1] : memref<1x2x1000xf32, #tpu.memory_space<vmem>>, vector<1x1x1000xf32>
    %get3A_3 = vector.shape_cast %get3A_2 : vector<1x1x1000xf32> to vector<1000xf32>
    %get3A_4 = arith.constant 0 : index
    %get3A_5 = arith.constant 1 : index
    %get3A_6 = arith.constant 0 : index
    %get3A_7 = vector.load %arg1[%get3A_4, %get3A_5, %get3A_6] : memref<1x2x1000xf32, #tpu.memory_space<vmem>>, vector<1x1x1000xf32>
    %get3A_8 = vector.shape_cast %get3A_7 : vector<1x1x1000xf32> to vector<1000xf32>
    %add3A = arith.addf %get3A_3, %get3A_8 : vector<1000xf32>
    %add3A_9 = arith.constant 1.000000e+00 : f32
    %add3A_10 = vector.broadcast %add3A_9 : f32 to vector<1000xf32>
    %add3A_11 = arith.addf %add3A, %add3A_10 : vector<1000xf32>
    %rsqrt3A = math.rsqrt %add3A_11 : vector<1000xf32>
    %broadcast_in_dim3A = vector.shape_cast %rsqrt3A : vector<1000xf32> to vector<1000x1xf32>
    %get3A_12 = arith.constant 0 : index
    %get3A_13 = arith.constant 0 : index
    %get3A_14 = arith.constant 0 : index
    %get3A_15 = vector.load %arg2[%get3A_12, %get3A_13, %get3A_14] : memref<2x1000x128xf32, #tpu.memory_space<vmem>>, vector<1x1000x128xf32>
    %get3A_16 = vector.shape_cast %get3A_15 : vector<1x1000x128xf32> to vector<1000x128xf32>
    %get3A_17 = arith.constant 1 : index
    %get3A_18 = arith.constant 0 : index
    %get3A_19 = arith.constant 0 : index
    %get3A_20 = vector.load %arg2[%get3A_17, %get3A_18, %get3A_19] : memref<2x1000x128xf32, #tpu.memory_space<vmem>>, vector<1x1000x128xf32>
    %get3A_21 = vector.shape_cast %get3A_20 : vector<1x1000x128xf32> to vector<1000x128xf32>
    %add3A_22 = arith.addf %get3A_16, %get3A_21 : vector<1000x128xf32>
    %get3A_23 = arith.constant 0 : index
    %get3A_24 = arith.constant 0 : index
    %get3A_25 = vector.load %arg3[%get3A_23, %get3A_24] : memref<1000x128xf32, #tpu.memory_space<vmem>>, vector<1000x128xf32>
    %add3A_26 = arith.addf %add3A_22, %get3A_25 : vector<1000x128xf32>
    %mul3A = vector.broadcast %broadcast_in_dim3A : vector<1000x1xf32> to vector<1000x128xf32>
    %mul3A_27 = arith.mulf %add3A_26, %mul3A : vector<1000x128xf32>
    %get3A_28 = arith.constant 0 : index
    %get3A_29 = arith.constant 0 : index
    %get3A_30 = vector.load %arg4[%get3A_28, %get3A_29] : memref<1x128xf32, #tpu.memory_space<vmem>>, vector<1x128xf32>
    %add3A_31 = vector.broadcast %get3A_30 : vector<1x128xf32> to vector<1000x128xf32>
    %add3A_32 = arith.addf %mul3A_27, %add3A_31 : vector<1000x128xf32>
    %max3A = arith.constant 0.000000e+00 : f32
    %max3A_33 = vector.broadcast %max3A : f32 to vector<1000x128xf32>
    %max3A_34 = arith.maximumf %add3A_32, %max3A_33 : vector<1000x128xf32>
    %swap3A = arith.constant 0 : index
    %swap3A_35 = arith.constant 0 : index
    %swap3A_36 = vector.load %arg5[%swap3A, %swap3A_35] : memref<1000x128xf32, #tpu.memory_space<vmem>>, vector<1000x128xf32>
    tpu.vector_store %arg5[%swap3A, %swap3A_35], %max3A_34 {strides = array<i32>} : memref<1000x128xf32, #tpu.memory_space<vmem>>, vector<1000x128xf32>,
    return
  }
  func.func @transform_0(%arg0: i32) -> (i32, i32, i32) {
    %c0_i32 = arith.constant 0 : i32
    %c0_i32_0 = arith.constant 0 : i32
    %c0_i32_1 = arith.constant 0 : i32
    return %arg0, %c0_i32, %c0_i32_0 : i32, i32, i32
  }
  func.func @transform_1(%arg0: i32) -> (i32, i32, i32) {
    %c0_i32 = arith.constant 0 : i32
    %c0_i32_0 = arith.constant 0 : i32
    %c0_i32_1 = arith.constant 0 : i32
    return %c0_i32, %arg0, %c0_i32_0 : i32, i32, i32
  }
  func.func @transform_2(%arg0: i32) -> (i32, i32) {
    %c0_i32 = arith.constant 0 : i32
    %c0_i32_0 = arith.constant 0 : i32
    return %arg0, %c0_i32 : i32, i32
  }
  func.func @transform_3(%arg0: i32) -> (i32, i32) {
    %c0_i32 = arith.constant 0 : i32
    %c0_i32_0 = arith.constant 0 : i32
    %c0_i32_1 = arith.constant 0 : i32
    return %c0_i32, %c0_i32_0 : i32, i32
  }
  func.func @transform_4(%arg0: i32) -> (i32, i32) {
    %c0_i32 = arith.constant 0 : i32
    %c0_i32_0 = arith.constant 0 : i32
    return %arg0, %c0_i32 : i32, i32
  }
}

</mosaic_0001>

<sc_bundles>
// kernel: kernel.12.cloned.1.call-start
scs
__scs_entry_jumppad:
0x0: {  	(pc) =	sbr.rel $0x88, $3  }
0x1: {  	(tag) =	ssettag $0x0;
	lr =	simm.s32 $0x1  }
0x2: {  	[smem:$0x3F9B] =	sst lr;
	_ =	strace $0xD0000000  }
0x3: {  	_ = 	snop  }
0x4: {  	_ = 	snop  }
0x5: {  	_ = 	snop  }
0x6: {  	_ = 	snop  }
0x7: {  	_ = 	snop  }
__scs_overlays_trampoline_lowered:
0x8: {  	[smem:$0x3FAA] =	sst s0  }
0x9: {  	[smem:$0x3FAB] =	sst s1  }
0xa: {  	[smem:$0x3FAC] =	sst s2  }
0xb: {  	[smem:$0x3FAD] =	sst s3  }
0xc: {  	[smem:$0x3FAE] =	sst s4  }
0xd: {  	[smem:$0x3FAF] =	sst s5  }
0xe: {  	[smem:$0x3FB0] =	sst s6  }
0xf: {  	[smem:$0x3FB1] =	sst s7  }
0x10: {  	[smem:$0x3FB2] =	sst s8  }
0x11: {  	[smem:$0x3FB3] =	sst s9;
	s0 =	simm.s32 @!p0 $0x0  }
0x12: {  	s1 =	sld [smem:$0x3F99];
	s0 =	simm.s32 @p0 $0x1  }
0x13: {  	[smem:$0x3FB4] =	sst s0;
	s0 =	simm.s32 @!p1 $0x0  }
0x14: {  	s2 =	sld [smem:$0x3F98];
	s0 =	simm.s32 @p1 $0x1  }
0x15: {  	[smem:$0x3FB5] =	sst s0;
	s0 =	simm.s32 @!p2 $0x0  }
0x16: {  	s3 =	sld [smem:$0x3FDB];
	s0 =	simm.s32 @p2 $0x1  }
0x17: {  	s4 =	simm.s32 $0x1BF5;
	[smem:$0x3FB7] =	sst s0  }
0x18: {  	s0 =	sld [smem:$0x3F9A];
	_ =	swait.ge [sflag:s4], $0x0  }
0x19: {  	s7 =	sld [smem:$0x3F9B]  }
0x1a: {  	s8 =	sadd.s32 $0xFFFFE003, lr  }
0x1b: {  	s9 =	sadd.s32 $0xFFFFFEF7, lr;
	s5 =	simm.s32 $0xFFFFFFFF;
	p2 =	slt.u32 s8, $0xFFFFF086  }
0x1c: {  	p1 =	slt.u32 s9, $0xF7A;
	s5 =	simm.s32 @!p2 $0x0  }
0x1d: {  	s5 =	simm.s32 @p1 $0x1;
	p0 =	seq.s32 s7, s2  }
0x1e: {  	s7 =	smul.u32 @!p0 $0xF7A, s2;
	p2 =	seq.s32 @!p0 s5, $0x0  }
0x1f: {  	s9 =	smul.u32 $0xF7A, s1;
	s8 =	simm.s32 @!p0 $0x1BF5;
	p2 =	por !p2, p0  }
0x20: {  	[sflag:s8] =	ssyncset.s32 @!p0 $0xFFFFF086;
	s6 =	sadd.s32 @!p0 s3, s7;
	s7 =	simm.s32 @!p0 $0x108  }
0x21: {  	s3 =	sadd.s32 s3, s9;
	s6 =	sadd.s32 @!p0 $0x88, s6;
	s7 =	simm.s32 @p2 $0x1082  }
0x22: {  	[simem:s7], [sflag:s8] =	dma.local @!p0 [hbm:s6], $0xF7A  }
0x23: {  	s9 =	sor.u32 $0xD0000000, s2;
	s6 =	simm.s32 $0x108;
	_ =	swait.ge @!p0 [sflag:s8], $0x0  }
0x24: {  	s3 =	sadd.s32 $0x88, s3;
	s6 =	simm.s32 @!p1 $0x1082;
	[sflag:s4] =	ssyncset.s32 $0xFFFFF086  }
0x25: {  	[simem:s6], [sflag:s4] =	dma.local [hbm:s3], $0xF7A  }
0x26: {  	[smem:$0x3F9B] =	sst s1;
	(tag) =	ssettag s2;
	_ =	strace s9  }
0x27: {  	s1 =	sld [smem:$0x3FAB]  }
0x28: {  	s2 =	sld [smem:$0x3FAC]  }
0x29: {  	s4 =	sld [smem:$0x3FAE]  }
0x2a: {  	p0 =	seq.s32 s5, $0x0;
	s5 =	sld [smem:$0x3FAF]  }
0x2b: {  	s6 =	sld [smem:$0x3FB0]  }
0x2c: {  	s7 =	sld [smem:$0x3FB1]  }
0x2d: {  	s3 =	simm.s32 $0x108;
	s8 =	sld [smem:$0x3FB2]  }
0x2e: {  	s3 =	simm.s32 @!p0 $0x1082;
	s9 =	sld [smem:$0x3FB3]  }
0x2f: {  	lr =	sadd.s32 s0, s3;
	s0 =	sld [smem:$0x3FAA]  }
0x30: {  	s3 =	sld [smem:$0x3FAD]  }
0x31: {  	[smem:$0x3FB6] =	sst s10  }
0x32: {  	s10 =	sld [smem:$0x3FB4];
	_ =	sdelay $0x3  }
0x33: {  	p0 =	seq.s32 s10, $0x1;
	s10 =	sld [smem:$0x3FB6];
	_ =	sdelay $0x3  }
0x34: {  	[smem:$0x3FB6] =	sst s10  }
0x35: {  	s10 =	sld [smem:$0x3FB5];
	_ =	sdelay $0x3  }
0x36: {  	p1 =	seq.s32 s10, $0x1;
	s10 =	sld [smem:$0x3FB6];
	_ =	sdelay $0x3  }
0x37: {  	[smem:$0x3FB6] =	sst s10  }
0x38: {  	s10 =	sld [smem:$0x3FB7]  }
0x39: {  	_ = 	snop;
	(pc) =	sbr.ind lr, $3  }
0x3a: {  	_ = 	snop  }
0x3b: {  	_ = 	snop  }
0x3c: {  	p2 =	seq.s32 s10, $0x1;
	s10 =	sld [smem:$0x3FB6]  }
0x3d: {  	_ =	shalt  }
0x3e: {  	_ =	shalt  }
0x3f: {  	_ =	shalt  }
0x40: {  	_ =	shalt  }
0x41: {  	_ =	shalt  }
0x42: {  	_ =	shalt  }
0x43: {  	_ =	shalt  }
0x44: {  	_ =	shalt  }
0x45: {  	_ =	shalt  }
0x46: {  	_ =	shalt  }
0x47: {  	_ =	shalt  }
0x48: {  	_ =	shalt  }
0x49: {  	_ =	shalt  }
0x4a: {  	_ =	shalt  }
0x4b: {  	_ =	shalt  }
0x4c: {  	_ =	shalt  }
0x4d: {  	_ =	shalt  }
0x4e: {  	_ =	shalt  }
0x4f: {  	_ =	shalt  }
0x50: {  	_ =	shalt  }
0x51: {  	_ =	shalt  }
0x52: {  	_ =	shalt  }
0x53: {  	_ =	shalt  }
0x54: {  	_ =	shalt  }
0x55: {  	_ =	shalt  }
0x56: {  	_ =	shalt  }
0x57: {  	_ =	shalt  }
0x58: {  	_ =	shalt  }
0x59: {  	_ =	shalt  }
0x5a: {  	_ =	shalt  }
0x5b: {  	_ =	shalt  }
0x5c: {  	_ =	shalt  }
0x5d: {  	_ =	shalt  }
0x5e: {  	_ =	shalt  }
0x5f: {  	_ =	shalt  }
0x60: {  	_ =	shalt  }
0x61: {  	_ =	shalt  }
0x62: {  	_ =	shalt  }
0x63: {  	_ =	shalt  }
0x64: {  	_ =	shalt  }
0x65: {  	_ =	shalt  }
0x66: {  	_ =	shalt  }
0x67: {  	_ =	shalt  }
0x68: {  	_ =	shalt  }
0x69: {  	_ =	shalt  }
0x6a: {  	_ =	shalt  }
0x6b: {  	_ =	shalt  }
0x6c: {  	_ =	shalt  }
0x6d: {  	_ =	shalt  }
0x6e: {  	_ =	shalt  }
0x6f: {  	_ =	shalt  }
0x70: {  	_ =	shalt  }
0x71: {  	_ =	shalt  }
0x72: {  	_ =	shalt  }
0x73: {  	_ =	shalt  }
0x74: {  	_ =	shalt  }
0x75: {  	_ =	shalt  }
0x76: {  	_ =	shalt  }
0x77: {  	_ =	shalt  }
0x78: {  	_ =	shalt  }
0x79: {  	_ =	shalt  }
0x7a: {  	_ =	shalt  }
0x7b: {  	_ =	shalt  }
0x7c: {  	_ =	shalt  }
0x7d: {  	_ =	shalt  }
0x7e: {  	_ =	shalt  }
0x7f: {  	_ =	shalt  }
0x80: {  	_ =	shalt  }
0x81: {  	_ =	shalt  }
0x82: {  	_ =	shalt  }
0x83: {  	_ =	shalt  }
0x84: {  	_ =	shalt  }
0x85: {  	_ =	shalt  }
0x86: {  	_ =	shalt  }
0x87: {  	_ =	shalt  }
.Lfunc_end0:
.L_simem_size_0:
called_computation.1_lowered:
.L_overlay_start_0:
0x88: {  	s2 =	sld [smem:$0x3FD9]  }
0x89: {  	s3 =	sld [smem:$0x3FFE];
	_ =	sdelay $0x1  }
0x8a: {  	s1 =	srdreg.scid  }
0x8b: {  	s0 =	sand.u32 $0x1, s1  }
0x8c: {  	s17 =	sshll.u32 s0, $0xA;
	s2 =	sadd.s32 s3, s2  }
0x8d: {  	s2 =	sadd.s32 s2, s17  }
0x8e: {  	[smem:$0x3FC2] =	sst s2  }
0x8f: {  	_ = 	snop  }
0x90: {  	s2 =	sld [smem:$0x3FD0];
	(tm) =	ssettm $0x1  }
0x91: {  	s18 =	sld [smem:$0x3FFB];
	_ =	sdelay $0x3  }
0x92: {  	_ =	strace s18  }
0x93: {  	s3 =	sld [smem:$0x3FFC];
	_ =	sdelay $0x3  }
0x94: {  	_ =	strace s3  }
0x95: {  	s3 =	sld [smem:$0x3FFD];
	_ =	sdelay $0x3  }
0x96: {  	_ =	strace s3  }
0x97: {  	_ =	strace $0x8FFFFFFF  }
0x98: {  	s19 =	sld [smem:$0x3FDB];
	_ =	sdelay $0x1  }
0x99: {  	s4 =	simm.s32 $_scs_section_size  }
0x9a: {  	s5 =	simm.s32 $_size__tile_overlayer_lowered;
	s6 =	simm.s32 $_tile_overlayer_lowered  }
0x9b: {  	s22 =	simm.s32 $0x1BFF;
	s21 =	sshll.u32 s6, $0x1;
	s3 =	sadd.s32 s4, s19  }
0x9c: {  	s7 =	simm.s32 $0x0;
	s20 =	sshll.u32 s5, $0x1;
	s5 =	sadd.s32 s21, s3  }
0x9d: {  	[timem:s7], [sflag:s22] =	dma.local [hbm:s5], s20  }
0x9e: {  	_ =	swait.ge [sflag:s22], s20  }
0x9f: {  	s4 =	ssub.s32 $0x0, s20;
	[sflag:s22] =	ssyncset.done $0x0  }
0xa0: {  	[sflag:s22] =	ssyncadd.s32 s4;
	_ =	sdelay $0x1  }
0xa1: {  	s23 =	simm.s32 $0x1B8B  }
0xa2: {  	_ =	swait.ge [sflag:s23], $0x1  }
0xa3: {  	[sflag:s23] =	ssyncset.done $0x0  }
0xa4: {  	s25 =	simm.s32 $0x1B8E;
	s24 =	sld [smem:$0x3FFE];
	[sflag:s23] =	ssyncadd.s32 $0xFFFFFFFF  }
0xa5: {  	s26 =	simm.s32 $execute0_lowered;
	[smem:$0x3FD2] =	sst s25  }
0xa6: {  	s5 =	sshll.u32 s26, $0x1;
	_ =	strace $0x80000049;
	[dreg:$0x1] =	wrdreg $0xFFFFFFFF  }
0xa7: {  	s28 =	simm.s32 $_size_execute0_lowered;
	s3 =	sadd.s32 s3, s5;
	[dreg:$0x0] =	wrdreg $0x0  }
0xa8: {  	s5 =	sshll.u32 s28, $0x1;
	[dreg:$0x2] =	wrdreg s3  }
0xa9: {  	[dreg:$0x3] =	wrdreg s5  }
0xaa: {  	[dreg:$0x4] =	wrdreg $0xC0  }
0xab: {  	_ =	task [dreg:s7], $0x5FFFF  }
0xac: {  	[dreg:$0x1] =	wrdreg $0xFFFFFFFF  }
0xad: {  	[dreg:$0x0] =	wrdreg $0x60  }
0xae: {  	[dreg:$0x2] =	wrdreg s24  }
0xaf: {  	[dreg:$0x3] =	wrdreg s2  }
0xb0: {  	[dreg:$0x4] =	wrdreg $0xA9000  }
0xb1: {  	[dreg:$0x5] =	wrdreg $0x9  }
0xb2: {  	_ =	task.clear_ibuf [dreg:s7], $0x6FFFF;
	_ =	strace $0x90000049  }
0xb3: {  	s29 =	simm.s32 $0x9;
	_ =	strace $0x8000004B  }
0xb4: {  	_ =	swait.ge [sflag:s29], $0x1  }
0xb5: {  	[sflag:s29] =	ssyncadd.s32 $0xFFFFFFFF  }
0xb6: {  	_ =	strace $0x9000004B  }
0xb7: {  	_ =	sfence  }
0xb8: {  	s30 =	sld [smem:$0x0];
	_ =	sdelay $0x2  }
0xb9: {  	s31 =	sshll.u32 s1, $0xD;
	s1 =	sshrl.u32 s1, $0x2  }
0xba: {  	s3 =	sand.u32 $0x4000, s31;
	s1 =	sadd.s32 s1, s30  }
0xbb: {  	s0 =	sor.u32 s3, s0;
	s1 =	sshll.u32 s1, $0x11  }
0xbc: {  	s0 =	sor.u32 s1, s0  }
0xbd: {  	s0 =	sadd.s32 $0x8F2B, s0  }
0xbe: {  	[sflag:s0] =	ssyncadd.remote.s32 $0x1  }
0xbf: {  	_ =	sfence.sel $0xFFFF  }
0xc0: {  	[dreg:$0x0] =	wrdreg $0xFFFFFFFF;
	(pc) =	sbr.abs _section_cstart, $3  }
0xc1: {  	[dreg:$0x1] =	wrdreg $0xFFFFFFFF  }
0xc2: {  	_ =	task.clear_ibuf [dreg:s7], $0x2FFFF;
	_ =	strace $0x9FFFFFFF  }
0xc3: {  	(tm) =	ssettm $0x7FFFFFFF  }
tec
execute0_lowered:
.L_overlay_start_1:
0x0: {  	(tag) =	ssettag $0x1  }
0x1: {  	s0 =	rddreg [dreg:$0x0]  }
0x2: {  	s2 =	rddreg [dreg:$0x1]  }
0x3: {  	s1 =	rddreg [dreg:$0x2]  }
0x4: {  	s3 =	srdreg.scid;
	s10 =	stileid.u32  }
0x5: {  	s17 =	simm.s32 $0x2900;
	s18 =	simm.s32 $0x8;
	s19 =	simm.s32 $0x7  }
0x6: {  	s20 =	simm.s32 $0x2800;
	s28 =	simm.s32 $0x2;
	s8 =	smul.u32 $0x14000, s10  }
0x7: {  	s29 =	simm.s32 $0x6;
	s30 =	simm.s32 $0x4;
	s9 =	smul.u32 $0x50000, s10  }
0x8: {  	s31 =	simm.s32 $0x0;
	s6 =	sand.u32 $0x1, s3;
	s10 =	smul.u32 $0x2800, s10  }
0x9: {  	s3 =	simm.s32 $0x0;
	s4 =	sadd.s32 $0x6E00, s0;
	s7 =	smul.u32 $0x140000, s6  }
0xa: {  	s5 =	sadd.s32 $0x56E00, s0;
	s21 =	smul.u32 $0x28000, s6;
	s6 =	ssub.s32 $0x2, s6  }
0xb: {  	[smem:$0x7FF] =	sst s3;
	s22 =	sshrl.u32 s6, $0x1;
	s9 =	sshrl.u32 s9, $0x2  }
0xc: {  	_ =	strace $0x8000004A;
	s16 =	ssub.s32 s6, s22;
	s6 =	sadd.s32 s9, s1  }
0xd: {  	s7 =	sadd.s32 s8, s7;
	s22 =	simm.s32 $0x2880;
	s23 =	sadd.s32 $0x4000, s6  }
0xe: {  	s7 =	sshrl.u32 s7, $0x3;
	s24 =	sadd.s32 $0x8000, s6;
	[dreg:$0x4] =	wrdreg s23  }
0xf: {  	s9 =	sadd.s32 $0xC000, s6;
	s26 =	sadd.s32 $0x10000, s6;
	[dreg:$0x5] =	wrdreg s24  }
0x10: {  	s16 =	smax.u32 s16, $0x1;
	s0 =	sadd.s32 s7, s0;
	[dreg:$0x6] =	wrdreg s9  }
0x11: {  	s7 =	sadd.s32 s10, s21;
	[dreg:$0x7] =	wrdreg s26;
	s21 =	simm.s32 $0x80  }
0x12: {  	s23 =	simm.s32 $0x6900;
	s24 =	simm.s32 $0x1;
	s25 =	sshrl.u32 s7, $0x3  }
0x13: {  	s26 =	simm.s32 $0x3;
	s15 =	sadd.s32 $0x60E00, s0;
	s12 =	sadd.s32 s5, s25  }
0x14: {  	v0 =	vimm.f32 $0.0e+00;
	s13 =	sadd.s32 s2, s25;
	s25 =	simm.s32 $0x5;
	s14 =	sadd.s32 $0x10, s12  }
.LBB2_1:
0x15: {  	s0 =	simm.s32 $0x0;
	s2 =	simm.s32 $0x200  }
.LBB2_2:
0x16: {  	p0 =	sne.s32 s2, $0xFE00;
	[tilespmem:s0+$0x2970] =	vst v0  }
0x17: {  	[tilespmem:s0+$0x2900] =	vst v0  }
0x18: {  	[tilespmem:s0+$0x2910] =	vst v0  }
.Ltmp0:
0x19: {  	[tilespmem:s0+$0x2920] =	vst v0;
	(pc) =	sbr.rel @p0 .LBB2_2-.Ltmp0, $4  }
0x1a: {  	[tilespmem:s0+$0x2930] =	vst v0  }
0x1b: {  	[tilespmem:s0+$0x2940] =	vst v0  }
0x1c: {  	[tilespmem:s0+$0x2950] =	vst v0  }
0x1d: {  	[tilespmem:s0+$0x2960] =	vst v0;
	s0 =	sshra.s32 s2, $0x2;
	s2 =	sadd.s32 $0x200, s2  }
0x1e: {  	[tilespmem:s0+$0x2970] =	vst v0  }
0x1f: {  	[tilespmem:s0+$0x2900] =	vst v0  }
0x20: {  	[tilespmem:s0+$0x2910] =	vst v0  }
0x21: {  	[tilespmem:s0+$0x2920] =	vst v0  }
0x22: {  	[tilespmem:s0+$0x2930] =	vst v0  }
0x23: {  	[tilespmem:s0+$0x2940] =	vst v0  }
0x24: {  	[tilespmem:s0+$0x2950] =	vst v0  }
0x25: {  	[tilespmem:s0+$0x2960] =	vst v0  }
0x26: {  	[spmem:s6] =	stream.linear.scatter [tilespmem:s17], [sflag:$0x7], $0x4000, $0x38;
	[tilespmem:$0x1E900] =	vst v63  }
0x27: {  	s9 =	rddreg [dreg:$0x4]  }
0x28: {  	[spmem:s9] =	stream.linear.scatter [tilespmem:s17], [sflag:$0x7], $0x4000, $0x38;
	[tilespmem:$0x1E900] =	vst v63  }
0x29: {  	s10 =	rddreg [dreg:$0x5]  }
0x2a: {  	[spmem:s10] =	stream.linear.scatter [tilespmem:s17], [sflag:$0x7], $0x4000, $0x38;
	[tilespmem:$0x1E900] =	vst v63  }
0x2b: {  	s11 =	rddreg [dreg:$0x6]  }
0x2c: {  	[spmem:s11] =	stream.linear.scatter [tilespmem:s17], [sflag:$0x7], $0x4000, $0x38;
	[tilespmem:$0x1E900] =	vst v63  }
0x2d: {  	s2 =	rddreg [dreg:$0x7]  }
0x2e: {  	[spmem:s2] =	stream.linear.scatter [tilespmem:s17], [sflag:$0x7], $0x4000, $0x38;
	[tilespmem:$0x1E900] =	vst v63  }
0x2f: {  	_ = 	snop  }
0x30: {  	[tilespmem:s3], [sflag:$0x8] =	stream.linear.gather [hbm4b:s13+s3], $0x2800, $0x38;
	[tilespmem:$0x1E900] =	vst v63  }
0x31: {  	_ =	swait.ge [sflag:s18], $0x2800  }
0x32: {  	[sflag:s18] =	ssyncset.done $0x0  }
0x33: {  	[sflag:s18] =	ssyncadd.s32 $0xFFFFD800  }
0x34: {  	_ =	swait.ge [sflag:s19], $0x4000  }
0x35: {  	[sflag:s19] =	ssyncset.done $0x0  }
0x36: {  	[sflag:s19] =	ssyncadd.s32 $0xFFFFC000  }
0x37: {  	_ =	swait.ge [sflag:s19], $0x4000  }
0x38: {  	[sflag:s19] =	ssyncset.done $0x0  }
0x39: {  	[sflag:s19] =	ssyncadd.s32 $0xFFFFC000  }
0x3a: {  	_ =	swait.ge [sflag:s19], $0x4000  }
0x3b: {  	[sflag:s19] =	ssyncset.done $0x0  }
0x3c: {  	[sflag:s19] =	ssyncadd.s32 $0xFFFFC000  }
0x3d: {  	_ =	swait.ge [sflag:s19], $0x4000  }
0x3e: {  	[sflag:s19] =	ssyncset.done $0x0  }
0x3f: {  	[sflag:s19] =	ssyncadd.s32 $0xFFFFC000  }
0x40: {  	_ =	swait.ge [sflag:s19], $0x4000  }
0x41: {  	[sflag:s19] =	ssyncset.done $0x0  }
0x42: {  	[sflag:s19] =	ssyncadd.s32 $0xFFFFC000  }
0x43: {  	[tilespmem:s20], [sflag:$0x5] =	stream.linear.gather [hbm4b:s12+s3], $0x80, $0x38;
	[tilespmem:$0x1E900] =	vst v63  }
0x44: {  	_ = 	snop  }
0x45: {  	[tilespmem:s17], [sflag:$0x1] =	stream.indirect.gather [hbm4b:s4+s21], $0x80, s3, s21, $0xb8;
	[tilespmem:$0x1E900] =	vst v63  }
0x46: {  	_ = 	snop  }
0x47: {  	[tilespmem:s22], [sflag:$0x6] =	stream.linear.gather [hbm4b:s14+s3], $0x80, $0x38;
	[tilespmem:$0x1E900] =	vst v63  }
0x48: {  	_ = 	snop  }
0x49: {  	[tilespmem:s23], [sflag:$0x2] =	stream.indirect.gather [hbm4b:s4+s21], $0x80, s21, s21, $0xb8;
	[tilespmem:$0x1E900] =	vst v63  }
0x4a: {  	[bflag:$0x0] =	sbarrier.arrive $0xFFFF  }
0x4b: {  	_ =	swait.ge [sflag:s24], $0x4000  }
0x4c: {  	[sflag:s24] =	ssyncset.done $0x0  }
0x4d: {  	[sflag:s24] =	ssyncadd.s32 $0xFFFFC000  }
0x4e: {  	s8 =	simm.s32 $0x100;
	_ =	swait.ge [sflag:s25], $0x80  }
0x4f: {  	s2 =	sand.u32 $0x7C00, s8;
	[sflag:s25] =	ssyncset.done $0x0  }
0x50: {  	s0 =	sand.u32 $0x300, s8;
	s2 =	sadd.s32 s7, s2;
	[sflag:s25] =	ssyncadd.s32 $0xFFFFFF80  }
0x51: {  	[spmem:s1] =	stream.indirect.scatter.add.f32 [tilespmem:s17], [sflag:$0x3], $0x80, s20, s21, $0xb8;
	[tilespmem:$0x1E900] =	vst v63  }
0x52: {  	s0 =	sor.u32 s0, s2;
	_ =	swait.ge [sflag:s26], $0x4000  }
0x53: {  	s0 =	sshrl.u32 s0, $0x3;
	[sflag:s26] =	ssyncset.done $0x0  }
0x54: {  	s0 =	sadd.s32 s5, s0;
	[sflag:s26] =	ssyncadd.s32 $0xFFFFC000  }
0x55: {  	[tilespmem:s20], [sflag:$0x5] =	stream.linear.gather [hbm4b:s0+s3], $0x80, $0x38;
	[tilespmem:$0x1E900] =	vst v63  }
0x56: {  	s9 =	simm.s32 $0x100  }
0x57: {  	[tilespmem:s17], [sflag:$0x1] =	stream.indirect.gather [hbm4b:s4+s21], $0x80, s9, s21, $0xb8;
	[tilespmem:$0x1E900] =	vst v63  }
0x58: {  	_ =	swait.ge [sflag:s28], $0x4000  }
0x59: {  	[sflag:s28] =	ssyncset.done $0x0  }
0x5a: {  	[sflag:s28] =	ssyncadd.s32 $0xFFFFC000  }
0x5b: {  	s10 =	simm.s32 $0x180;
	_ =	swait.ge [sflag:s29], $0x80  }
0x5c: {  	s11 =	sand.u32 $0x7C00, s10;
	[sflag:s29] =	ssyncset.done $0x0  }
0x5d: {  	s2 =	sadd.s32 s7, s11;
	s0 =	sand.u32 $0x380, s10;
	[sflag:s29] =	ssyncadd.s32 $0xFFFFFF80  }
0x5e: {  	[spmem:s1] =	stream.indirect.scatter.add.f32 [tilespmem:s23], [sflag:$0x4], $0x80, s22, s21, $0xb8;
	[tilespmem:$0x1E900] =	vst v63  }
0x5f: {  	s0 =	sor.u32 s0, s2;
	_ =	swait.ge [sflag:s30], $0x4000  }
0x60: {  	s0 =	sshrl.u32 s0, $0x3;
	[sflag:s30] =	ssyncset.done $0x0  }
0x61: {  	s0 =	sadd.s32 s5, s0;
	[sflag:s30] =	ssyncadd.s32 $0xFFFFC000  }
0x62: {  	[tilespmem:s22], [sflag:$0x6] =	stream.linear.gather [hbm4b:s0+s3], $0x80, $0x38;
	[tilespmem:$0x1E900] =	vst v63  }
0x63: {  	s8 =	simm.s32 $0x200;
	s2 =	simm.s32 $0x180;
	s0 =	simm.s32 $0x280  }
.LBB2_4:
0x64: {  	s9 =	sadd.s32 $0x80, s8  }
0x65: {  	p0 =	sne.s32 s0, $0x2780;
	s10 =	smov.u32 s0;
	s0 =	sadd.s32 $0x100, s0  }
0x66: {  	[tilespmem:s23], [sflag:$0x2] =	stream.indirect.gather [hbm4b:s4+s21], $0x80, s2, s21, $0xb8;
	[tilespmem:$0x1E900] =	vst v63  }
0x67: {  	s2 =	smov.u32 s9;
	_ =	swait.ge [sflag:s24], $0x4000  }
0x68: {  	[sflag:s24] =	ssyncset.done $0x0  }
0x69: {  	[sflag:s24] =	ssyncadd.s32 $0xFFFFC000  }
0x6a: {  	_ =	swait.ge [sflag:s25], $0x80  }
0x6b: {  	s9 =	sadd.s32 $0xFFFFFF80, s10;
	[sflag:s25] =	ssyncset.done $0x0  }
0x6c: {  	s11 =	sand.u32 $0x7C00, s9;
	s9 =	sand.u32 $0x300, s9;
	[sflag:s25] =	ssyncadd.s32 $0xFFFFFF80  }
0x6d: {  	[spmem:s1] =	stream.indirect.scatter.add.f32 [tilespmem:s17], [sflag:$0x3], $0x80, s20, s21, $0xb8;
	[tilespmem:$0x1E900] =	vst v63  }
0x6e: {  	s11 =	sadd.s32 s7, s11;
	_ =	swait.ge [sflag:s26], $0x4000  }
0x6f: {  	s9 =	sor.u32 s9, s11;
	[sflag:s26] =	ssyncset.done $0x0  }
0x70: {  	s9 =	sshrl.u32 s9, $0x3;
	[sflag:s26] =	ssyncadd.s32 $0xFFFFC000  }
0x71: {  	s9 =	sadd.s32 s5, s9  }
0x72: {  	[tilespmem:s20], [sflag:$0x5] =	stream.linear.gather [hbm4b:s9+s3], $0x80, $0x38;
	[tilespmem:$0x1E900] =	vst v63  }
0x73: {  	_ = 	snop  }
0x74: {  	[tilespmem:s17], [sflag:$0x1] =	stream.indirect.gather [hbm4b:s4+s21], $0x80, s8, s21, $0xb8;
	[tilespmem:$0x1E900] =	vst v63  }
0x75: {  	_ =	swait.ge [sflag:s28], $0x4000  }
0x76: {  	[sflag:s28] =	ssyncset.done $0x0  }
0x77: {  	[sflag:s28] =	ssyncadd.s32 $0xFFFFC000  }
0x78: {  	_ =	swait.ge [sflag:s29], $0x80  }
0x79: {  	s9 =	sand.u32 $0x7C00, s10;
	[sflag:s29] =	ssyncset.done $0x0  }
0x7a: {  	s10 =	sand.u32 $0x380, s10;
	s9 =	sadd.s32 s7, s9;
	[sflag:s29] =	ssyncadd.s32 $0xFFFFFF80  }
0x7b: {  	[spmem:s1] =	stream.indirect.scatter.add.f32 [tilespmem:s23], [sflag:$0x4], $0x80, s22, s21, $0xb8;
	[tilespmem:$0x1E900] =	vst v63  }
.Ltmp1:
0x7c: {  	_ = 	snop;
	(pc) =	sbr.rel @p0 .LBB2_4-.Ltmp1, $4  }
0x7d: {  	s9 =	sor.u32 s10, s9;
	_ =	swait.ge [sflag:s30], $0x4000  }
0x7e: {  	s9 =	sshrl.u32 s9, $0x3;
	[sflag:s30] =	ssyncset.done $0x0  }
0x7f: {  	s8 =	sadd.s32 $0x100, s8;
	s9 =	sadd.s32 s5, s9;
	[sflag:s30] =	ssyncadd.s32 $0xFFFFC000  }
0x80: {  	[tilespmem:s22], [sflag:$0x6] =	stream.linear.gather [hbm4b:s9+s3], $0x80, $0x38;
	[tilespmem:$0x1E900] =	vst v63  }
0x81: {  	[tilespmem:s23], [sflag:$0x2] =	stream.indirect.gather [hbm4b:s4+s21], $0x80, s2, s21, $0xb8;
	[tilespmem:$0x1E900] =	vst v63  }
0x82: {  	_ =	swait.ge [sflag:s24], $0x4000  }
0x83: {  	[sflag:s24] =	ssyncset.done $0x0  }
0x84: {  	[sflag:s24] =	ssyncadd.s32 $0xFFFFC000  }
0x85: {  	_ =	swait.ge [sflag:s25], $0x80  }
0x86: {  	[sflag:s25] =	ssyncset.done $0x0  }
0x87: {  	[sflag:s25] =	ssyncadd.s32 $0xFFFFFF80  }
0x88: {  	[spmem:s1] =	stream.indirect.scatter.add.f32 [tilespmem:s17], [sflag:$0x3], $0x80, s20, s21, $0xb8;
	[tilespmem:$0x1E900] =	vst v63  }
0x89: {  	_ =	swait.ge [sflag:s28], $0x4000  }
0x8a: {  	[sflag:s28] =	ssyncset.done $0x0  }
0x8b: {  	[sflag:s28] =	ssyncadd.s32 $0xFFFFC000  }
0x8c: {  	_ =	swait.ge [sflag:s29], $0x80  }
0x8d: {  	[sflag:s29] =	ssyncset.done $0x0  }
0x8e: {  	[sflag:s29] =	ssyncadd.s32 $0xFFFFFF80  }
0x8f: {  	[spmem:s1] =	stream.indirect.scatter.add.f32 [tilespmem:s23], [sflag:$0x4], $0x80, s22, s21, $0xb8;
	[tilespmem:$0x1E900] =	vst v63  }
0x90: {  	_ =	swait.ge [sflag:s26], $0x4000  }
0x91: {  	[sflag:s26] =	ssyncset.done $0x0  }
0x92: {  	[sflag:s26] =	ssyncadd.s32 $0xFFFFC000  }
0x93: {  	s0 =	stileid.u32;
	_ =	swait.ge [sflag:s30], $0x4000  }
0x94: {  	s11 =	sshrl.u32 s6, $0x3;
	s31 =	sadd.s32 $0x1, s31;
	[sflag:s30] =	ssyncset.done $0x0  }
0x95: {  	s0 =	sshll.u32 s0, $0x6;
	p0 =	sne.s32 s31, s16;
	[sflag:s30] =	ssyncadd.s32 $0xFFFFC000  }
.Ltmp2:
0x96: {  	s0 =	sor.u32 $0x1C08, s0;
	[bflag:$0x0] =	sbarrier.arrive $0xFFFF;
	(pc) =	sbr.rel @p0 .LBB2_1-.Ltmp2, $4  }
0x97: {  	[hbm:s15], [sflag:s0] =	dma.local [spmem:s11], $0x2800  }
0x98: {  	_ =	swait.ge [sflag:s18], $0x2800  }
0x99: {  	[sflag:s18] =	ssyncset.done $0x0  }
0x9a: {  	[sflag:s18] =	ssyncadd.s32 $0xFFFFD800  }
0x9b: {  	_ =	sfence.sel $0x180000  }
0x9c: {  	[bflag:$0x0] =	sbarrier.arrive $0xFFFF  }
0x9d: {  	_ =	strace $0x9000004A  }
0x9e: {  	s0 =	stileid.u32;
	[bflag:$0x2] =	sbarrier.arrive $0xFFFF  }
0x9f: {  	p0 =	sne.s32 s0, $0x0;
	s0 =	rddreg [dreg:$0x3]  }
0xa0: {  	s0 =	sadd.s32 @!p0 $0x100000, s0  }
0xa1: {  	[sflag:s0] =	ssyncadd.tile.s32 @!p0 $0x1;
	_ =	shalt  }
.Lfunc_end2:
_tile_overlayer_lowered:
.L_overlay_start_2:
0xa2: {  	(tag) =	ssettag $0x2  }
0xa3: {  	s0 =	rddreg [dreg:$0x0];
	s2 =	stileid.u32  }
0xa4: {  	s1 =	rddreg [dreg:$0x1];
	p0 =	sne.s32 s2, $0x0  }
0xa5: {  	s3 =	rddreg [dreg:$0x2];
	[bflag:$0x3] =	sbarrier.arrive $0xFFFF;
	s2 =	simm.s32 @!p0 $0x1C08  }
0xa6: {  	[timem:s3], [sflag:s2] =	dma.local @!p0 [hbm:s0], s1  }
0xa7: {  	s0 =	simm.s32 @!p0 $0x8  }
0xa8: {  	_ =	swait.ge @!p0 [sflag:s0], s1  }
0xa9: {  	s1 =	ssub.s32 @!p0 $0x0, s1;
	[sflag:s0] =	ssyncset.done @!p0 $0x0  }
0xaa: {  	[sflag:s0] =	ssyncadd.s32 @!p0 s1  }
0xab: {  	[bflag:$0x3] =	sbarrier.arrive $0xFFFF  }
0xac: {  	_ =	shalt  }

// kernel: kernel.15.cloned.1.call-start
scs
__scs_entry_jumppad:
0x0: {  	(pc) =	sbr.rel $0x88, $3  }
0x1: {  	(tag) =	ssettag $0x0;
	lr =	simm.s32 $0x1  }
0x2: {  	[smem:$0x3F9B] =	sst lr;
	_ =	strace $0xD0000000  }
0x3: {  	_ = 	snop  }
0x4: {  	_ = 	snop  }
0x5: {  	_ = 	snop  }
0x6: {  	_ = 	snop  }
0x7: {  	_ = 	snop  }
__scs_overlays_trampoline_lowered:
0x8: {  	[smem:$0x3FAA] =	sst s0  }
0x9: {  	[smem:$0x3FAB] =	sst s1  }
0xa: {  	[smem:$0x3FAC] =	sst s2  }
0xb: {  	[smem:$0x3FAD] =	sst s3  }
0xc: {  	[smem:$0x3FAE] =	sst s4  }
0xd: {  	[smem:$0x3FAF] =	sst s5  }
0xe: {  	[smem:$0x3FB0] =	sst s6  }
0xf: {  	[smem:$0x3FB1] =	sst s7  }
0x10: {  	[smem:$0x3FB2] =	sst s8  }
0x11: {  	[smem:$0x3FB3] =	sst s9;
	s0 =	simm.s32 @!p0 $0x0  }
0x12: {  	s1 =	sld [smem:$0x3F99];
	s0 =	simm.s32 @p0 $0x1  }
0x13: {  	[smem:$0x3FB4] =	sst s0;
	s0 =	simm.s32 @!p1 $0x0  }
0x14: {  	s2 =	sld [smem:$0x3F98];
	s0 =	simm.s32 @p1 $0x1  }
0x15: {  	[smem:$0x3FB5] =	sst s0;
	s0 =	simm.s32 @!p2 $0x0  }
0x16: {  	s3 =	sld [smem:$0x3FDB];
	s0 =	simm.s32 @p2 $0x1  }
0x17: {  	s4 =	simm.s32 $0x1BF5;
	[smem:$0x3FB7] =	sst s0  }
0x18: {  	s0 =	sld [smem:$0x3F9A];
	_ =	swait.ge [sflag:s4], $0x0  }
0x19: {  	s7 =	sld [smem:$0x3F9B]  }
0x1a: {  	s8 =	sadd.s32 $0xFFFFE003, lr  }
0x1b: {  	s9 =	sadd.s32 $0xFFFFFEF7, lr;
	s5 =	simm.s32 $0xFFFFFFFF;
	p2 =	slt.u32 s8, $0xFFFFF086  }
0x1c: {  	p1 =	slt.u32 s9, $0xF7A;
	s5 =	simm.s32 @!p2 $0x0  }
0x1d: {  	s5 =	simm.s32 @p1 $0x1;
	p0 =	seq.s32 s7, s2  }
0x1e: {  	s7 =	smul.u32 @!p0 $0xF7A, s2;
	p2 =	seq.s32 @!p0 s5, $0x0  }
0x1f: {  	s9 =	smul.u32 $0xF7A, s1;
	s8 =	simm.s32 @!p0 $0x1BF5;
	p2 =	por !p2, p0  }
0x20: {  	[sflag:s8] =	ssyncset.s32 @!p0 $0xFFFFF086;
	s6 =	sadd.s32 @!p0 s3, s7;
	s7 =	simm.s32 @!p0 $0x108  }
0x21: {  	s3 =	sadd.s32 s3, s9;
	s6 =	sadd.s32 @!p0 $0x88, s6;
	s7 =	simm.s32 @p2 $0x1082  }
0x22: {  	[simem:s7], [sflag:s8] =	dma.local @!p0 [hbm:s6], $0xF7A  }
0x23: {  	s9 =	sor.u32 $0xD0000000, s2;
	s6 =	simm.s32 $0x108;
	_ =	swait.ge @!p0 [sflag:s8], $0x0  }
0x24: {  	s3 =	sadd.s32 $0x88, s3;
	s6 =	simm.s32 @!p1 $0x1082;
	[sflag:s4] =	ssyncset.s32 $0xFFFFF086  }
0x25: {  	[simem:s6], [sflag:s4] =	dma.local [hbm:s3], $0xF7A  }
0x26: {  	[smem:$0x3F9B] =	sst s1;
	(tag) =	ssettag s2;
	_ =	strace s9  }
0x27: {  	s1 =	sld [smem:$0x3FAB]  }
0x28: {  	s2 =	sld [smem:$0x3FAC]  }
0x29: {  	s4 =	sld [smem:$0x3FAE]  }
0x2a: {  	p0 =	seq.s32 s5, $0x0;
	s5 =	sld [smem:$0x3FAF]  }
0x2b: {  	s6 =	sld [smem:$0x3FB0]  }
0x2c: {  	s7 =	sld [smem:$0x3FB1]  }
0x2d: {  	s3 =	simm.s32 $0x108;
	s8 =	sld [smem:$0x3FB2]  }
0x2e: {  	s3 =	simm.s32 @!p0 $0x1082;
	s9 =	sld [smem:$0x3FB3]  }
0x2f: {  	lr =	sadd.s32 s0, s3;
	s0 =	sld [smem:$0x3FAA]  }
0x30: {  	s3 =	sld [smem:$0x3FAD]  }
0x31: {  	[smem:$0x3FB6] =	sst s10  }
0x32: {  	s10 =	sld [smem:$0x3FB4];
	_ =	sdelay $0x3  }
0x33: {  	p0 =	seq.s32 s10, $0x1;
	s10 =	sld [smem:$0x3FB6];
	_ =	sdelay $0x3  }
0x34: {  	[smem:$0x3FB6] =	sst s10  }
0x35: {  	s10 =	sld [smem:$0x3FB5];
	_ =	sdelay $0x3  }
0x36: {  	p1 =	seq.s32 s10, $0x1;
	s10 =	sld [smem:$0x3FB6];
	_ =	sdelay $0x3  }
0x37: {  	[smem:$0x3FB6] =	sst s10  }
0x38: {  	s10 =	sld [smem:$0x3FB7]  }
0x39: {  	_ = 	snop;
	(pc) =	sbr.ind lr, $3  }
0x3a: {  	_ = 	snop  }
0x3b: {  	_ = 	snop  }
0x3c: {  	p2 =	seq.s32 s10, $0x1;
	s10 =	sld [smem:$0x3FB6]  }
0x3d: {  	_ =	shalt  }
0x3e: {  	_ =	shalt  }
0x3f: {  	_ =	shalt  }
0x40: {  	_ =	shalt  }
0x41: {  	_ =	shalt  }
0x42: {  	_ =	shalt  }
0x43: {  	_ =	shalt  }
0x44: {  	_ =	shalt  }
0x45: {  	_ =	shalt  }
0x46: {  	_ =	shalt  }
0x47: {  	_ =	shalt  }
0x48: {  	_ =	shalt  }
0x49: {  	_ =	shalt  }
0x4a: {  	_ =	shalt  }
0x4b: {  	_ =	shalt  }
0x4c: {  	_ =	shalt  }
0x4d: {  	_ =	shalt  }
0x4e: {  	_ =	shalt  }
0x4f: {  	_ =	shalt  }
0x50: {  	_ =	shalt  }
0x51: {  	_ =	shalt  }
0x52: {  	_ =	shalt  }
0x53: {  	_ =	shalt  }
0x54: {  	_ =	shalt  }
0x55: {  	_ =	shalt  }
0x56: {  	_ =	shalt  }
0x57: {  	_ =	shalt  }
0x58: {  	_ =	shalt  }
0x59: {  	_ =	shalt  }
0x5a: {  	_ =	shalt  }
0x5b: {  	_ =	shalt  }
0x5c: {  	_ =	shalt  }
0x5d: {  	_ =	shalt  }
0x5e: {  	_ =	shalt  }
0x5f: {  	_ =	shalt  }
0x60: {  	_ =	shalt  }
0x61: {  	_ =	shalt  }
0x62: {  	_ =	shalt  }
0x63: {  	_ =	shalt  }
0x64: {  	_ =	shalt  }
0x65: {  	_ =	shalt  }
0x66: {  	_ =	shalt  }
0x67: {  	_ =	shalt  }
0x68: {  	_ =	shalt  }
0x69: {  	_ =	shalt  }
0x6a: {  	_ =	shalt  }
0x6b: {  	_ =	shalt  }
0x6c: {  	_ =	shalt  }
0x6d: {  	_ =	shalt  }
0x6e: {  	_ =	shalt  }
0x6f: {  	_ =	shalt  }
0x70: {  	_ =	shalt  }
0x71: {  	_ =	shalt  }
0x72: {  	_ =	shalt  }
0x73: {  	_ =	shalt  }
0x74: {  	_ =	shalt  }
0x75: {  	_ =	shalt  }
0x76: {  	_ =	shalt  }
0x77: {  	_ =	shalt  }
0x78: {  	_ =	shalt  }
0x79: {  	_ =	shalt  }
0x7a: {  	_ =	shalt  }
0x7b: {  	_ =	shalt  }
0x7c: {  	_ =	shalt  }
0x7d: {  	_ =	shalt  }
0x7e: {  	_ =	shalt  }
0x7f: {  	_ =	shalt  }
0x80: {  	_ =	shalt  }
0x81: {  	_ =	shalt  }
0x82: {  	_ =	shalt  }
0x83: {  	_ =	shalt  }
0x84: {  	_ =	shalt  }
0x85: {  	_ =	shalt  }
0x86: {  	_ =	shalt  }
0x87: {  	_ =	shalt  }
.Lfunc_end0:
.L_simem_size_0:
called_computation.2_lowered:
.L_overlay_start_0:
0x88: {  	s2 =	sld [smem:$0x3FD9]  }
0x89: {  	s3 =	sld [smem:$0x3FFE];
	_ =	sdelay $0x1  }
0x8a: {  	s1 =	srdreg.scid  }
0x8b: {  	s0 =	sand.u32 $0x1, s1  }
0x8c: {  	s17 =	sshll.u32 s0, $0xA;
	s2 =	sadd.s32 s3, s2  }
0x8d: {  	s2 =	sadd.s32 s2, s17  }
0x8e: {  	[smem:$0x3FC2] =	sst s2  }
0x8f: {  	_ = 	snop  }
0x90: {  	s2 =	sld [smem:$0x3FD0];
	(tm) =	ssettm $0x1  }
0x91: {  	s18 =	sld [smem:$0x3FFB];
	_ =	sdelay $0x3  }
0x92: {  	_ =	strace s18  }
0x93: {  	s3 =	sld [smem:$0x3FFC];
	_ =	sdelay $0x3  }
0x94: {  	_ =	strace s3  }
0x95: {  	s3 =	sld [smem:$0x3FFD];
	_ =	sdelay $0x3  }
0x96: {  	_ =	strace s3  }
0x97: {  	_ =	strace $0x8FFFFFFF  }
0x98: {  	s19 =	sld [smem:$0x3FDB];
	_ =	sdelay $0x1  }
0x99: {  	s4 =	simm.s32 $_scs_section_size  }
0x9a: {  	s5 =	simm.s32 $_size__tile_overlayer_lowered;
	s6 =	simm.s32 $_tile_overlayer_lowered  }
0x9b: {  	s22 =	simm.s32 $0x1BFF;
	s21 =	sshll.u32 s6, $0x1;
	s3 =	sadd.s32 s4, s19  }
0x9c: {  	s7 =	simm.s32 $0x0;
	s20 =	sshll.u32 s5, $0x1;
	s5 =	sadd.s32 s21, s3  }
0x9d: {  	[timem:s7], [sflag:s22] =	dma.local [hbm:s5], s20  }
0x9e: {  	_ =	swait.ge [sflag:s22], s20  }
0x9f: {  	s4 =	ssub.s32 $0x0, s20;
	[sflag:s22] =	ssyncset.done $0x0  }
0xa0: {  	[sflag:s22] =	ssyncadd.s32 s4;
	_ =	sdelay $0x1  }
0xa1: {  	s23 =	simm.s32 $0x1B8B  }
0xa2: {  	_ =	swait.ge [sflag:s23], $0x1  }
0xa3: {  	[sflag:s23] =	ssyncset.done $0x0  }
0xa4: {  	s25 =	simm.s32 $0x1B8E;
	s24 =	sld [smem:$0x3FFE];
	[sflag:s23] =	ssyncadd.s32 $0xFFFFFFFF  }
0xa5: {  	s26 =	simm.s32 $execute0_lowered;
	[smem:$0x3FD2] =	sst s25  }
0xa6: {  	s5 =	sshll.u32 s26, $0x1;
	_ =	strace $0x8000004C;
	[dreg:$0x1] =	wrdreg $0xFFFFFFFF  }
0xa7: {  	s28 =	simm.s32 $_size_execute0_lowered;
	s3 =	sadd.s32 s3, s5;
	[dreg:$0x0] =	wrdreg $0x0  }
0xa8: {  	s5 =	sshll.u32 s28, $0x1;
	[dreg:$0x2] =	wrdreg s3  }
0xa9: {  	[dreg:$0x3] =	wrdreg s5  }
0xaa: {  	[dreg:$0x4] =	wrdreg $0xC0  }
0xab: {  	_ =	task [dreg:s7], $0x5FFFF  }
0xac: {  	[dreg:$0x1] =	wrdreg $0xFFFFFFFF  }
0xad: {  	[dreg:$0x0] =	wrdreg $0x60  }
0xae: {  	[dreg:$0x2] =	wrdreg s2  }
0xaf: {  	[dreg:$0x3] =	wrdreg s24  }
0xb0: {  	[dreg:$0x4] =	wrdreg $0x95000  }
0xb1: {  	[dreg:$0x5] =	wrdreg $0x9  }
0xb2: {  	_ =	task.clear_ibuf [dreg:s7], $0x6FFFF;
	_ =	strace $0x9000004C  }
0xb3: {  	s29 =	simm.s32 $0x9;
	_ =	strace $0x8000004E  }
0xb4: {  	_ =	swait.ge [sflag:s29], $0x1  }
0xb5: {  	[sflag:s29] =	ssyncadd.s32 $0xFFFFFFFF  }
0xb6: {  	_ =	strace $0x9000004E  }
0xb7: {  	_ =	sfence  }
0xb8: {  	s30 =	sld [smem:$0x0];
	_ =	sdelay $0x2  }
0xb9: {  	s31 =	sshll.u32 s1, $0xD;
	s1 =	sshrl.u32 s1, $0x2  }
0xba: {  	s3 =	sand.u32 $0x4000, s31;
	s1 =	sadd.s32 s1, s30  }
0xbb: {  	s0 =	sor.u32 s3, s0;
	s1 =	sshll.u32 s1, $0x11  }
0xbc: {  	s0 =	sor.u32 s1, s0  }
0xbd: {  	s0 =	sadd.s32 $0x8F2B, s0  }
0xbe: {  	[sflag:s0] =	ssyncadd.remote.s32 $0x1  }
0xbf: {  	_ =	sfence.sel $0xFFFF  }
0xc0: {  	[dreg:$0x0] =	wrdreg $0xFFFFFFFF;
	(pc) =	sbr.abs _section_cstart, $3  }
0xc1: {  	[dreg:$0x1] =	wrdreg $0xFFFFFFFF  }
0xc2: {  	_ =	task.clear_ibuf [dreg:s7], $0x2FFFF;
	_ =	strace $0x9FFFFFFF  }
0xc3: {  	(tm) =	ssettm $0x7FFFFFFF  }
tec
execute0_lowered:
.L_overlay_start_1:
0x0: {  	(tag) =	ssettag $0x1  }
0x1: {  	s1 =	rddreg [dreg:$0x0]  }
0x2: {  	s0 =	srdreg.scid;
	s2 =	rddreg [dreg:$0x1]  }
0x3: {  	s9 =	stileid.u32;
	s3 =	rddreg [dreg:$0x2]  }
0x4: {  	s4 =	simm.s32 $0x0;
	s17 =	simm.s32 $0x1500;
	s18 =	simm.s32 $0x8  }
0x5: {  	s19 =	simm.s32 $0x7;
	s20 =	simm.s32 $0x1400;
	s6 =	smul.u32 $0x1400, s9  }
0x6: {  	s21 =	simm.s32 $0x80;
	s28 =	simm.s32 $0x2;
	s8 =	smul.u32 $0x14000, s9  }
0x7: {  	s29 =	simm.s32 $0x6;
	s0 =	sand.u32 $0x1, s0;
	s9 =	smul.u32 $0x50000, s9  }
0x8: {  	s30 =	simm.s32 $0x4;
	s31 =	simm.s32 $0x0;
	s5 =	smul.u32 $0x14000, s0  }
0x9: {  	[smem:$0x7FF] =	sst s4;
	s7 =	smul.u32 $0x140000, s0;
	s0 =	ssub.s32 $0x2, s0  }
0xa: {  	_ =	strace $0x8000004D;
	s22 =	sshrl.u32 s9, $0x2;
	s23 =	sshrl.u32 s0, $0x1  }
0xb: {  	s5 =	sadd.s32 s6, s5;
	s6 =	sadd.s32 $0x1E00, s2;
	s7 =	sadd.s32 s8, s7  }
0xc: {  	s0 =	ssub.s32 s0, s23;
	s12 =	sshrl.u32 s5, $0x3;
	s7 =	sshrl.u32 s7, $0x3  }
0xd: {  	s13 =	sadd.s32 s12, s2;
	s2 =	sadd.s32 s7, s2;
	s7 =	sadd.s32 s22, s3  }
0xe: {  	s23 =	simm.s32 $0x5500;
	s16 =	smax.u32 s0, $0x1;
	s8 =	sadd.s32 $0x4000, s7  }
0xf: {  	s12 =	sadd.s32 s6, s12;
	s24 =	sadd.s32 $0x8000, s7;
	[dreg:$0x4] =	wrdreg s8  }
0x10: {  	s22 =	simm.s32 $0x1480;
	s25 =	sadd.s32 $0xC000, s7;
	[dreg:$0x5] =	wrdreg s24  }
0x11: {  	s26 =	sadd.s32 $0x10000, s7;
	s13 =	sadd.s32 $0xB0E00, s13;
	[dreg:$0x6] =	wrdreg s25  }
0x12: {  	s14 =	sadd.s32 $0x10, s12;
	s15 =	sadd.s32 $0x6E00, s2;
	[dreg:$0x7] =	wrdreg s26  }
0x13: {  	v0 =	vimm.f32 $0.0e+00;
	s24 =	simm.s32 $0x1;
	s25 =	simm.s32 $0x5;
	s26 =	simm.s32 $0x3  }
.LBB2_1:
0x14: {  	s0 =	simm.s32 $0x0;
	s2 =	simm.s32 $0x200  }
.LBB2_2:
0x15: {  	p0 =	sne.s32 s2, $0xFE00;
	[tilespmem:s0+$0x1570] =	vst v0  }
0x16: {  	[tilespmem:s0+$0x1500] =	vst v0  }
0x17: {  	[tilespmem:s0+$0x1510] =	vst v0  }
.Ltmp0:
0x18: {  	[tilespmem:s0+$0x1520] =	vst v0;
	(pc) =	sbr.rel @p0 .LBB2_2-.Ltmp0, $4  }
0x19: {  	[tilespmem:s0+$0x1530] =	vst v0  }
0x1a: {  	[tilespmem:s0+$0x1540] =	vst v0  }
0x1b: {  	[tilespmem:s0+$0x1550] =	vst v0  }
0x1c: {  	[tilespmem:s0+$0x1560] =	vst v0;
	s0 =	sshra.s32 s2, $0x2;
	s2 =	sadd.s32 $0x200, s2  }
0x1d: {  	[tilespmem:s0+$0x1570] =	vst v0  }
0x1e: {  	[tilespmem:s0+$0x1500] =	vst v0  }
0x1f: {  	[tilespmem:s0+$0x1510] =	vst v0  }
0x20: {  	[tilespmem:s0+$0x1520] =	vst v0  }
0x21: {  	[tilespmem:s0+$0x1530] =	vst v0  }
0x22: {  	[tilespmem:s0+$0x1540] =	vst v0  }
0x23: {  	[tilespmem:s0+$0x1550] =	vst v0  }
0x24: {  	[tilespmem:s0+$0x1560] =	vst v0  }
0x25: {  	[spmem:s7] =	stream.linear.scatter [tilespmem:s17], [sflag:$0x7], $0x4000, $0x38;
	[tilespmem:$0x1D500] =	vst v63  }
0x26: {  	s9 =	rddreg [dreg:$0x4]  }
0x27: {  	[spmem:s9] =	stream.linear.scatter [tilespmem:s17], [sflag:$0x7], $0x4000, $0x38;
	[tilespmem:$0x1D500] =	vst v63  }
0x28: {  	s10 =	rddreg [dreg:$0x5]  }
0x29: {  	[spmem:s10] =	stream.linear.scatter [tilespmem:s17], [sflag:$0x7], $0x4000, $0x38;
	[tilespmem:$0x1D500] =	vst v63  }
0x2a: {  	s11 =	rddreg [dreg:$0x6]  }
0x2b: {  	[spmem:s11] =	stream.linear.scatter [tilespmem:s17], [sflag:$0x7], $0x4000, $0x38;
	[tilespmem:$0x1D500] =	vst v63  }
0x2c: {  	s2 =	rddreg [dreg:$0x7]  }
0x2d: {  	[spmem:s2] =	stream.linear.scatter [tilespmem:s17], [sflag:$0x7], $0x4000, $0x38;
	[tilespmem:$0x1D500] =	vst v63  }
0x2e: {  	_ = 	snop  }
0x2f: {  	[tilespmem:s4], [sflag:$0x8] =	stream.linear.gather [hbm4b:s13+s4], $0x1400, $0x38;
	[tilespmem:$0x1D500] =	vst v63  }
0x30: {  	_ =	swait.ge [sflag:s18], $0x1400  }
0x31: {  	[sflag:s18] =	ssyncset.done $0x0  }
0x32: {  	[sflag:s18] =	ssyncadd.s32 $0xFFFFEC00  }
0x33: {  	_ =	swait.ge [sflag:s19], $0x4000  }
0x34: {  	[sflag:s19] =	ssyncset.done $0x0  }
0x35: {  	[sflag:s19] =	ssyncadd.s32 $0xFFFFC000  }
0x36: {  	_ =	swait.ge [sflag:s19], $0x4000  }
0x37: {  	[sflag:s19] =	ssyncset.done $0x0  }
0x38: {  	[sflag:s19] =	ssyncadd.s32 $0xFFFFC000  }
0x39: {  	_ =	swait.ge [sflag:s19], $0x4000  }
0x3a: {  	[sflag:s19] =	ssyncset.done $0x0  }
0x3b: {  	[sflag:s19] =	ssyncadd.s32 $0xFFFFC000  }
0x3c: {  	_ =	swait.ge [sflag:s19], $0x4000  }
0x3d: {  	[sflag:s19] =	ssyncset.done $0x0  }
0x3e: {  	[sflag:s19] =	ssyncadd.s32 $0xFFFFC000  }
0x3f: {  	_ =	swait.ge [sflag:s19], $0x4000  }
0x40: {  	[sflag:s19] =	ssyncset.done $0x0  }
0x41: {  	[sflag:s19] =	ssyncadd.s32 $0xFFFFC000  }
0x42: {  	[tilespmem:s20], [sflag:$0x5] =	stream.linear.gather [hbm4b:s12+s4], $0x80, $0x38;
	[tilespmem:$0x1D500] =	vst v63  }
0x43: {  	_ = 	snop  }
0x44: {  	[tilespmem:s17], [sflag:$0x1] =	stream.indirect.gather [hbm4b:s1+s21], $0x80, s4, s21, $0xb8;
	[tilespmem:$0x1D500] =	vst v63  }
0x45: {  	_ = 	snop  }
0x46: {  	[tilespmem:s22], [sflag:$0x6] =	stream.linear.gather [hbm4b:s14+s4], $0x80, $0x38;
	[tilespmem:$0x1D500] =	vst v63  }
0x47: {  	_ = 	snop  }
0x48: {  	[tilespmem:s23], [sflag:$0x2] =	stream.indirect.gather [hbm4b:s1+s21], $0x80, s21, s21, $0xb8;
	[tilespmem:$0x1D500] =	vst v63  }
0x49: {  	[bflag:$0x0] =	sbarrier.arrive $0xFFFF  }
0x4a: {  	_ =	swait.ge [sflag:s24], $0x4000  }
0x4b: {  	[sflag:s24] =	ssyncset.done $0x0  }
0x4c: {  	[sflag:s24] =	ssyncadd.s32 $0xFFFFC000  }
0x4d: {  	s8 =	simm.s32 $0x100;
	_ =	swait.ge [sflag:s25], $0x80  }
0x4e: {  	s2 =	sand.u32 $0x3C00, s8;
	[sflag:s25] =	ssyncset.done $0x0  }
0x4f: {  	s0 =	sand.u32 $0x300, s8;
	s2 =	sadd.s32 s5, s2;
	[sflag:s25] =	ssyncadd.s32 $0xFFFFFF80  }
0x50: {  	[spmem:s3] =	stream.indirect.scatter.add.f32 [tilespmem:s17], [sflag:$0x3], $0x80, s20, s21, $0xb8;
	[tilespmem:$0x1D500] =	vst v63  }
0x51: {  	s0 =	sor.u32 s0, s2;
	_ =	swait.ge [sflag:s26], $0x4000  }
0x52: {  	s0 =	sshrl.u32 s0, $0x3;
	[sflag:s26] =	ssyncset.done $0x0  }
0x53: {  	s0 =	sadd.s32 s6, s0;
	[sflag:s26] =	ssyncadd.s32 $0xFFFFC000  }
0x54: {  	[tilespmem:s20], [sflag:$0x5] =	stream.linear.gather [hbm4b:s0+s4], $0x80, $0x38;
	[tilespmem:$0x1D500] =	vst v63  }
0x55: {  	s9 =	simm.s32 $0x100  }
0x56: {  	[tilespmem:s17], [sflag:$0x1] =	stream.indirect.gather [hbm4b:s1+s21], $0x80, s9, s21, $0xb8;
	[tilespmem:$0x1D500] =	vst v63  }
0x57: {  	_ =	swait.ge [sflag:s28], $0x4000  }
0x58: {  	[sflag:s28] =	ssyncset.done $0x0  }
0x59: {  	[sflag:s28] =	ssyncadd.s32 $0xFFFFC000  }
0x5a: {  	s10 =	simm.s32 $0x180;
	_ =	swait.ge [sflag:s29], $0x80  }
0x5b: {  	s11 =	sand.u32 $0x3C00, s10;
	[sflag:s29] =	ssyncset.done $0x0  }
0x5c: {  	s2 =	sadd.s32 s5, s11;
	s0 =	sand.u32 $0x380, s10;
	[sflag:s29] =	ssyncadd.s32 $0xFFFFFF80  }
0x5d: {  	[spmem:s3] =	stream.indirect.scatter.add.f32 [tilespmem:s23], [sflag:$0x4], $0x80, s22, s21, $0xb8;
	[tilespmem:$0x1D500] =	vst v63  }
0x5e: {  	s0 =	sor.u32 s0, s2;
	_ =	swait.ge [sflag:s30], $0x4000  }
0x5f: {  	s0 =	sshrl.u32 s0, $0x3;
	[sflag:s30] =	ssyncset.done $0x0  }
0x60: {  	s0 =	sadd.s32 s6, s0;
	[sflag:s30] =	ssyncadd.s32 $0xFFFFC000  }
0x61: {  	[tilespmem:s22], [sflag:$0x6] =	stream.linear.gather [hbm4b:s0+s4], $0x80, $0x38;
	[tilespmem:$0x1D500] =	vst v63  }
0x62: {  	s8 =	simm.s32 $0x200;
	s2 =	simm.s32 $0x280;
	s0 =	simm.s32 $0x180  }
.LBB2_4:
0x63: {  	s9 =	sadd.s32 $0x80, s8  }
0x64: {  	p0 =	sne.s32 s2, $0x1380;
	s10 =	smov.u32 s2;
	s2 =	sadd.s32 $0x100, s2  }
0x65: {  	[tilespmem:s23], [sflag:$0x2] =	stream.indirect.gather [hbm4b:s1+s21], $0x80, s0, s21, $0xb8;
	[tilespmem:$0x1D500] =	vst v63  }
0x66: {  	s0 =	smov.u32 s9;
	_ =	swait.ge [sflag:s24], $0x4000  }
0x67: {  	[sflag:s24] =	ssyncset.done $0x0  }
0x68: {  	[sflag:s24] =	ssyncadd.s32 $0xFFFFC000  }
0x69: {  	_ =	swait.ge [sflag:s25], $0x80  }
0x6a: {  	s9 =	sadd.s32 $0xFFFFFF80, s10;
	[sflag:s25] =	ssyncset.done $0x0  }
0x6b: {  	s11 =	sand.u32 $0x3C00, s9;
	s9 =	sand.u32 $0x300, s9;
	[sflag:s25] =	ssyncadd.s32 $0xFFFFFF80  }
0x6c: {  	[spmem:s3] =	stream.indirect.scatter.add.f32 [tilespmem:s17], [sflag:$0x3], $0x80, s20, s21, $0xb8;
	[tilespmem:$0x1D500] =	vst v63  }
0x6d: {  	s11 =	sadd.s32 s5, s11;
	_ =	swait.ge [sflag:s26], $0x4000  }
0x6e: {  	s9 =	sor.u32 s9, s11;
	[sflag:s26] =	ssyncset.done $0x0  }
0x6f: {  	s9 =	sshrl.u32 s9, $0x3;
	[sflag:s26] =	ssyncadd.s32 $0xFFFFC000  }
0x70: {  	s9 =	sadd.s32 s6, s9  }
0x71: {  	[tilespmem:s20], [sflag:$0x5] =	stream.linear.gather [hbm4b:s9+s4], $0x80, $0x38;
	[tilespmem:$0x1D500] =	vst v63  }
0x72: {  	_ = 	snop  }
0x73: {  	[tilespmem:s17], [sflag:$0x1] =	stream.indirect.gather [hbm4b:s1+s21], $0x80, s8, s21, $0xb8;
	[tilespmem:$0x1D500] =	vst v63  }
0x74: {  	_ =	swait.ge [sflag:s28], $0x4000  }
0x75: {  	[sflag:s28] =	ssyncset.done $0x0  }
0x76: {  	[sflag:s28] =	ssyncadd.s32 $0xFFFFC000  }
0x77: {  	_ =	swait.ge [sflag:s29], $0x80  }
0x78: {  	s9 =	sand.u32 $0x3C00, s10;
	[sflag:s29] =	ssyncset.done $0x0  }
0x79: {  	s10 =	sand.u32 $0x380, s10;
	s9 =	sadd.s32 s5, s9;
	[sflag:s29] =	ssyncadd.s32 $0xFFFFFF80  }
0x7a: {  	[spmem:s3] =	stream.indirect.scatter.add.f32 [tilespmem:s23], [sflag:$0x4], $0x80, s22, s21, $0xb8;
	[tilespmem:$0x1D500] =	vst v63  }
.Ltmp1:
0x7b: {  	_ = 	snop;
	(pc) =	sbr.rel @p0 .LBB2_4-.Ltmp1, $4  }
0x7c: {  	s9 =	sor.u32 s10, s9;
	_ =	swait.ge [sflag:s30], $0x4000  }
0x7d: {  	s9 =	sshrl.u32 s9, $0x3;
	[sflag:s30] =	ssyncset.done $0x0  }
0x7e: {  	s8 =	sadd.s32 $0x100, s8;
	s9 =	sadd.s32 s6, s9;
	[sflag:s30] =	ssyncadd.s32 $0xFFFFC000  }
0x7f: {  	[tilespmem:s22], [sflag:$0x6] =	stream.linear.gather [hbm4b:s9+s4], $0x80, $0x38;
	[tilespmem:$0x1D500] =	vst v63  }
0x80: {  	[tilespmem:s23], [sflag:$0x2] =	stream.indirect.gather [hbm4b:s1+s21], $0x80, s0, s21, $0xb8;
	[tilespmem:$0x1D500] =	vst v63  }
0x81: {  	_ =	swait.ge [sflag:s24], $0x4000  }
0x82: {  	[sflag:s24] =	ssyncset.done $0x0  }
0x83: {  	[sflag:s24] =	ssyncadd.s32 $0xFFFFC000  }
0x84: {  	_ =	swait.ge [sflag:s25], $0x80  }
0x85: {  	[sflag:s25] =	ssyncset.done $0x0  }
0x86: {  	[sflag:s25] =	ssyncadd.s32 $0xFFFFFF80  }
0x87: {  	[spmem:s3] =	stream.indirect.scatter.add.f32 [tilespmem:s17], [sflag:$0x3], $0x80, s20, s21, $0xb8;
	[tilespmem:$0x1D500] =	vst v63  }
0x88: {  	_ =	swait.ge [sflag:s28], $0x4000  }
0x89: {  	[sflag:s28] =	ssyncset.done $0x0  }
0x8a: {  	[sflag:s28] =	ssyncadd.s32 $0xFFFFC000  }
0x8b: {  	_ =	swait.ge [sflag:s29], $0x80  }
0x8c: {  	[sflag:s29] =	ssyncset.done $0x0  }
0x8d: {  	[sflag:s29] =	ssyncadd.s32 $0xFFFFFF80  }
0x8e: {  	[spmem:s3] =	stream.indirect.scatter.add.f32 [tilespmem:s23], [sflag:$0x4], $0x80, s22, s21, $0xb8;
	[tilespmem:$0x1D500] =	vst v63  }
0x8f: {  	_ =	swait.ge [sflag:s26], $0x4000  }
0x90: {  	[sflag:s26] =	ssyncset.done $0x0  }
0x91: {  	[sflag:s26] =	ssyncadd.s32 $0xFFFFC000  }
0x92: {  	s11 =	stileid.u32;
	_ =	swait.ge [sflag:s30], $0x4000  }
0x93: {  	s2 =	sshrl.u32 s7, $0x3;
	s31 =	sadd.s32 $0x1, s31;
	[sflag:s30] =	ssyncset.done $0x0  }
0x94: {  	s0 =	sshll.u32 s11, $0x6;
	p0 =	sne.s32 s31, s16;
	[sflag:s30] =	ssyncadd.s32 $0xFFFFC000  }
.Ltmp2:
0x95: {  	s0 =	sor.u32 $0x1C08, s0;
	[bflag:$0x0] =	sbarrier.arrive $0xFFFF;
	(pc) =	sbr.rel @p0 .LBB2_1-.Ltmp2, $4  }
0x96: {  	[hbm:s15], [sflag:s0] =	dma.local [spmem:s2], $0x2800  }
0x97: {  	_ =	swait.ge [sflag:s18], $0x2800  }
0x98: {  	[sflag:s18] =	ssyncset.done $0x0  }
0x99: {  	[sflag:s18] =	ssyncadd.s32 $0xFFFFD800  }
0x9a: {  	_ =	sfence.sel $0x180000  }
0x9b: {  	[bflag:$0x0] =	sbarrier.arrive $0xFFFF  }
0x9c: {  	_ =	strace $0x9000004D  }
0x9d: {  	s0 =	stileid.u32;
	[bflag:$0x2] =	sbarrier.arrive $0xFFFF  }
0x9e: {  	p0 =	sne.s32 s0, $0x0;
	s0 =	rddreg [dreg:$0x3]  }
0x9f: {  	s0 =	sadd.s32 @!p0 $0x100000, s0  }
0xa0: {  	[sflag:s0] =	ssyncadd.tile.s32 @!p0 $0x1;
	_ =	shalt  }
.Lfunc_end2:
_tile_overlayer_lowered:
.L_overlay_start_2:
0xa1: {  	(tag) =	ssettag $0x2  }
0xa2: {  	s0 =	rddreg [dreg:$0x0];
	s2 =	stileid.u32  }
0xa3: {  	s1 =	rddreg [dreg:$0x1];
	p0 =	sne.s32 s2, $0x0  }
0xa4: {  	s3 =	rddreg [dreg:$0x2];
	[bflag:$0x3] =	sbarrier.arrive $0xFFFF;
	s2 =	simm.s32 @!p0 $0x1C08  }
0xa5: {  	[timem:s3], [sflag:s2] =	dma.local @!p0 [hbm:s0], s1  }
0xa6: {  	s0 =	simm.s32 @!p0 $0x8  }
0xa7: {  	_ =	swait.ge @!p0 [sflag:s0], s1  }
0xa8: {  	s1 =	ssub.s32 @!p0 $0x0, s1;
	[sflag:s0] =	ssyncset.done @!p0 $0x0  }
0xa9: {  	[sflag:s0] =	ssyncadd.s32 @!p0 s1  }
0xaa: {  	[bflag:$0x3] =	sbarrier.arrive $0xFFFF  }
0xab: {  	_ =	shalt  }

// kernel: kernel.9.cloned.1.call-start
scs
__scs_entry_jumppad:
0x0: {  	(pc) =	sbr.rel $0x88, $3  }
0x1: {  	(tag) =	ssettag $0x0;
	lr =	simm.s32 $0x1  }
0x2: {  	[smem:$0x3F9B] =	sst lr;
	_ =	strace $0xD0000000  }
0x3: {  	_ = 	snop  }
0x4: {  	_ = 	snop  }
0x5: {  	_ = 	snop  }
0x6: {  	_ = 	snop  }
0x7: {  	_ = 	snop  }
__scs_overlays_trampoline_lowered:
0x8: {  	[smem:$0x3FAA] =	sst s0  }
0x9: {  	[smem:$0x3FAB] =	sst s1  }
0xa: {  	[smem:$0x3FAC] =	sst s2  }
0xb: {  	[smem:$0x3FAD] =	sst s3  }
0xc: {  	[smem:$0x3FAE] =	sst s4  }
0xd: {  	[smem:$0x3FAF] =	sst s5  }
0xe: {  	[smem:$0x3FB0] =	sst s6  }
0xf: {  	[smem:$0x3FB1] =	sst s7  }
0x10: {  	[smem:$0x3FB2] =	sst s8  }
0x11: {  	[smem:$0x3FB3] =	sst s9;
	s0 =	simm.s32 @!p0 $0x0  }
0x12: {  	s1 =	sld [smem:$0x3F99];
	s0 =	simm.s32 @p0 $0x1  }
0x13: {  	[smem:$0x3FB4] =	sst s0;
	s0 =	simm.s32 @!p1 $0x0  }
0x14: {  	s2 =	sld [smem:$0x3F98];
	s0 =	simm.s32 @p1 $0x1  }
0x15: {  	[smem:$0x3FB5] =	sst s0;
	s0 =	simm.s32 @!p2 $0x0  }
0x16: {  	s3 =	sld [smem:$0x3FDB];
	s0 =	simm.s32 @p2 $0x1  }
0x17: {  	s4 =	simm.s32 $0x1BF5;
	[smem:$0x3FB7] =	sst s0  }
0x18: {  	s0 =	sld [smem:$0x3F9A];
	_ =	swait.ge [sflag:s4], $0x0  }
0x19: {  	s7 =	sld [smem:$0x3F9B]  }
0x1a: {  	s8 =	sadd.s32 $0xFFFFE003, lr  }
0x1b: {  	s9 =	sadd.s32 $0xFFFFFEF7, lr;
	s5 =	simm.s32 $0xFFFFFFFF;
	p2 =	slt.u32 s8, $0xFFFFF086  }
0x1c: {  	p1 =	slt.u32 s9, $0xF7A;
	s5 =	simm.s32 @!p2 $0x0  }
0x1d: {  	s5 =	simm.s32 @p1 $0x1;
	p0 =	seq.s32 s7, s2  }
0x1e: {  	s7 =	smul.u32 @!p0 $0xF7A, s2;
	p2 =	seq.s32 @!p0 s5, $0x0  }
0x1f: {  	s9 =	smul.u32 $0xF7A, s1;
	s8 =	simm.s32 @!p0 $0x1BF5;
	p2 =	por !p2, p0  }
0x20: {  	[sflag:s8] =	ssyncset.s32 @!p0 $0xFFFFF086;
	s6 =	sadd.s32 @!p0 s3, s7;
	s7 =	simm.s32 @!p0 $0x108  }
0x21: {  	s3 =	sadd.s32 s3, s9;
	s6 =	sadd.s32 @!p0 $0x88, s6;
	s7 =	simm.s32 @p2 $0x1082  }
0x22: {  	[simem:s7], [sflag:s8] =	dma.local @!p0 [hbm:s6], $0xF7A  }
0x23: {  	s9 =	sor.u32 $0xD0000000, s2;
	s6 =	simm.s32 $0x108;
	_ =	swait.ge @!p0 [sflag:s8], $0x0  }
0x24: {  	s3 =	sadd.s32 $0x88, s3;
	s6 =	simm.s32 @!p1 $0x1082;
	[sflag:s4] =	ssyncset.s32 $0xFFFFF086  }
0x25: {  	[simem:s6], [sflag:s4] =	dma.local [hbm:s3], $0xF7A  }
0x26: {  	[smem:$0x3F9B] =	sst s1;
	(tag) =	ssettag s2;
	_ =	strace s9  }
0x27: {  	s1 =	sld [smem:$0x3FAB]  }
0x28: {  	s2 =	sld [smem:$0x3FAC]  }
0x29: {  	s4 =	sld [smem:$0x3FAE]  }
0x2a: {  	p0 =	seq.s32 s5, $0x0;
	s5 =	sld [smem:$0x3FAF]  }
0x2b: {  	s6 =	sld [smem:$0x3FB0]  }
0x2c: {  	s7 =	sld [smem:$0x3FB1]  }
0x2d: {  	s3 =	simm.s32 $0x108;
	s8 =	sld [smem:$0x3FB2]  }
0x2e: {  	s3 =	simm.s32 @!p0 $0x1082;
	s9 =	sld [smem:$0x3FB3]  }
0x2f: {  	lr =	sadd.s32 s0, s3;
	s0 =	sld [smem:$0x3FAA]  }
0x30: {  	s3 =	sld [smem:$0x3FAD]  }
0x31: {  	[smem:$0x3FB6] =	sst s10  }
0x32: {  	s10 =	sld [smem:$0x3FB4];
	_ =	sdelay $0x3  }
0x33: {  	p0 =	seq.s32 s10, $0x1;
	s10 =	sld [smem:$0x3FB6];
	_ =	sdelay $0x3  }
0x34: {  	[smem:$0x3FB6] =	sst s10  }
0x35: {  	s10 =	sld [smem:$0x3FB5];
	_ =	sdelay $0x3  }
0x36: {  	p1 =	seq.s32 s10, $0x1;
	s10 =	sld [smem:$0x3FB6];
	_ =	sdelay $0x3  }
0x37: {  	[smem:$0x3FB6] =	sst s10  }
0x38: {  	s10 =	sld [smem:$0x3FB7]  }
0x39: {  	_ = 	snop;
	(pc) =	sbr.ind lr, $3  }
0x3a: {  	_ = 	snop  }
0x3b: {  	_ = 	snop  }
0x3c: {  	p2 =	seq.s32 s10, $0x1;
	s10 =	sld [smem:$0x3FB6]  }
0x3d: {  	_ =	shalt  }
0x3e: {  	_ =	shalt  }
0x3f: {  	_ =	shalt  }
0x40: {  	_ =	shalt  }
0x41: {  	_ =	shalt  }
0x42: {  	_ =	shalt  }
0x43: {  	_ =	shalt  }
0x44: {  	_ =	shalt  }
0x45: {  	_ =	shalt  }
0x46: {  	_ =	shalt  }
0x47: {  	_ =	shalt  }
0x48: {  	_ =	shalt  }
0x49: {  	_ =	shalt  }
0x4a: {  	_ =	shalt  }
0x4b: {  	_ =	shalt  }
0x4c: {  	_ =	shalt  }
0x4d: {  	_ =	shalt  }
0x4e: {  	_ =	shalt  }
0x4f: {  	_ =	shalt  }
0x50: {  	_ =	shalt  }
0x51: {  	_ =	shalt  }
0x52: {  	_ =	shalt  }
0x53: {  	_ =	shalt  }
0x54: {  	_ =	shalt  }
0x55: {  	_ =	shalt  }
0x56: {  	_ =	shalt  }
0x57: {  	_ =	shalt  }
0x58: {  	_ =	shalt  }
0x59: {  	_ =	shalt  }
0x5a: {  	_ =	shalt  }
0x5b: {  	_ =	shalt  }
0x5c: {  	_ =	shalt  }
0x5d: {  	_ =	shalt  }
0x5e: {  	_ =	shalt  }
0x5f: {  	_ =	shalt  }
0x60: {  	_ =	shalt  }
0x61: {  	_ =	shalt  }
0x62: {  	_ =	shalt  }
0x63: {  	_ =	shalt  }
0x64: {  	_ =	shalt  }
0x65: {  	_ =	shalt  }
0x66: {  	_ =	shalt  }
0x67: {  	_ =	shalt  }
0x68: {  	_ =	shalt  }
0x69: {  	_ =	shalt  }
0x6a: {  	_ =	shalt  }
0x6b: {  	_ =	shalt  }
0x6c: {  	_ =	shalt  }
0x6d: {  	_ =	shalt  }
0x6e: {  	_ =	shalt  }
0x6f: {  	_ =	shalt  }
0x70: {  	_ =	shalt  }
0x71: {  	_ =	shalt  }
0x72: {  	_ =	shalt  }
0x73: {  	_ =	shalt  }
0x74: {  	_ =	shalt  }
0x75: {  	_ =	shalt  }
0x76: {  	_ =	shalt  }
0x77: {  	_ =	shalt  }
0x78: {  	_ =	shalt  }
0x79: {  	_ =	shalt  }
0x7a: {  	_ =	shalt  }
0x7b: {  	_ =	shalt  }
0x7c: {  	_ =	shalt  }
0x7d: {  	_ =	shalt  }
0x7e: {  	_ =	shalt  }
0x7f: {  	_ =	shalt  }
0x80: {  	_ =	shalt  }
0x81: {  	_ =	shalt  }
0x82: {  	_ =	shalt  }
0x83: {  	_ =	shalt  }
0x84: {  	_ =	shalt  }
0x85: {  	_ =	shalt  }
0x86: {  	_ =	shalt  }
0x87: {  	_ =	shalt  }
.Lfunc_end0:
.L_simem_size_0:
called_computation_lowered:
.L_overlay_start_0:
0x88: {  	s2 =	sld [smem:$0x3FD9]  }
0x89: {  	s3 =	sld [smem:$0x3FFE];
	_ =	sdelay $0x1  }
0x8a: {  	s1 =	srdreg.scid  }
0x8b: {  	s0 =	sand.u32 $0x1, s1  }
0x8c: {  	s16 =	sshll.u32 s0, $0xA;
	s2 =	sadd.s32 s3, s2  }
0x8d: {  	s2 =	sadd.s32 s2, s16  }
0x8e: {  	[smem:$0x3FC2] =	sst s2  }
0x8f: {  	_ = 	snop  }
0x90: {  	(tm) =	ssettm $0x1  }
0x91: {  	s17 =	sld [smem:$0x3FFB];
	_ =	sdelay $0x3  }
0x92: {  	_ =	strace s17  }
0x93: {  	s2 =	sld [smem:$0x3FFC];
	_ =	sdelay $0x3  }
0x94: {  	_ =	strace s2  }
0x95: {  	s2 =	sld [smem:$0x3FFD];
	_ =	sdelay $0x3  }
0x96: {  	_ =	strace s2  }
0x97: {  	_ =	strace $0x8FFFFFFF  }
0x98: {  	s18 =	sld [smem:$0x3FDB];
	_ =	sdelay $0x1  }
0x99: {  	s19 =	simm.s32 $_scs_section_size  }
0x9a: {  	s4 =	simm.s32 $_size__tile_overlayer_lowered;
	s5 =	simm.s32 $_tile_overlayer_lowered  }
0x9b: {  	s22 =	simm.s32 $0x1BFF;
	s21 =	sshll.u32 s5, $0x1;
	s2 =	sadd.s32 s19, s18  }
0x9c: {  	s6 =	simm.s32 $0x0;
	s20 =	sshll.u32 s4, $0x1;
	s4 =	sadd.s32 s21, s2  }
0x9d: {  	[timem:s6], [sflag:s22] =	dma.local [hbm:s4], s20  }
0x9e: {  	_ =	swait.ge [sflag:s22], s20  }
0x9f: {  	s3 =	ssub.s32 $0x0, s20;
	[sflag:s22] =	ssyncset.done $0x0  }
0xa0: {  	[sflag:s22] =	ssyncadd.s32 s3;
	_ =	sdelay $0x1  }
0xa1: {  	s23 =	simm.s32 $0x1B8B  }
0xa2: {  	_ =	swait.ge [sflag:s23], $0x1  }
0xa3: {  	[sflag:s23] =	ssyncset.done $0x0  }
0xa4: {  	s25 =	simm.s32 $0x1B8E;
	s24 =	sld [smem:$0x3FFE];
	[sflag:s23] =	ssyncadd.s32 $0xFFFFFFFF  }
0xa5: {  	s26 =	simm.s32 $execute0_lowered;
	[smem:$0x3FD2] =	sst s25  }
0xa6: {  	s4 =	sshll.u32 s26, $0x1;
	_ =	strace $0x80000046;
	[dreg:$0x1] =	wrdreg $0xFFFFFFFF  }
0xa7: {  	s28 =	simm.s32 $_size_execute0_lowered;
	s2 =	sadd.s32 s2, s4;
	[dreg:$0x0] =	wrdreg $0x0  }
0xa8: {  	s4 =	sshll.u32 s28, $0x1;
	[dreg:$0x2] =	wrdreg s2  }
0xa9: {  	[dreg:$0x3] =	wrdreg s4  }
0xaa: {  	[dreg:$0x4] =	wrdreg $0xC0  }
0xab: {  	_ =	task [dreg:s6], $0x5FFFF  }
0xac: {  	[dreg:$0x1] =	wrdreg $0xFFFFFFFF  }
0xad: {  	[dreg:$0x0] =	wrdreg $0x60  }
0xae: {  	[dreg:$0x2] =	wrdreg s24  }
0xaf: {  	[dreg:$0x3] =	wrdreg $0x82000  }
0xb0: {  	[dreg:$0x4] =	wrdreg $0x9  }
0xb1: {  	_ =	task.clear_ibuf [dreg:s6], $0x5FFFF;
	_ =	strace $0x90000046  }
0xb2: {  	s29 =	simm.s32 $0x9;
	_ =	strace $0x80000048  }
0xb3: {  	_ =	swait.ge [sflag:s29], $0x1  }
0xb4: {  	[sflag:s29] =	ssyncadd.s32 $0xFFFFFFFF  }
0xb5: {  	_ =	strace $0x90000048  }
0xb6: {  	_ =	sfence  }
0xb7: {  	s30 =	sld [smem:$0x0];
	_ =	sdelay $0x2  }
0xb8: {  	s31 =	sshll.u32 s1, $0xD;
	s1 =	sshrl.u32 s1, $0x2  }
0xb9: {  	s3 =	sand.u32 $0x4000, s31;
	s1 =	sadd.s32 s1, s30  }
0xba: {  	s0 =	sor.u32 s3, s0;
	s1 =	sshll.u32 s1, $0x11  }
0xbb: {  	s0 =	sor.u32 s1, s0  }
0xbc: {  	s0 =	sadd.s32 $0x8F2B, s0  }
0xbd: {  	[sflag:s0] =	ssyncadd.remote.s32 $0x1  }
0xbe: {  	_ =	sfence.sel $0xFFFF  }
0xbf: {  	[dreg:$0x0] =	wrdreg $0xFFFFFFFF;
	(pc) =	sbr.abs _section_cstart, $3  }
0xc0: {  	[dreg:$0x1] =	wrdreg $0xFFFFFFFF  }
0xc1: {  	_ =	task.clear_ibuf [dreg:s6], $0x2FFFF;
	_ =	strace $0x9FFFFFFF  }
0xc2: {  	(tm) =	ssettm $0x7FFFFFFF  }
0xc3: {  	_ =	shalt  }
tec
execute0_lowered:
.L_overlay_start_1:
0x0: {  	(tag) =	ssettag $0x1  }
0x1: {  	s0 =	srdreg.scid  }
0x2: {  	s1 =	rddreg [dreg:$0x0];
	s8 =	stileid.u32  }
0x3: {  	s2 =	rddreg [dreg:$0x1];
	s3 =	simm.s32 $0x0;
	s15 =	simm.s32 $0x4200  }
0x4: {  	s16 =	simm.s32 $0x80;
	s17 =	simm.s32 $0x9;
	s18 =	simm.s32 $0x1  }
0x5: {  	s19 =	simm.s32 $0x200;
	s20 =	simm.s32 $0x100;
	s5 =	smul.u32 $0x14000, s8  }
0x6: {  	s21 =	simm.s32 $0x2;
	s22 =	simm.s32 $0x180;
	s6 =	smul.u32 $0x50000, s8  }
0x7: {  	s28 =	simm.s32 $0x7;
	s0 =	sand.u32 $0x1, s0;
	s8 =	smul.u32 $0x1400, s8  }
0x8: {  	s29 =	simm.s32 $0x8;
	s30 =	simm.s32 $0xA;
	s4 =	smul.u32 $0x140000, s0  }
0x9: {  	[smem:$0x7FF] =	sst s3;
	s23 =	smul.u32 $0x14000, s0;
	s0 =	ssub.s32 $0x2, s0  }
0xa: {  	s31 =	simm.s32 $0x0;
	_ =	strace $0x80000047;
	s24 =	sshrl.u32 s0, $0x1  }
0xb: {  	s6 =	sshrl.u32 s6, $0x2;
	s4 =	sadd.s32 s5, s4;
	s5 =	sadd.s32 s8, s23  }
0xc: {  	s0 =	ssub.s32 s0, s24;
	s6 =	sadd.s32 s6, s2;
	s23 =	simm.s32 $0x3  }
0xd: {  	s24 =	simm.s32 $0x4;
	s7 =	sshrl.u32 s4, $0x3;
	s4 =	sadd.s32 $0x1E00, s1  }
.Ltmp0:
0xe: {  	s9 =	sshrl.u32 s5, $0x3;
	s25 =	sadd.s32 $0x4000, s6;
	(pc) =	sbr.rel .LBB2_1-.Ltmp0, $4  }
0xf: {  	s26 =	sadd.s32 $0x8000, s6;
	s10 =	sadd.s32 $0xC000, s6;
	s11 =	sadd.s32 $0x10000, s6  }
0x10: {  	s14 =	smax.u32 s0, $0x1;
	s1 =	sadd.s32 s7, s1;
	[dreg:$0x3] =	wrdreg s25  }
0x11: {  	[dreg:$0x4] =	wrdreg s26;
	s9 =	sadd.s32 s4, s9;
	s25 =	simm.s32 $0x5  }
0x12: {  	v0 =	vimm.f32 $1.000000000e+00;
	v1 =	vimm.f32 $0.0e+00;
	s26 =	simm.s32 $0x6;
	s12 =	sadd.s32 $0x10, s9;
	s13 =	sadd.s32 $0x6E00, s1  }
.LBB2_8:
0x13: {  	_ =	swait.ge [sflag:s24], $0x80  }
0x14: {  	[sflag:s24] =	ssyncset.done $0x0  }
0x15: {  	[sflag:s24] =	ssyncadd.s32 $0xFFFFFF80  }
0x16: {  	[spmem:s2] =	stream.indirect.scatter.add.f32 [tilespmem:s19], [sflag:$0x8], $0x80, s22, s16, $0xb8;
	[tilespmem:$0x1C200] =	vst v63  }
0x17: {  	_ =	swait.ge [sflag:s25], $0x4000  }
0x18: {  	[sflag:s25] =	ssyncset.done $0x0  }
0x19: {  	[sflag:s25] =	ssyncadd.s32 $0xFFFFC000  }
0x1a: {  	_ =	swait.ge [sflag:s26], $0x4000  }
0x1b: {  	[sflag:s26] =	ssyncset.done $0x0  }
0x1c: {  	[sflag:s26] =	ssyncadd.s32 $0xFFFFC000  }
0x1d: {  	_ =	swait.ge [sflag:s28], $0x4000  }
0x1e: {  	[sflag:s28] =	ssyncset.done $0x0  }
0x1f: {  	[sflag:s28] =	ssyncadd.s32 $0xFFFFC000  }
0x20: {  	s0 =	stileid.u32;
	_ =	swait.ge [sflag:s29], $0x4000  }
0x21: {  	s1 =	sshrl.u32 s6, $0x3;
	s31 =	sadd.s32 $0x1, s31;
	[sflag:s29] =	ssyncset.done $0x0  }
0x22: {  	s0 =	sshll.u32 s0, $0x6;
	p0 =	sne.s32 s31, s14;
	[sflag:s29] =	ssyncadd.s32 $0xFFFFC000  }
.Ltmp1:
0x23: {  	s0 =	sor.u32 $0x1C0A, s0;
	[bflag:$0x0] =	sbarrier.arrive $0xFFFF;
	(pc) =	sbr.rel @!p0 .LBB2_9-.Ltmp1, $4  }
0x24: {  	[hbm:s13], [sflag:s0] =	dma.local [spmem:s1], $0x2800  }
0x25: {  	_ =	swait.ge [sflag:s30], $0x2800  }
0x26: {  	[sflag:s30] =	ssyncset.done $0x0  }
0x27: {  	[sflag:s30] =	ssyncadd.s32 $0xFFFFD800  }
.LBB2_1:
0x28: {  	s1 =	simm.s32 $0x0;
	s0 =	simm.s32 $0x200  }
.LBB2_2:
0x29: {  	p0 =	sne.s32 s0, $0xFE00;
	[tilespmem:s1+$0x270] =	vst v0  }
0x2a: {  	[tilespmem:s1+$0x200] =	vst v0  }
0x2b: {  	[tilespmem:s1+$0x210] =	vst v0  }
.Ltmp2:
0x2c: {  	[tilespmem:s1+$0x220] =	vst v0;
	(pc) =	sbr.rel @p0 .LBB2_2-.Ltmp2, $4  }
0x2d: {  	[tilespmem:s1+$0x230] =	vst v0  }
0x2e: {  	[tilespmem:s1+$0x240] =	vst v0  }
0x2f: {  	[tilespmem:s1+$0x250] =	vst v0  }
0x30: {  	[tilespmem:s1+$0x260] =	vst v0;
	s1 =	sshra.s32 s0, $0x2;
	s0 =	sadd.s32 $0x200, s0  }
0x31: {  	[tilespmem:s1+$0x270] =	vst v0  }
0x32: {  	[tilespmem:s1+$0x200] =	vst v0  }
0x33: {  	[tilespmem:s1+$0x210] =	vst v0  }
0x34: {  	[tilespmem:s1+$0x220] =	vst v0  }
0x35: {  	[tilespmem:s1+$0x230] =	vst v0  }
0x36: {  	[tilespmem:s1+$0x240] =	vst v0  }
0x37: {  	[tilespmem:s1+$0x250] =	vst v0  }
0x38: {  	[tilespmem:s1+$0x260] =	vst v0;
	s1 =	simm.s32 $0x0;
	s0 =	simm.s32 $0x200  }
.LBB2_4:
0x39: {  	p0 =	sne.s32 s0, $0xFE00;
	[tilespmem:s1+$0x4270] =	vst v1  }
0x3a: {  	[tilespmem:s1+$0x4200] =	vst v1  }
0x3b: {  	[tilespmem:s1+$0x4210] =	vst v1  }
.Ltmp3:
0x3c: {  	[tilespmem:s1+$0x4220] =	vst v1;
	(pc) =	sbr.rel @p0 .LBB2_4-.Ltmp3, $4  }
0x3d: {  	[tilespmem:s1+$0x4230] =	vst v1  }
0x3e: {  	[tilespmem:s1+$0x4240] =	vst v1  }
0x3f: {  	[tilespmem:s1+$0x4250] =	vst v1  }
0x40: {  	[tilespmem:s1+$0x4260] =	vst v1;
	s1 =	sshra.s32 s0, $0x2;
	s0 =	sadd.s32 $0x200, s0  }
0x41: {  	[tilespmem:s1+$0x4270] =	vst v1  }
0x42: {  	[tilespmem:s1+$0x4200] =	vst v1  }
0x43: {  	[tilespmem:s1+$0x4210] =	vst v1  }
0x44: {  	[tilespmem:s1+$0x4220] =	vst v1  }
0x45: {  	[tilespmem:s1+$0x4230] =	vst v1  }
0x46: {  	[tilespmem:s1+$0x4240] =	vst v1  }
0x47: {  	[tilespmem:s1+$0x4250] =	vst v1  }
0x48: {  	[tilespmem:s1+$0x4260] =	vst v1  }
0x49: {  	[spmem:s6] =	stream.linear.scatter [tilespmem:s15], [sflag:$0x9], $0x4000, $0x38;
	[tilespmem:$0x1C200] =	vst v63  }
0x4a: {  	s0 =	rddreg [dreg:$0x3]  }
0x4b: {  	[spmem:s0] =	stream.linear.scatter [tilespmem:s15], [sflag:$0x9], $0x4000, $0x38;
	[tilespmem:$0x1C200] =	vst v63  }
0x4c: {  	s8 =	rddreg [dreg:$0x4]  }
0x4d: {  	[spmem:s8] =	stream.linear.scatter [tilespmem:s15], [sflag:$0x9], $0x4000, $0x38;
	[tilespmem:$0x1C200] =	vst v63  }
0x4e: {  	_ = 	snop  }
0x4f: {  	[spmem:s10] =	stream.linear.scatter [tilespmem:s15], [sflag:$0x9], $0x4000, $0x38;
	[tilespmem:$0x1C200] =	vst v63  }
0x50: {  	_ = 	snop  }
0x51: {  	[spmem:s11] =	stream.linear.scatter [tilespmem:s15], [sflag:$0x9], $0x4000, $0x38;
	[tilespmem:$0x1C200] =	vst v63  }
0x52: {  	s1 =	simm.s32 $0x0  }
0x53: {  	[tilespmem:s1], [sflag:$0x1] =	stream.linear.gather [hbm4b:s9+s1], $0x80, $0x38;
	[tilespmem:$0x1C200] =	vst v63  }
0x54: {  	_ = 	snop  }
0x55: {  	[tilespmem:s16], [sflag:$0x2] =	stream.linear.gather [hbm4b:s12+s1], $0x80, $0x38;
	[tilespmem:$0x1C200] =	vst v63  }
0x56: {  	_ =	swait.ge [sflag:s17], $0x4000  }
0x57: {  	[sflag:s17] =	ssyncset.done $0x0  }
0x58: {  	[sflag:s17] =	ssyncadd.s32 $0xFFFFC000  }
0x59: {  	_ =	swait.ge [sflag:s17], $0x4000  }
0x5a: {  	[sflag:s17] =	ssyncset.done $0x0  }
0x5b: {  	[sflag:s17] =	ssyncadd.s32 $0xFFFFC000  }
0x5c: {  	_ =	swait.ge [sflag:s17], $0x4000  }
0x5d: {  	[sflag:s17] =	ssyncset.done $0x0  }
0x5e: {  	[sflag:s17] =	ssyncadd.s32 $0xFFFFC000  }
0x5f: {  	_ =	swait.ge [sflag:s17], $0x4000  }
0x60: {  	[sflag:s17] =	ssyncset.done $0x0  }
0x61: {  	[sflag:s17] =	ssyncadd.s32 $0xFFFFC000  }
0x62: {  	_ =	swait.ge [sflag:s17], $0x4000  }
0x63: {  	[sflag:s17] =	ssyncset.done $0x0  }
0x64: {  	[sflag:s17] =	ssyncadd.s32 $0xFFFFC000  }
0x65: {  	[bflag:$0x0] =	sbarrier.arrive $0xFFFF  }
.LBB2_6:
0x66: {  	_ =	swait.ge [sflag:s18], $0x80;
	s0 =	sand.u32 $0x1C00, s1;
	p0 =	seq.s32 s1, $0x0  }
0x67: {  	s7 =	sand.u32 $0x200, s1;
	[sflag:s18] =	ssyncset.done $0x0;
	s0 =	sadd.s32 s5, s0  }
0x68: {  	[sflag:s18] =	ssyncadd.s32 $0xFFFFFF80;
	s0 =	sor.u32 s7, s0;
	s7 =	simm.s32 @!p0 $0x7  }
0x69: {  	[spmem:s2] =	stream.indirect.scatter.add.f32 [tilespmem:s19], [sflag:$0x5], $0x80, s3, s16, $0xb8;
	[tilespmem:$0x1C200] =	vst v63  }
0x6a: {  	s0 =	sshrl.u32 s0, $0x3;
	_ =	swait.ge @!p0 [sflag:s7], $0x4000  }
0x6b: {  	s0 =	sadd.s32 s0, s4;
	[sflag:s7] =	ssyncset.done @!p0 $0x0  }
0x6c: {  	s8 =	sadd.s32 $0x20, s0;
	[sflag:s7] =	ssyncadd.s32 @!p0 $0xFFFFC000  }
0x6d: {  	[tilespmem:s20], [sflag:$0x3] =	stream.linear.gather [hbm4b:s8+s3], $0x80, $0x38;
	[tilespmem:$0x1C200] =	vst v63  }
0x6e: {  	_ =	swait.ge [sflag:s21], $0x80  }
0x6f: {  	[sflag:s21] =	ssyncset.done $0x0  }
0x70: {  	s7 =	simm.s32 @!p0 $0x8;
	[sflag:s21] =	ssyncadd.s32 $0xFFFFFF80  }
0x71: {  	[spmem:s2] =	stream.indirect.scatter.add.f32 [tilespmem:s19], [sflag:$0x6], $0x80, s16, s16, $0xb8;
	[tilespmem:$0x1C200] =	vst v63  }
0x72: {  	_ =	swait.ge @!p0 [sflag:s7], $0x4000  }
0x73: {  	[sflag:s7] =	ssyncset.done @!p0 $0x0  }
0x74: {  	s0 =	sadd.s32 $0x30, s0;
	[sflag:s7] =	ssyncadd.s32 @!p0 $0xFFFFC000;
	p0 =	seq.s32 s1, $0x1200  }
0x75: {  	[tilespmem:s22], [sflag:$0x4] =	stream.linear.gather [hbm4b:s0+s3], $0x80, $0x38;
	[tilespmem:$0x1C200] =	vst v63  }
.Ltmp4:
0x76: {  	_ = 	snop;
	(pc) =	sbr.rel @p0 .LBB2_8-.Ltmp4, $4  }
0x77: {  	_ =	swait.ge [sflag:s23], $0x80  }
0x78: {  	[sflag:s23] =	ssyncset.done $0x0  }
0x79: {  	[sflag:s23] =	ssyncadd.s32 $0xFFFFFF80  }
0x7a: {  	[spmem:s2] =	stream.indirect.scatter.add.f32 [tilespmem:s19], [sflag:$0x7], $0x80, s20, s16, $0xb8;
	[tilespmem:$0x1C200] =	vst v63  }
0x7b: {  	s0 =	sadd.s32 $0x200, s1  }
0x7c: {  	s7 =	sand.u32 $0x3C00, s0  }
0x7d: {  	s8 =	sand.u32 $0x200, s0;
	s7 =	sadd.s32 s5, s7  }
0x7e: {  	_ =	swait.ge [sflag:s25], $0x4000;
	s7 =	sor.u32 s8, s7  }
0x7f: {  	[sflag:s25] =	ssyncset.done $0x0;
	s7 =	sshrl.u32 s7, $0x3  }
0x80: {  	[sflag:s25] =	ssyncadd.s32 $0xFFFFC000;
	s7 =	sadd.s32 s4, s7  }
0x81: {  	[tilespmem:s3], [sflag:$0x1] =	stream.linear.gather [hbm4b:s7+s3], $0x80, $0x38;
	[tilespmem:$0x1C200] =	vst v63  }
0x82: {  	s1 =	sadd.s32 $0x280, s1;
	_ =	swait.ge [sflag:s24], $0x80  }
0x83: {  	s8 =	sand.u32 $0x3C00, s1;
	[sflag:s24] =	ssyncset.done $0x0  }
0x84: {  	s1 =	sand.u32 $0x280, s1;
	s7 =	sadd.s32 s5, s8;
	[sflag:s24] =	ssyncadd.s32 $0xFFFFFF80  }
0x85: {  	[spmem:s2] =	stream.indirect.scatter.add.f32 [tilespmem:s19], [sflag:$0x8], $0x80, s22, s16, $0xb8;
	[tilespmem:$0x1C200] =	vst v63  }
.Ltmp5:
0x86: {  	s1 =	sor.u32 s1, s7;
	_ =	swait.ge [sflag:s26], $0x4000;
	(pc) =	sbr.rel .LBB2_6-.Ltmp5, $4  }
0x87: {  	s1 =	sshrl.u32 s1, $0x3;
	[sflag:s26] =	ssyncset.done $0x0  }
0x88: {  	s1 =	sadd.s32 s4, s1;
	[sflag:s26] =	ssyncadd.s32 $0xFFFFC000  }
0x89: {  	[tilespmem:s16], [sflag:$0x2] =	stream.linear.gather [hbm4b:s1+s3], $0x80, $0x38;
	[tilespmem:$0x1C200] =	vst v63  }
0x8a: {  	s1 =	smov.u32 s0  }
.LBB2_9:
0x8b: {  	_ =	sfence.sel $0x180000  }
0x8c: {  	[bflag:$0x0] =	sbarrier.arrive $0xFFFF  }
0x8d: {  	_ =	strace $0x90000047  }
0x8e: {  	s0 =	stileid.u32;
	[bflag:$0x2] =	sbarrier.arrive $0xFFFF  }
0x8f: {  	p0 =	sne.s32 s0, $0x0;
	s0 =	rddreg [dreg:$0x2]  }
0x90: {  	s0 =	sadd.s32 @!p0 $0x100000, s0  }
0x91: {  	[sflag:s0] =	ssyncadd.tile.s32 @!p0 $0x1;
	_ =	shalt  }
.Lfunc_end2:
_tile_overlayer_lowered:
.L_overlay_start_2:
0x92: {  	(tag) =	ssettag $0x2  }
0x93: {  	s0 =	rddreg [dreg:$0x0];
	s2 =	stileid.u32  }
0x94: {  	s1 =	rddreg [dreg:$0x1];
	p0 =	sne.s32 s2, $0x0  }
0x95: {  	s3 =	rddreg [dreg:$0x2];
	[bflag:$0x3] =	sbarrier.arrive $0xFFFF;
	s2 =	simm.s32 @!p0 $0x1C0A  }
0x96: {  	[timem:s3], [sflag:s2] =	dma.local @!p0 [hbm:s0], s1  }
0x97: {  	s0 =	simm.s32 @!p0 $0xA  }
0x98: {  	_ =	swait.ge @!p0 [sflag:s0], s1  }
0x99: {  	s1 =	ssub.s32 @!p0 $0x0, s1;
	[sflag:s0] =	ssyncset.done @!p0 $0x0  }
0x9a: {  	[sflag:s0] =	ssyncadd.s32 @!p0 s1  }
0x9b: {  	[bflag:$0x3] =	sbarrier.arrive $0xFFFF  }
0x9c: {  	_ =	shalt  }

</sc_bundles>
